<compile_context>
chip_gen: v7x
topology: tpu7x:2x2x1
jax: 0.10.2.dev20260603
libtpu: 0.0.44.dev20260713+nightly
codegen_flags: <defaults>
</compile_context>

<pallas_src>
import functools

import jax
import jax.numpy as jnp
from jax import lax
from jax.experimental import pallas as pl
from jax.experimental.pallas import tpu as pltpu
from jax.experimental.pallas import tpu_sc as plsc

T, D, E, H, O, K = 2048, 768, 8, 1024, 768, 2
P = T * K
BLK = 256
NBLK = P // BLK + E
PCAP = NBLK * BLK
NW = 32
CH_B = P // NW
CH_D = T // NW
_CH = 256


def _gating_body(x_ref, wg_ref, bg_ref, dest_ref, be_ref):
    s = jnp.dot(x_ref[...], wg_ref[...], preferred_element_type=jnp.float32)
    s = s + bg_ref[...]
    ei = lax.broadcasted_iota(jnp.int32, (T, E), 1).astype(jnp.float32)
    m1 = jnp.max(s, axis=1, keepdims=True)
    i1 = jnp.min(jnp.where(s == m1, ei, float(E)), axis=1, keepdims=True)
    oh1 = (ei == i1).astype(jnp.float32)
    s2 = jnp.where(oh1 > 0.0, -jnp.inf, s)
    m2 = jnp.max(s2, axis=1, keepdims=True)
    i2 = jnp.min(jnp.where(s2 == m2, ei, float(E)), axis=1, keepdims=True)
    oh2 = (ei == i2).astype(jnp.float32)

    r = lax.broadcasted_iota(jnp.int32, (_CH, _CH), 0)
    c = lax.broadcasted_iota(jnp.int32, (_CH, _CH), 1)
    tri = (r >= c).astype(jnp.float32)

    def cum(m):
        chunks = []
        off = jnp.zeros((1, E), jnp.float32)
        for i in range(T // _CH):
            blk = jnp.dot(tri, m[i * _CH:(i + 1) * _CH, :],
                          preferred_element_type=jnp.float32) + off
            chunks.append(blk)
            off = blk[_CH - 1:_CH, :]
        return jnp.concatenate(chunks, axis=0)

    c1 = cum(oh1)
    c2 = cum(oh2)
    cnt1 = c1[T - 1:T, :]
    cnt = cnt1 + c2[T - 1:T, :]
    padded = jnp.floor((cnt + float(BLK - 1)) / float(BLK)) * float(BLK)

    re_ = lax.broadcasted_iota(jnp.int32, (E, E), 0)
    ce_ = lax.broadcasted_iota(jnp.int32, (E, E), 1)
    triu = (re_ < ce_).astype(jnp.float32)
    off_e = jnp.dot(padded, triu, preferred_element_type=jnp.float32)

    d1 = jnp.sum(oh1 * (off_e + c1 - 1.0), axis=1, keepdims=True)
    d2 = jnp.sum(oh2 * (off_e + cnt1 + c2 - 1.0), axis=1, keepdims=True)
    dest_ref[:, 0:1] = d1.astype(jnp.int32)
    dest_ref[:, 1:2] = d2.astype(jnp.int32)

    total = jnp.sum(padded, axis=1, keepdims=True)
    bstart = lax.broadcasted_iota(jnp.int32, (NBLK, E), 0).astype(jnp.float32) * float(BLK)
    nge = jnp.sum((bstart >= off_e).astype(jnp.float32), axis=1, keepdims=True)
    start_col = lax.broadcasted_iota(jnp.int32, (NBLK, 1), 0).astype(jnp.float32) * float(BLK)
    be = jnp.where(start_col < total, nge - 1.0, -1.0)

    nonempty = (padded > 0.0).astype(jnp.float32)
    ne_b = jnp.broadcast_to(nonempty, (NBLK, E))
    off_b = jnp.broadcast_to(off_e, (NBLK, E))
    cnt_ne = jnp.sum(ne_b * (off_b <= bstart).astype(jnp.float32),
                     axis=1, keepdims=True)
    c0 = cnt_ne - 1.0
    slot = c0 - 3.0 * jnp.floor(c0 / 3.0)
    first = jnp.sum(ne_b * (off_b == bstart).astype(jnp.float32),
                    axis=1, keepdims=True)
    ei_b = lax.broadcasted_iota(jnp.int32, (NBLK, E), 1).astype(jnp.float32)
    nxt = jnp.min(jnp.where((ne_b > 0.0) & (off_b > bstart), ei_b, float(E)),
                  axis=1, keepdims=True)
    meta = jnp.concatenate([be, slot, first, nxt], axis=1)
    be_ref[...] = meta.astype(jnp.int32)


def _gating(x, wg, bg):
    return pl.pallas_call(
        _gating_body,
        out_shape=(jax.ShapeDtypeStruct((T, K), jnp.int32),
                   jax.ShapeDtypeStruct((NBLK, 4), jnp.int32)),
    )(x, wg, bg)


@functools.cache
def _sc_kernels():
    mesh = plsc.VectorSubcoreMesh(core_axis_name="c", subcore_axis_name="s")

    @functools.partial(
        pl.kernel,
        out_type=jax.ShapeDtypeStruct((PCAP, D), jnp.float32),
        mesh=mesh,
        scratch_types=[pltpu.VMEM((CH_B // 2,), jnp.int32),
                       pltpu.VMEM((CH_B // 2,), jnp.int32),
                       pltpu.VMEM((CH_B // 2, D), jnp.float32),
                       pltpu.VMEM((CH_B // 2, D), jnp.float32),
                       pltpu.SemaphoreType.DMA,
                       pltpu.SemaphoreType.DMA,
                       pltpu.SemaphoreType.DMA,
                       pltpu.SemaphoreType.DMA])
    def _dispatch(x_hbm, dest_hbm, xs_hbm, i0_v, i1_v, r0_v, r1_v,
                  s0, s1, s2, s3):
        wid = lax.axis_index("c") * 16 + lax.axis_index("s")
        base = wid * CH_B
        tbase = lax.rem(base, T)
        hf = CH_B // 2
        cpi0 = pltpu.async_copy(dest_hbm.at[pl.ds(base, hf)], i0_v, s0)
        cpi1 = pltpu.async_copy(dest_hbm.at[pl.ds(base + hf, hf)], i1_v, s1)
        cpr0 = pltpu.async_copy(x_hbm.at[pl.ds(tbase, hf)], r0_v, s2)
        cpr1 = pltpu.async_copy(x_hbm.at[pl.ds(tbase + hf, hf)], r1_v, s3)
        cpi0.wait()
        cpr0.wait()
        sc0 = pltpu.async_copy(r0_v, xs_hbm.at[i0_v], s0)
        cpi1.wait()
        cpr1.wait()
        sc1 = pltpu.async_copy(r1_v, xs_hbm.at[i1_v], s1)
        sc0.wait()
        sc1.wait()

    @functools.partial(
        pl.kernel,
        out_type=jax.ShapeDtypeStruct((T, O), jnp.float32),
        mesh=mesh,
        scratch_types=[pltpu.VMEM((CH_D,), jnp.int32),
                       pltpu.VMEM((CH_D,), jnp.int32),
                       pltpu.VMEM((CH_D, O), jnp.float32),
                       pltpu.VMEM((CH_D, O), jnp.float32),
                       pltpu.SemaphoreType.DMA,
                       pltpu.SemaphoreType.DMA])
    def _combine(ys_hbm, dest_hbm, out_hbm, i0_v, i1_v, a_v, b_v, s0, s1):
        wid = lax.axis_index("c") * 16 + lax.axis_index("s")
        base = wid * CH_D
        cpi0 = pltpu.async_copy(dest_hbm.at[pl.ds(base, CH_D)], i0_v, s0)
        cpi1 = pltpu.async_copy(dest_hbm.at[pl.ds(T + base, CH_D)], i1_v, s1)
        cpi0.wait()
        cpi1.wait()
        cp0 = pltpu.async_copy(ys_hbm.at[i0_v], a_v, s0)
        cp1 = pltpu.async_copy(ys_hbm.at[i1_v], b_v, s1)
        cp0.wait()
        cp1.wait()

        def row(rr, carry):
            for cc in range(O // 16):
                sl = pl.ds(cc * 16, 16)
                a_v[rr, sl] = a_v[rr, sl] + b_v[rr, sl]
            return carry

        lax.fori_loop(0, CH_D, row, 0)
        pltpu.sync_copy(a_v, out_hbm.at[pl.ds(base, CH_D)])

    return _dispatch, _combine


def _sel(e):
    return jnp.where(e < 0, E - 1, e)


def _expert_body(m_ref, xs_ref, w1_hbm, b1_ref, w2_hbm, b2_ref, out_ref,
                 w1_buf, w2_buf, sems):
    i = pl.program_id(0)
    be = m_ref[i, 0]
    slot = m_ref[i, 1]
    first = m_ref[i, 2]
    nxt = m_ref[i, 3]

    def issue(e, s):
        pltpu.make_async_copy(w1_hbm.at[e], w1_buf.at[s], sems.at[s]).start()
        pltpu.make_async_copy(w2_hbm.at[e], w2_buf.at[s], sems.at[s]).start()

    @pl.when(i == 0)
    def _():
        issue(be, slot)

    @pl.when((first == 1) & (nxt < E))
    def _():
        issue(nxt, lax.rem(slot + 1, 3))

    @pl.when(first == 1)
    def _():
        pltpu.make_async_copy(w1_hbm.at[0], w1_buf.at[slot], sems.at[slot]).wait()
        pltpu.make_async_copy(w2_hbm.at[0], w2_buf.at[slot], sems.at[slot]).wait()

    @pl.when(be >= 0)
    def _():
        h = jnp.dot(xs_ref[...], w1_buf[slot],
                    preferred_element_type=jnp.float32) + b1_ref[0]
        h = jnp.maximum(h, 0.0)
        out_ref[...] = jnp.dot(h, w2_buf[slot],
                               preferred_element_type=jnp.float32) + b2_ref[0]


def _experts(meta, xs, W1, b1, W2, b2):
    grid_spec = pltpu.PrefetchScalarGridSpec(
        num_scalar_prefetch=1,
        grid=(NBLK,),
        in_specs=[
            pl.BlockSpec((BLK, D), lambda i, m: (i, 0)),
            pl.BlockSpec(memory_space=pl.ANY),
            pl.BlockSpec((1, 1, H), lambda i, m: (_sel(m[i, 0]), 0, 0)),
            pl.BlockSpec(memory_space=pl.ANY),
            pl.BlockSpec((1, 1, O), lambda i, m: (_sel(m[i, 0]), 0, 0)),
        ],
        out_specs=pl.BlockSpec((BLK, O), lambda i, m: (i, 0)),
        scratch_shapes=[
            pltpu.VMEM((3, D, H), jnp.float32),
            pltpu.VMEM((3, H, O), jnp.float32),
            pltpu.SemaphoreType.DMA((3,)),
        ],
    )
    return pl.pallas_call(
        _expert_body,
        grid_spec=grid_spec,
        out_shape=jax.ShapeDtypeStruct((PCAP, O), jnp.float32),
    )(meta, xs, W1, b1.reshape(E, 1, H), W2, b2.reshape(E, 1, O))


def kernel(x, Wg, bg, W1, b1, W2, b2):
    dispatch, combine = _sc_kernels()
    dest, meta = _gating(x, Wg, bg.reshape(1, E))
    dest_km = dest.T.reshape(P)
    xs = dispatch(x, dest_km)
    ys = _experts(meta, xs, W1, b1, W2, b2)
    return combine(ys, dest_km)

# --- scband reference (transcript-rebuilt; emitter-appended) ---
"""Pipeline reference for scband-granular-mo-elayer-3504693314072 (READ-ONLY COPY).

The authoritative reference and input builder live on the scoring server;
editing this copy changes nothing except your own understanding.
"""

import jax, jax.numpy as jnp
import numpy as np

T, D, E, H, O, TOP_K = 2048, 768, 8, 1024, 768, 2

def setup_inputs(seed: int = 0) -> dict:
    key = jax.random.key(seed)
    ks = jax.random.split(key, 7)
    s_in = 1.0 / np.sqrt(D)
    s_h = 1.0 / np.sqrt(H)
    x = jax.random.normal(ks[0], (T, D), dtype=jnp.float32)
    Wg = jax.random.uniform(ks[1], (D, E), dtype=jnp.float32, minval=-s_in, maxval=s_in)
    bg = jax.random.uniform(ks[2], (E,), dtype=jnp.float32, minval=-s_in, maxval=s_in)
    W1 = jax.random.uniform(ks[3], (E, D, H), dtype=jnp.float32, minval=-s_in, maxval=s_in)
    b1 = jax.random.uniform(ks[4], (E, H), dtype=jnp.float32, minval=-s_in, maxval=s_in)
    W2 = jax.random.uniform(ks[5], (E, H, O), dtype=jnp.float32, minval=-s_h, maxval=s_h)
    b2 = jax.random.uniform(ks[6], (E, O), dtype=jnp.float32, minval=-s_h, maxval=s_h)
    return {"x": x, "Wg": Wg, "bg": bg, "W1": W1, "b1": b1, "W2": W2, "b2": b2}

def reference(x, Wg, bg, W1, b1, W2, b2):
    # gate: linear routing scores
    gate_scores = x @ Wg + bg  # [T, E]
    topk_scores, topk_idx = jax.lax.top_k(gate_scores, TOP_K)  # [T, k]
    # scatter 1.0 into activated expert slots (hard mask, as in torch impl)
    rows = jnp.arange(x.shape[0])[:, None]
    mask = jnp.zeros_like(gate_scores).at[rows, topk_idx].set(1.0)  # [T, E]
    # compute ALL experts densely (faithful to torch: stack over ModuleList)
    h = jax.nn.relu(jnp.einsum('td,edh->teh', x, W1) + b1[None, :, :])  # [T, E, H]
    expert_outputs = jnp.einsum('teh,eho->teo', h, W2) + b2[None, :, :]  # [T, E, O]
    weighted = expert_outputs * mask[:, :, None]
    final_output = jnp.sum(weighted, axis=1)  # [T, O]
    return final_output

if __name__ == "__main__":
    import jax
    _d = setup_inputs()
    print(jax.jit(kernel)(*tuple(_d.values())))

</pallas_src>

<mosaic_0001>
#map = affine_map<(d0, d1) -> (0, 0)>
#map1 = affine_map<(d0, d1) -> (0)>
module attributes {stable_mosaic.version = 14 : i64} {
  func.func @_dispatch(%arg0: i32, %arg1: i32, %arg2: memref<2048x768xf32, #tpu.memory_space<hbm>>, %arg3: memref<4096xi32, #tpu.memory_space<hbm>>, %arg4: memref<6144x768xf32, #tpu.memory_space<hbm>>, %arg5: memref<64xi32, #tpu.memory_space<vmem>>, %arg6: memref<64xi32, #tpu.memory_space<vmem>>, %arg7: memref<64x768xf32, #tpu.memory_space<vmem>>, %arg8: memref<64x768xf32, #tpu.memory_space<vmem>>, %arg9: memref<!tpu.dma_semaphore, #tpu.memory_space<semaphore_mem>>, %arg10: memref<!tpu.dma_semaphore, #tpu.memory_space<semaphore_mem>>, %arg11: memref<!tpu.dma_semaphore, #tpu.memory_space<semaphore_mem>>, %arg12: memref<!tpu.dma_semaphore, #tpu.memory_space<semaphore_mem>>) attributes {dimension_semantics = [#tpu.dimension_semantics<core_parallel>, #tpu.dimension_semantics<subcore_parallel>], iteration_bounds = array<i64: 2, 16>, scalar_prefetch = 0 : i64, scratch_operands = 8 : i64, tpu.core_type = #tpu.core_type<sc_vector_subcore>, window_params = [{transform_indices = #map}, {transform_indices = #map1}, {transform_indices = #map}]} {
    %mul3A = arith.constant 16 : i32
    %mul3A_0 = arith.muli %arg0, %mul3A : i32
    %add3A = arith.addi %mul3A_0, %arg1 : i32
    %mul3A_1 = arith.constant 128 : i32
    %mul3A_2 = arith.muli %add3A, %mul3A_1 : i32
    %rem3A = arith.constant 2048 : i32
    %rem3A_3 = arith.remsi %mul3A_2, %rem3A : i32
    %dma_start3A = tpu.memref_slice %arg3[%mul3A_2] : memref<4096xi32, #tpu.memory_space<hbm>> -> memref<64xi32, #tpu.memory_space<hbm>>
    %dma_start3A_4 = tpu.memref_slice %arg3[%mul3A_2] : memref<4096xi32, #tpu.memory_space<hbm>> -> memref<64xi32, #tpu.memory_space<hbm>>
    tpu.enqueue_dma source(%dma_start3A_4 : memref<64xi32, #tpu.memory_space<hbm>>) target(%arg5 : memref<64xi32, #tpu.memory_space<vmem>>) target_semaphore(%arg9 : memref<!tpu.dma_semaphore, #tpu.memory_space<semaphore_mem>>)
    %add3A_5 = arith.constant 64 : i32
    %add3A_6 = arith.addi %mul3A_2, %add3A_5 : i32
    %dma_start3A_7 = tpu.memref_slice %arg3[%add3A_6] : memref<4096xi32, #tpu.memory_space<hbm>> -> memref<64xi32, #tpu.memory_space<hbm>>
    %dma_start3A_8 = tpu.memref_slice %arg3[%add3A_6] : memref<4096xi32, #tpu.memory_space<hbm>> -> memref<64xi32, #tpu.memory_space<hbm>>
    tpu.enqueue_dma source(%dma_start3A_8 : memref<64xi32, #tpu.memory_space<hbm>>) target(%arg6 : memref<64xi32, #tpu.memory_space<vmem>>) target_semaphore(%arg10 : memref<!tpu.dma_semaphore, #tpu.memory_space<semaphore_mem>>)
    %dma_start3A_9 = arith.constant 0 : i32
    %dma_start3A_10 = tpu.memref_slice %arg2[%rem3A_3, %dma_start3A_9] : memref<2048x768xf32, #tpu.memory_space<hbm>> -> memref<64x768xf32, #tpu.memory_space<hbm>>
    %dma_start3A_11 = arith.constant 0 : i32
    %dma_start3A_12 = tpu.memref_slice %arg2[%rem3A_3, %dma_start3A_11] : memref<2048x768xf32, #tpu.memory_space<hbm>> -> memref<64x768xf32, #tpu.memory_space<hbm>>
    tpu.enqueue_dma source(%dma_start3A_12 : memref<64x768xf32, #tpu.memory_space<hbm>>) target(%arg7 : memref<64x768xf32, #tpu.memory_space<vmem>>) target_semaphore(%arg11 : memref<!tpu.dma_semaphore, #tpu.memory_space<semaphore_mem>>)
    %add3A_13 = arith.constant 64 : i32
    %add3A_14 = arith.addi %rem3A_3, %add3A_13 : i32
    %dma_start3A_15 = arith.constant 0 : i32
    %dma_start3A_16 = tpu.memref_slice %arg2[%add3A_14, %dma_start3A_15] : memref<2048x768xf32, #tpu.memory_space<hbm>> -> memref<64x768xf32, #tpu.memory_space<hbm>>
    %dma_start3A_17 = arith.constant 0 : i32
    %dma_start3A_18 = tpu.memref_slice %arg2[%add3A_14, %dma_start3A_17] : memref<2048x768xf32, #tpu.memory_space<hbm>> -> memref<64x768xf32, #tpu.memory_space<hbm>>
    tpu.enqueue_dma source(%dma_start3A_18 : memref<64x768xf32, #tpu.memory_space<hbm>>) target(%arg8 : memref<64x768xf32, #tpu.memory_space<vmem>>) target_semaphore(%arg12 : memref<!tpu.dma_semaphore, #tpu.memory_space<semaphore_mem>>)
    %dma_wait3A = tpu.memref_slice %arg3[%mul3A_2] : memref<4096xi32, #tpu.memory_space<hbm>> -> memref<64xi32, #tpu.memory_space<hbm>>
    %dma_wait3A_19 = tpu.memref_slice %arg3[%mul3A_2] : memref<4096xi32, #tpu.memory_space<hbm>> -> memref<64xi32, #tpu.memory_space<hbm>>
    tpu.wait_dma2 semaphore(%arg9 : memref<!tpu.dma_semaphore, #tpu.memory_space<semaphore_mem>>) src(%dma_wait3A_19 : memref<64xi32, #tpu.memory_space<hbm>>) dst(%arg5 : memref<64xi32, #tpu.memory_space<vmem>>)
    %dma_wait3A_20 = arith.constant 0 : i32
    %dma_wait3A_21 = tpu.memref_slice %arg2[%rem3A_3, %dma_wait3A_20] : memref<2048x768xf32, #tpu.memory_space<hbm>> -> memref<64x768xf32, #tpu.memory_space<hbm>>
    %dma_wait3A_22 = arith.constant 0 : i32
    %dma_wait3A_23 = tpu.memref_slice %arg2[%rem3A_3, %dma_wait3A_22] : memref<2048x768xf32, #tpu.memory_space<hbm>> -> memref<64x768xf32, #tpu.memory_space<hbm>>
    tpu.wait_dma2 semaphore(%arg11 : memref<!tpu.dma_semaphore, #tpu.memory_space<semaphore_mem>>) src(%dma_wait3A_23 : memref<64x768xf32, #tpu.memory_space<hbm>>) dst(%arg7 : memref<64x768xf32, #tpu.memory_space<vmem>>)
    %dma_start3A_24 = arith.constant 0 : i32
    %dma_start3A_25 = arith.constant 0 : i32
    %dma_start3A_26 = tpu.memref_slice %arg4[%dma_start3A_24, %dma_start3A_25] : memref<6144x768xf32, #tpu.memory_space<hbm>> -> memref<6144x768xf32, #tpu.memory_space<hbm>>
    tpu.enqueue_indirect_dma source(%arg7 : memref<64x768xf32, #tpu.memory_space<vmem>>) target(%dma_start3A_26 : memref<6144x768xf32, #tpu.memory_space<hbm>>) offsets(%arg5 : memref<64xi32, #tpu.memory_space<vmem>>) semaphore(%arg9 : memref<!tpu.dma_semaphore, #tpu.memory_space<semaphore_mem>>)
    %dma_wait3A_27 = tpu.memref_slice %arg3[%add3A_6] : memref<4096xi32, #tpu.memory_space<hbm>> -> memref<64xi32, #tpu.memory_space<hbm>>
    %dma_wait3A_28 = tpu.memref_slice %arg3[%add3A_6] : memref<4096xi32, #tpu.memory_space<hbm>> -> memref<64xi32, #tpu.memory_space<hbm>>
    tpu.wait_dma2 semaphore(%arg10 : memref<!tpu.dma_semaphore, #tpu.memory_space<semaphore_mem>>) src(%dma_wait3A_28 : memref<64xi32, #tpu.memory_space<hbm>>) dst(%arg6 : memref<64xi32, #tpu.memory_space<vmem>>)
    %dma_wait3A_29 = arith.constant 0 : i32
    %dma_wait3A_30 = tpu.memref_slice %arg2[%add3A_14, %dma_wait3A_29] : memref<2048x768xf32, #tpu.memory_space<hbm>> -> memref<64x768xf32, #tpu.memory_space<hbm>>
    %dma_wait3A_31 = arith.constant 0 : i32
    %dma_wait3A_32 = tpu.memref_slice %arg2[%add3A_14, %dma_wait3A_31] : memref<2048x768xf32, #tpu.memory_space<hbm>> -> memref<64x768xf32, #tpu.memory_space<hbm>>
    tpu.wait_dma2 semaphore(%arg12 : memref<!tpu.dma_semaphore, #tpu.memory_space<semaphore_mem>>) src(%dma_wait3A_32 : memref<64x768xf32, #tpu.memory_space<hbm>>) dst(%arg8 : memref<64x768xf32, #tpu.memory_space<vmem>>)
    %dma_start3A_33 = arith.constant 0 : i32
    %dma_start3A_34 = arith.constant 0 : i32
    %dma_start3A_35 = tpu.memref_slice %arg4[%dma_start3A_33, %dma_start3A_34] : memref<6144x768xf32, #tpu.memory_space<hbm>> -> memref<6144x768xf32, #tpu.memory_space<hbm>>
    tpu.enqueue_indirect_dma source(%arg8 : memref<64x768xf32, #tpu.memory_space<vmem>>) target(%dma_start3A_35 : memref<6144x768xf32, #tpu.memory_space<hbm>>) offsets(%arg6 : memref<64xi32, #tpu.memory_space<vmem>>) semaphore(%arg10 : memref<!tpu.dma_semaphore, #tpu.memory_space<semaphore_mem>>)
    %dma_wait3A_36 = arith.constant 0 : i32
    %dma_wait3A_37 = arith.constant 0 : i32
    %dma_wait3A_38 = tpu.memref_slice %arg4[%dma_wait3A_36, %dma_wait3A_37] : memref<6144x768xf32, #tpu.memory_space<hbm>> -> memref<6144x768xf32, #tpu.memory_space<hbm>>
    tpu.wait_indirect_dma semaphore(%arg9 : memref<!tpu.dma_semaphore, #tpu.memory_space<semaphore_mem>>) src(%arg7 : memref<64x768xf32, #tpu.memory_space<vmem>>) dst(%dma_wait3A_38 : memref<6144x768xf32, #tpu.memory_space<hbm>>)
    %dma_wait3A_39 = arith.constant 0 : i32
    %dma_wait3A_40 = arith.constant 0 : i32
    %dma_wait3A_41 = tpu.memref_slice %arg4[%dma_wait3A_39, %dma_wait3A_40] : memref<6144x768xf32, #tpu.memory_space<hbm>> -> memref<6144x768xf32, #tpu.memory_space<hbm>>
    tpu.wait_indirect_dma semaphore(%arg10 : memref<!tpu.dma_semaphore, #tpu.memory_space<semaphore_mem>>) src(%arg8 : memref<64x768xf32, #tpu.memory_space<vmem>>) dst(%dma_wait3A_41 : memref<6144x768xf32, #tpu.memory_space<hbm>>)
    return
  }
}

#map = affine_map<(d0, d1) -> (0, 0)>
#map1 = affine_map<(d0, d1) -> (0)>
module attributes {stable_mosaic.version = 14 : i64} {
  func.func @_combine(%arg0: i32, %arg1: i32, %arg2: memref<6144x768xf32, #tpu.memory_space<hbm>>, %arg3: memref<4096xi32, #tpu.memory_space<hbm>>, %arg4: memref<2048x768xf32, #tpu.memory_space<hbm>>, %arg5: memref<64xi32, #tpu.memory_space<vmem>>, %arg6: memref<64xi32, #tpu.memory_space<vmem>>, %arg7: memref<64x768xf32, #tpu.memory_space<vmem>>, %arg8: memref<64x768xf32, #tpu.memory_space<vmem>>, %arg9: memref<!tpu.dma_semaphore, #tpu.memory_space<semaphore_mem>>, %arg10: memref<!tpu.dma_semaphore, #tpu.memory_space<semaphore_mem>>) attributes {dimension_semantics = [#tpu.dimension_semantics<core_parallel>, #tpu.dimension_semantics<subcore_parallel>], iteration_bounds = array<i64: 2, 16>, scalar_prefetch = 0 : i64, scratch_operands = 6 : i64, tpu.core_type = #tpu.core_type<sc_vector_subcore>, window_params = [{transform_indices = #map}, {transform_indices = #map1}, {transform_indices = #map}]} {
    %mul3A = arith.constant 16 : i32
    %mul3A_0 = arith.muli %arg0, %mul3A : i32
    %add3A = arith.addi %mul3A_0, %arg1 : i32
    %mul3A_1 = arith.constant 64 : i32
    %mul3A_2 = arith.muli %add3A, %mul3A_1 : i32
    %dma_start3A = tpu.memref_slice %arg3[%mul3A_2] : memref<4096xi32, #tpu.memory_space<hbm>> -> memref<64xi32, #tpu.memory_space<hbm>>
    %dma_start3A_3 = tpu.memref_slice %arg3[%mul3A_2] : memref<4096xi32, #tpu.memory_space<hbm>> -> memref<64xi32, #tpu.memory_space<hbm>>
    tpu.enqueue_dma source(%dma_start3A_3 : memref<64xi32, #tpu.memory_space<hbm>>) target(%arg5 : memref<64xi32, #tpu.memory_space<vmem>>) target_semaphore(%arg9 : memref<!tpu.dma_semaphore, #tpu.memory_space<semaphore_mem>>)
    %add3A_4 = arith.constant 2048 : i32
    %add3A_5 = arith.addi %add3A_4, %mul3A_2 : i32
    %dma_start3A_6 = tpu.memref_slice %arg3[%add3A_5] : memref<4096xi32, #tpu.memory_space<hbm>> -> memref<64xi32, #tpu.memory_space<hbm>>
    %dma_start3A_7 = tpu.memref_slice %arg3[%add3A_5] : memref<4096xi32, #tpu.memory_space<hbm>> -> memref<64xi32, #tpu.memory_space<hbm>>
    tpu.enqueue_dma source(%dma_start3A_7 : memref<64xi32, #tpu.memory_space<hbm>>) target(%arg6 : memref<64xi32, #tpu.memory_space<vmem>>) target_semaphore(%arg10 : memref<!tpu.dma_semaphore, #tpu.memory_space<semaphore_mem>>)
    %dma_wait3A = tpu.memref_slice %arg3[%mul3A_2] : memref<4096xi32, #tpu.memory_space<hbm>> -> memref<64xi32, #tpu.memory_space<hbm>>
    %dma_wait3A_8 = tpu.memref_slice %arg3[%mul3A_2] : memref<4096xi32, #tpu.memory_space<hbm>> -> memref<64xi32, #tpu.memory_space<hbm>>
    tpu.wait_dma2 semaphore(%arg9 : memref<!tpu.dma_semaphore, #tpu.memory_space<semaphore_mem>>) src(%dma_wait3A_8 : memref<64xi32, #tpu.memory_space<hbm>>) dst(%arg5 : memref<64xi32, #tpu.memory_space<vmem>>)
    %dma_wait3A_9 = tpu.memref_slice %arg3[%add3A_5] : memref<4096xi32, #tpu.memory_space<hbm>> -> memref<64xi32, #tpu.memory_space<hbm>>
    %dma_wait3A_10 = tpu.memref_slice %arg3[%add3A_5] : memref<4096xi32, #tpu.memory_space<hbm>> -> memref<64xi32, #tpu.memory_space<hbm>>
    tpu.wait_dma2 semaphore(%arg10 : memref<!tpu.dma_semaphore, #tpu.memory_space<semaphore_mem>>) src(%dma_wait3A_10 : memref<64xi32, #tpu.memory_space<hbm>>) dst(%arg6 : memref<64xi32, #tpu.memory_space<vmem>>)
    %dma_start3A_11 = arith.constant 0 : i32
    %dma_start3A_12 = arith.constant 0 : i32
    %dma_start3A_13 = tpu.memref_slice %arg2[%dma_start3A_11, %dma_start3A_12] : memref<6144x768xf32, #tpu.memory_space<hbm>> -> memref<6144x768xf32, #tpu.memory_space<hbm>>
    tpu.enqueue_indirect_dma source(%dma_start3A_13 : memref<6144x768xf32, #tpu.memory_space<hbm>>) target(%arg7 : memref<64x768xf32, #tpu.memory_space<vmem>>) offsets(%arg5 : memref<64xi32, #tpu.memory_space<vmem>>) semaphore(%arg9 : memref<!tpu.dma_semaphore, #tpu.memory_space<semaphore_mem>>)
    %dma_start3A_14 = arith.constant 0 : i32
    %dma_start3A_15 = arith.constant 0 : i32
    %dma_start3A_16 = tpu.memref_slice %arg2[%dma_start3A_14, %dma_start3A_15] : memref<6144x768xf32, #tpu.memory_space<hbm>> -> memref<6144x768xf32, #tpu.memory_space<hbm>>
    tpu.enqueue_indirect_dma source(%dma_start3A_16 : memref<6144x768xf32, #tpu.memory_space<hbm>>) target(%arg8 : memref<64x768xf32, #tpu.memory_space<vmem>>) offsets(%arg6 : memref<64xi32, #tpu.memory_space<vmem>>) semaphore(%arg10 : memref<!tpu.dma_semaphore, #tpu.memory_space<semaphore_mem>>)
    %dma_wait3A_17 = arith.constant 0 : i32
    %dma_wait3A_18 = arith.constant 0 : i32
    %dma_wait3A_19 = tpu.memref_slice %arg2[%dma_wait3A_17, %dma_wait3A_18] : memref<6144x768xf32, #tpu.memory_space<hbm>> -> memref<6144x768xf32, #tpu.memory_space<hbm>>
    tpu.wait_indirect_dma semaphore(%arg9 : memref<!tpu.dma_semaphore, #tpu.memory_space<semaphore_mem>>) src(%dma_wait3A_19 : memref<6144x768xf32, #tpu.memory_space<hbm>>) dst(%arg7 : memref<64x768xf32, #tpu.memory_space<vmem>>)
    %dma_wait3A_20 = arith.constant 0 : i32
    %dma_wait3A_21 = arith.constant 0 : i32
    %dma_wait3A_22 = tpu.memref_slice %arg2[%dma_wait3A_20, %dma_wait3A_21] : memref<6144x768xf32, #tpu.memory_space<hbm>> -> memref<6144x768xf32, #tpu.memory_space<hbm>>
    tpu.wait_indirect_dma semaphore(%arg10 : memref<!tpu.dma_semaphore, #tpu.memory_space<semaphore_mem>>) src(%dma_wait3A_22 : memref<6144x768xf32, #tpu.memory_space<hbm>>) dst(%arg8 : memref<64x768xf32, #tpu.memory_space<vmem>>)
    %scan3A = arith.constant 0 : i32
    %scan3A_23 = arith.constant 0 : i32
    %scan3A_24 = arith.constant 64 : i32
    %scan3A_25 = arith.addi %scan3A_23, %scan3A_24 : i32
    %scan3A_26 = arith.constant 1 : i32
    scf.for %scan3A_28 = %scan3A_23 to %scan3A_25 step %scan3A_26  : i32 {
      %get3A = arith.index_cast %scan3A_28 : i32 to index
      %get3A_29 = arith.constant 0 : index
      %get3A_30 = tpu.vector_load %arg7[%get3A, %get3A_29] {strides = array<i32>} : memref<64x768xf32, #tpu.memory_space<vmem>>, vector<1x16xf32>,
      %get3A_31 = vector.shape_cast %get3A_30 : vector<1x16xf32> to vector<16xf32>
      %get3A_32 = arith.index_cast %scan3A_28 : i32 to index
      %get3A_33 = arith.constant 0 : index
      %get3A_34 = tpu.vector_load %arg8[%get3A_32, %get3A_33] {strides = array<i32>} : memref<64x768xf32, #tpu.memory_space<vmem>>, vector<1x16xf32>,
      %get3A_35 = vector.shape_cast %get3A_34 : vector<1x16xf32> to vector<16xf32>
      %add3A_36 = arith.addf %get3A_31, %get3A_35 : vector<16xf32>
      %swap3A = arith.index_cast %scan3A_28 : i32 to index
      %swap3A_37 = arith.constant 0 : index
      %swap3A_38 = tpu.vector_load %arg7[%swap3A, %swap3A_37] {strides = array<i32>} : memref<64x768xf32, #tpu.memory_space<vmem>>, vector<1x16xf32>,
      %swap3A_39 = vector.shape_cast %swap3A_38 : vector<1x16xf32> to vector<16xf32>
      %swap3A_40 = vector.shape_cast %add3A_36 : vector<16xf32> to vector<1x16xf32>
      tpu.vector_store %arg7[%swap3A, %swap3A_37], %swap3A_40 {strides = array<i32>} : memref<64x768xf32, #tpu.memory_space<vmem>>, vector<1x16xf32>,
      %get3A_41 = arith.index_cast %scan3A_28 : i32 to index
      %get3A_42 = arith.constant 16 : index
      %get3A_43 = tpu.vector_load %arg7[%get3A_41, %get3A_42] {strides = array<i32>} : memref<64x768xf32, #tpu.memory_space<vmem>>, vector<1x16xf32>,
      %get3A_44 = vector.shape_cast %get3A_43 : vector<1x16xf32> to vector<16xf32>
      %get3A_45 = arith.index_cast %scan3A_28 : i32 to index
      %get3A_46 = arith.constant 16 : index
      %get3A_47 = tpu.vector_load %arg8[%get3A_45, %get3A_46] {strides = array<i32>} : memref<64x768xf32, #tpu.memory_space<vmem>>, vector<1x16xf32>,
      %get3A_48 = vector.shape_cast %get3A_47 : vector<1x16xf32> to vector<16xf32>
      %add3A_49 = arith.addf %get3A_44, %get3A_48 : vector<16xf32>
      %swap3A_50 = arith.index_cast %scan3A_28 : i32 to index
      %swap3A_51 = arith.constant 16 : index
      %swap3A_52 = tpu.vector_load %arg7[%swap3A_50, %swap3A_51] {strides = array<i32>} : memref<64x768xf32, #tpu.memory_space<vmem>>, vector<1x16xf32>,
      %swap3A_53 = vector.shape_cast %swap3A_52 : vector<1x16xf32> to vector<16xf32>
      %swap3A_54 = vector.shape_cast %add3A_49 : vector<16xf32> to vector<1x16xf32>
      tpu.vector_store %arg7[%swap3A_50, %swap3A_51], %swap3A_54 {strides = array<i32>} : memref<64x768xf32, #tpu.memory_space<vmem>>, vector<1x16xf32>,
      %get3A_55 = arith.index_cast %scan3A_28 : i32 to index
      %get3A_56 = arith.constant 32 : index
      %get3A_57 = tpu.vector_load %arg7[%get3A_55, %get3A_56] {strides = array<i32>} : memref<64x768xf32, #tpu.memory_space<vmem>>, vector<1x16xf32>,
      %get3A_58 = vector.shape_cast %get3A_57 : vector<1x16xf32> to vector<16xf32>
      %get3A_59 = arith.index_cast %scan3A_28 : i32 to index
      %get3A_60 = arith.constant 32 : index
      %get3A_61 = tpu.vector_load %arg8[%get3A_59, %get3A_60] {strides = array<i32>} : memref<64x768xf32, #tpu.memory_space<vmem>>, vector<1x16xf32>,
      %get3A_62 = vector.shape_cast %get3A_61 : vector<1x16xf32> to vector<16xf32>
      %add3A_63 = arith.addf %get3A_58, %get3A_62 : vector<16xf32>
      %swap3A_64 = arith.index_cast %scan3A_28 : i32 to index
      %swap3A_65 = arith.constant 32 : index
      %swap3A_66 = tpu.vector_load %arg7[%swap3A_64, %swap3A_65] {strides = array<i32>} : memref<64x768xf32, #tpu.memory_space<vmem>>, vector<1x16xf32>,
      %swap3A_67 = vector.shape_cast %swap3A_66 : vector<1x16xf32> to vector<16xf32>
      %swap3A_68 = vector.shape_cast %add3A_63 : vector<16xf32> to vector<1x16xf32>
      tpu.vector_store %arg7[%swap3A_64, %swap3A_65], %swap3A_68 {strides = array<i32>} : memref<64x768xf32, #tpu.memory_space<vmem>>, vector<1x16xf32>,
      %get3A_69 = arith.index_cast %scan3A_28 : i32 to index
      %get3A_70 = arith.constant 48 : index
      %get3A_71 = tpu.vector_load %arg7[%get3A_69, %get3A_70] {strides = array<i32>} : memref<64x768xf32, #tpu.memory_space<vmem>>, vector<1x16xf32>,
      %get3A_72 = vector.shape_cast %get3A_71 : vector<1x16xf32> to vector<16xf32>
      %get3A_73 = arith.index_cast %scan3A_28 : i32 to index
      %get3A_74 = arith.constant 48 : index
      %get3A_75 = tpu.vector_load %arg8[%get3A_73, %get3A_74] {strides = array<i32>} : memref<64x768xf32, #tpu.memory_space<vmem>>, vector<1x16xf32>,
      %get3A_76 = vector.shape_cast %get3A_75 : vector<1x16xf32> to vector<16xf32>
      %add3A_77 = arith.addf %get3A_72, %get3A_76 : vector<16xf32>
      %swap3A_78 = arith.index_cast %scan3A_28 : i32 to index
      %swap3A_79 = arith.constant 48 : index
      %swap3A_80 = tpu.vector_load %arg7[%swap3A_78, %swap3A_79] {strides = array<i32>} : memref<64x768xf32, #tpu.memory_space<vmem>>, vector<1x16xf32>,
      %swap3A_81 = vector.shape_cast %swap3A_80 : vector<1x16xf32> to vector<16xf32>
      %swap3A_82 = vector.shape_cast %add3A_77 : vector<16xf32> to vector<1x16xf32>
      tpu.vector_store %arg7[%swap3A_78, %swap3A_79], %swap3A_82 {strides = array<i32>} : memref<64x768xf32, #tpu.memory_space<vmem>>, vector<1x16xf32>,
      %get3A_83 = arith.index_cast %scan3A_28 : i32 to index
      %get3A_84 = arith.constant 64 : index
      %get3A_85 = tpu.vector_load %arg7[%get3A_83, %get3A_84] {strides = array<i32>} : memref<64x768xf32, #tpu.memory_space<vmem>>, vector<1x16xf32>,
      %get3A_86 = vector.shape_cast %get3A_85 : vector<1x16xf32> to vector<16xf32>
      %get3A_87 = arith.index_cast %scan3A_28 : i32 to index
      %get3A_88 = arith.constant 64 : index
      %get3A_89 = tpu.vector_load %arg8[%get3A_87, %get3A_88] {strides = array<i32>} : memref<64x768xf32, #tpu.memory_space<vmem>>, vector<1x16xf32>,
      %get3A_90 = vector.shape_cast %get3A_89 : vector<1x16xf32> to vector<16xf32>
      %add3A_91 = arith.addf %get3A_86, %get3A_90 : vector<16xf32>
      %swap3A_92 = arith.index_cast %scan3A_28 : i32 to index
      %swap3A_93 = arith.constant 64 : index
      %swap3A_94 = tpu.vector_load %arg7[%swap3A_92, %swap3A_93] {strides = array<i32>} : memref<64x768xf32, #tpu.memory_space<vmem>>, vector<1x16xf32>,
      %swap3A_95 = vector.shape_cast %swap3A_94 : vector<1x16xf32> to vector<16xf32>
      %swap3A_96 = vector.shape_cast %add3A_91 : vector<16xf32> to vector<1x16xf32>
      tpu.vector_store %arg7[%swap3A_92, %swap3A_93], %swap3A_96 {strides = array<i32>} : memref<64x768xf32, #tpu.memory_space<vmem>>, vector<1x16xf32>,
      %get3A_97 = arith.index_cast %scan3A_28 : i32 to index
      %get3A_98 = arith.constant 80 : index
      %get3A_99 = tpu.vector_load %arg7[%get3A_97, %get3A_98] {strides = array<i32>} : memref<64x768xf32, #tpu.memory_space<vmem>>, vector<1x16xf32>,
      %get3A_100 = vector.shape_cast %get3A_99 : vector<1x16xf32> to vector<16xf32>
      %get3A_101 = arith.index_cast %scan3A_28 : i32 to index
      %get3A_102 = arith.constant 80 : index
      %get3A_103 = tpu.vector_load %arg8[%get3A_101, %get3A_102] {strides = array<i32>} : memref<64x768xf32, #tpu.memory_space<vmem>>, vector<1x16xf32>,
      %get3A_104 = vector.shape_cast %get3A_103 : vector<1x16xf32> to vector<16xf32>
      %add3A_105 = arith.addf %get3A_100, %get3A_104 : vector<16xf32>
      %swap3A_106 = arith.index_cast %scan3A_28 : i32 to index
      %swap3A_107 = arith.constant 80 : index
      %swap3A_108 = tpu.vector_load %arg7[%swap3A_106, %swap3A_107] {strides = array<i32>} : memref<64x768xf32, #tpu.memory_space<vmem>>, vector<1x16xf32>,
      %swap3A_109 = vector.shape_cast %swap3A_108 : vector<1x16xf32> to vector<16xf32>
      %swap3A_110 = vector.shape_cast %add3A_105 : vector<16xf32> to vector<1x16xf32>
      tpu.vector_store %arg7[%swap3A_106, %swap3A_107], %swap3A_110 {strides = array<i32>} : memref<64x768xf32, #tpu.memory_space<vmem>>, vector<1x16xf32>,
      %get3A_111 = arith.index_cast %scan3A_28 : i32 to index
      %get3A_112 = arith.constant 96 : index
      %get3A_113 = tpu.vector_load %arg7[%get3A_111, %get3A_112] {strides = array<i32>} : memref<64x768xf32, #tpu.memory_space<vmem>>, vector<1x16xf32>,
      %get3A_114 = vector.shape_cast %get3A_113 : vector<1x16xf32> to vector<16xf32>
      %get3A_115 = arith.index_cast %scan3A_28 : i32 to index
      %get3A_116 = arith.constant 96 : index
      %get3A_117 = tpu.vector_load %arg8[%get3A_115, %get3A_116] {strides = array<i32>} : memref<64x768xf32, #tpu.memory_space<vmem>>, vector<1x16xf32>,
      %get3A_118 = vector.shape_cast %get3A_117 : vector<1x16xf32> to vector<16xf32>
      %add3A_119 = arith.addf %get3A_114, %get3A_118 : vector<16xf32>
      %swap3A_120 = arith.index_cast %scan3A_28 : i32 to index
      %swap3A_121 = arith.constant 96 : index
      %swap3A_122 = tpu.vector_load %arg7[%swap3A_120, %swap3A_121] {strides = array<i32>} : memref<64x768xf32, #tpu.memory_space<vmem>>, vector<1x16xf32>,
      %swap3A_123 = vector.shape_cast %swap3A_122 : vector<1x16xf32> to vector<16xf32>
      %swap3A_124 = vector.shape_cast %add3A_119 : vector<16xf32> to vector<1x16xf32>
      tpu.vector_store %arg7[%swap3A_120, %swap3A_121], %swap3A_124 {strides = array<i32>} : memref<64x768xf32, #tpu.memory_space<vmem>>, vector<1x16xf32>,
      %get3A_125 = arith.index_cast %scan3A_28 : i32 to index
      %get3A_126 = arith.constant 112 : index
      %get3A_127 = tpu.vector_load %arg7[%get3A_125, %get3A_126] {strides = array<i32>} : memref<64x768xf32, #tpu.memory_space<vmem>>, vector<1x16xf32>,
      %get3A_128 = vector.shape_cast %get3A_127 : vector<1x16xf32> to vector<16xf32>
      %get3A_129 = arith.index_cast %scan3A_28 : i32 to index
      %get3A_130 = arith.constant 112 : index
      %get3A_131 = tpu.vector_load %arg8[%get3A_129, %get3A_130] {strides = array<i32>} : memref<64x768xf32, #tpu.memory_space<vmem>>, vector<1x16xf32>,
      %get3A_132 = vector.shape_cast %get3A_131 : vector<1x16xf32> to vector<16xf32>
      %add3A_133 = arith.addf %get3A_128, %get3A_132 : vector<16xf32>
      %swap3A_134 = arith.index_cast %scan3A_28 : i32 to index
      %swap3A_135 = arith.constant 112 : index
      %swap3A_136 = tpu.vector_load %arg7[%swap3A_134, %swap3A_135] {strides = array<i32>} : memref<64x768xf32, #tpu.memory_space<vmem>>, vector<1x16xf32>,
      %swap3A_137 = vector.shape_cast %swap3A_136 : vector<1x16xf32> to vector<16xf32>
      %swap3A_138 = vector.shape_cast %add3A_133 : vector<16xf32> to vector<1x16xf32>
      tpu.vector_store %arg7[%swap3A_134, %swap3A_135], %swap3A_138 {strides = array<i32>} : memref<64x768xf32, #tpu.memory_space<vmem>>, vector<1x16xf32>,
      %get3A_139 = arith.index_cast %scan3A_28 : i32 to index
      %get3A_140 = arith.constant 128 : index
      %get3A_141 = tpu.vector_load %arg7[%get3A_139, %get3A_140] {strides = array<i32>} : memref<64x768xf32, #tpu.memory_space<vmem>>, vector<1x16xf32>,
      %get3A_142 = vector.shape_cast %get3A_141 : vector<1x16xf32> to vector<16xf32>
      %get3A_143 = arith.index_cast %scan3A_28 : i32 to index
      %get3A_144 = arith.constant 128 : index
      %get3A_145 = tpu.vector_load %arg8[%get3A_143, %get3A_144] {strides = array<i32>} : memref<64x768xf32, #tpu.memory_space<vmem>>, vector<1x16xf32>,
      %get3A_146 = vector.shape_cast %get3A_145 : vector<1x16xf32> to vector<16xf32>
      %add3A_147 = arith.addf %get3A_142, %get3A_146 : vector<16xf32>
      %swap3A_148 = arith.index_cast %scan3A_28 : i32 to index
      %swap3A_149 = arith.constant 128 : index
      %swap3A_150 = tpu.vector_load %arg7[%swap3A_148, %swap3A_149] {strides = array<i32>} : memref<64x768xf32, #tpu.memory_space<vmem>>, vector<1x16xf32>,
      %swap3A_151 = vector.shape_cast %swap3A_150 : vector<1x16xf32> to vector<16xf32>
      %swap3A_152 = vector.shape_cast %add3A_147 : vector<16xf32> to vector<1x16xf32>
      tpu.vector_store %arg7[%swap3A_148, %swap3A_149], %swap3A_152 {strides = array<i32>} : memref<64x768xf32, #tpu.memory_space<vmem>>, vector<1x16xf32>,
      %get3A_153 = arith.index_cast %scan3A_28 : i32 to index
      %get3A_154 = arith.constant 144 : index
      %get3A_155 = tpu.vector_load %arg7[%get3A_153, %get3A_154] {strides = array<i32>} : memref<64x768xf32, #tpu.memory_space<vmem>>, vector<1x16xf32>,
      %get3A_156 = vector.shape_cast %get3A_155 : vector<1x16xf32> to vector<16xf32>
      %get3A_157 = arith.index_cast %scan3A_28 : i32 to index
      %get3A_158 = arith.constant 144 : index
      %get3A_159 = tpu.vector_load %arg8[%get3A_157, %get3A_158] {strides = array<i32>} : memref<64x768xf32, #tpu.memory_space<vmem>>, vector<1x16xf32>,
      %get3A_160 = vector.shape_cast %get3A_159 : vector<1x16xf32> to vector<16xf32>
      %add3A_161 = arith.addf %get3A_156, %get3A_160 : vector<16xf32>
      %swap3A_162 = arith.index_cast %scan3A_28 : i32 to index
      %swap3A_163 = arith.constant 144 : index
      %swap3A_164 = tpu.vector_load %arg7[%swap3A_162, %swap3A_163] {strides = array<i32>} : memref<64x768xf32, #tpu.memory_space<vmem>>, vector<1x16xf32>,
      %swap3A_165 = vector.shape_cast %swap3A_164 : vector<1x16xf32> to vector<16xf32>
      %swap3A_166 = vector.shape_cast %add3A_161 : vector<16xf32> to vector<1x16xf32>
      tpu.vector_store %arg7[%swap3A_162, %swap3A_163], %swap3A_166 {strides = array<i32>} : memref<64x768xf32, #tpu.memory_space<vmem>>, vector<1x16xf32>,
      %get3A_167 = arith.index_cast %scan3A_28 : i32 to index
      %get3A_168 = arith.constant 160 : index
      %get3A_169 = tpu.vector_load %arg7[%get3A_167, %get3A_168] {strides = array<i32>} : memref<64x768xf32, #tpu.memory_space<vmem>>, vector<1x16xf32>,
      %get3A_170 = vector.shape_cast %get3A_169 : vector<1x16xf32> to vector<16xf32>
      %get3A_171 = arith.index_cast %scan3A_28 : i32 to index
      %get3A_172 = arith.constant 160 : index
      %get3A_173 = tpu.vector_load %arg8[%get3A_171, %get3A_172] {strides = array<i32>} : memref<64x768xf32, #tpu.memory_space<vmem>>, vector<1x16xf32>,
      %get3A_174 = vector.shape_cast %get3A_173 : vector<1x16xf32> to vector<16xf32>
      %add3A_175 = arith.addf %get3A_170, %get3A_174 : vector<16xf32>
      %swap3A_176 = arith.index_cast %scan3A_28 : i32 to index
      %swap3A_177 = arith.constant 160 : index
      %swap3A_178 = tpu.vector_load %arg7[%swap3A_176, %swap3A_177] {strides = array<i32>} : memref<64x768xf32, #tpu.memory_space<vmem>>, vector<1x16xf32>,
      %swap3A_179 = vector.shape_cast %swap3A_178 : vector<1x16xf32> to vector<16xf32>
      %swap3A_180 = vector.shape_cast %add3A_175 : vector<16xf32> to vector<1x16xf32>
      tpu.vector_store %arg7[%swap3A_176, %swap3A_177], %swap3A_180 {strides = array<i32>} : memref<64x768xf32, #tpu.memory_space<vmem>>, vector<1x16xf32>,
      %get3A_181 = arith.index_cast %scan3A_28 : i32 to index
      %get3A_182 = arith.constant 176 : index
      %get3A_183 = tpu.vector_load %arg7[%get3A_181, %get3A_182] {strides = array<i32>} : memref<64x768xf32, #tpu.memory_space<vmem>>, vector<1x16xf32>,
      %get3A_184 = vector.shape_cast %get3A_183 : vector<1x16xf32> to vector<16xf32>
      %get3A_185 = arith.index_cast %scan3A_28 : i32 to index
      %get3A_186 = arith.constant 176 : index
      %get3A_187 = tpu.vector_load %arg8[%get3A_185, %get3A_186] {strides = array<i32>} : memref<64x768xf32, #tpu.memory_space<vmem>>, vector<1x16xf32>,
      %get3A_188 = vector.shape_cast %get3A_187 : vector<1x16xf32> to vector<16xf32>
      %add3A_189 = arith.addf %get3A_184, %get3A_188 : vector<16xf32>
      %swap3A_190 = arith.index_cast %scan3A_28 : i32 to index
      %swap3A_191 = arith.constant 176 : index
      %swap3A_192 = tpu.vector_load %arg7[%swap3A_190, %swap3A_191] {strides = array<i32>} : memref<64x768xf32, #tpu.memory_space<vmem>>, vector<1x16xf32>,
      %swap3A_193 = vector.shape_cast %swap3A_192 : vector<1x16xf32> to vector<16xf32>
      %swap3A_194 = vector.shape_cast %add3A_189 : vector<16xf32> to vector<1x16xf32>
      tpu.vector_store %arg7[%swap3A_190, %swap3A_191], %swap3A_194 {strides = array<i32>} : memref<64x768xf32, #tpu.memory_space<vmem>>, vector<1x16xf32>,
      %get3A_195 = arith.index_cast %scan3A_28 : i32 to index
      %get3A_196 = arith.constant 192 : index
      %get3A_197 = tpu.vector_load %arg7[%get3A_195, %get3A_196] {strides = array<i32>} : memref<64x768xf32, #tpu.memory_space<vmem>>, vector<1x16xf32>,
      %get3A_198 = vector.shape_cast %get3A_197 : vector<1x16xf32> to vector<16xf32>
      %get3A_199 = arith.index_cast %scan3A_28 : i32 to index
      %get3A_200 = arith.constant 192 : index
      %get3A_201 = tpu.vector_load %arg8[%get3A_199, %get3A_200] {strides = array<i32>} : memref<64x768xf32, #tpu.memory_space<vmem>>, vector<1x16xf32>,
      %get3A_202 = vector.shape_cast %get3A_201 : vector<1x16xf32> to vector<16xf32>
      %add3A_203 = arith.addf %get3A_198, %get3A_202 : vector<16xf32>
      %swap3A_204 = arith.index_cast %scan3A_28 : i32 to index
      %swap3A_205 = arith.constant 192 : index
      %swap3A_206 = tpu.vector_load %arg7[%swap3A_204, %swap3A_205] {strides = array<i32>} : memref<64x768xf32, #tpu.memory_space<vmem>>, vector<1x16xf32>,
      %swap3A_207 = vector.shape_cast %swap3A_206 : vector<1x16xf32> to vector<16xf32>
      %swap3A_208 = vector.shape_cast %add3A_203 : vector<16xf32> to vector<1x16xf32>
      tpu.vector_store %arg7[%swap3A_204, %swap3A_205], %swap3A_208 {strides = array<i32>} : memref<64x768xf32, #tpu.memory_space<vmem>>, vector<1x16xf32>,
      %get3A_209 = arith.index_cast %scan3A_28 : i32 to index
      %get3A_210 = arith.constant 208 : index
      %get3A_211 = tpu.vector_load %arg7[%get3A_209, %get3A_210] {strides = array<i32>} : memref<64x768xf32, #tpu.memory_space<vmem>>, vector<1x16xf32>,
      %get3A_212 = vector.shape_cast %get3A_211 : vector<1x16xf32> to vector<16xf32>
      %get3A_213 = arith.index_cast %scan3A_28 : i32 to index
      %get3A_214 = arith.constant 208 : index
      %get3A_215 = tpu.vector_load %arg8[%get3A_213, %get3A_214] {strides = array<i32>} : memref<64x768xf32, #tpu.memory_space<vmem>>, vector<1x16xf32>,
      %get3A_216 = vector.shape_cast %get3A_215 : vector<1x16xf32> to vector<16xf32>
      %add3A_217 = arith.addf %get3A_212, %get3A_216 : vector<16xf32>
      %swap3A_218 = arith.index_cast %scan3A_28 : i32 to index
      %swap3A_219 = arith.constant 208 : index
      %swap3A_220 = tpu.vector_load %arg7[%swap3A_218, %swap3A_219] {strides = array<i32>} : memref<64x768xf32, #tpu.memory_space<vmem>>, vector<1x16xf32>,
      %swap3A_221 = vector.shape_cast %swap3A_220 : vector<1x16xf32> to vector<16xf32>
      %swap3A_222 = vector.shape_cast %add3A_217 : vector<16xf32> to vector<1x16xf32>
      tpu.vector_store %arg7[%swap3A_218, %swap3A_219], %swap3A_222 {strides = array<i32>} : memref<64x768xf32, #tpu.memory_space<vmem>>, vector<1x16xf32>,
      %get3A_223 = arith.index_cast %scan3A_28 : i32 to index
      %get3A_224 = arith.constant 224 : index
      %get3A_225 = tpu.vector_load %arg7[%get3A_223, %get3A_224] {strides = array<i32>} : memref<64x768xf32, #tpu.memory_space<vmem>>, vector<1x16xf32>,
      %get3A_226 = vector.shape_cast %get3A_225 : vector<1x16xf32> to vector<16xf32>
      %get3A_227 = arith.index_cast %scan3A_28 : i32 to index
      %get3A_228 = arith.constant 224 : index
      %get3A_229 = tpu.vector_load %arg8[%get3A_227, %get3A_228] {strides = array<i32>} : memref<64x768xf32, #tpu.memory_space<vmem>>, vector<1x16xf32>,
      %get3A_230 = vector.shape_cast %get3A_229 : vector<1x16xf32> to vector<16xf32>
      %add3A_231 = arith.addf %get3A_226, %get3A_230 : vector<16xf32>
      %swap3A_232 = arith.index_cast %scan3A_28 : i32 to index
      %swap3A_233 = arith.constant 224 : index
      %swap3A_234 = tpu.vector_load %arg7[%swap3A_232, %swap3A_233] {strides = array<i32>} : memref<64x768xf32, #tpu.memory_space<vmem>>, vector<1x16xf32>,
      %swap3A_235 = vector.shape_cast %swap3A_234 : vector<1x16xf32> to vector<16xf32>
      %swap3A_236 = vector.shape_cast %add3A_231 : vector<16xf32> to vector<1x16xf32>
      tpu.vector_store %arg7[%swap3A_232, %swap3A_233], %swap3A_236 {strides = array<i32>} : memref<64x768xf32, #tpu.memory_space<vmem>>, vector<1x16xf32>,
      %get3A_237 = arith.index_cast %scan3A_28 : i32 to index
      %get3A_238 = arith.constant 240 : index
      %get3A_239 = tpu.vector_load %arg7[%get3A_237, %get3A_238] {strides = array<i32>} : memref<64x768xf32, #tpu.memory_space<vmem>>, vector<1x16xf32>,
      %get3A_240 = vector.shape_cast %get3A_239 : vector<1x16xf32> to vector<16xf32>
      %get3A_241 = arith.index_cast %scan3A_28 : i32 to index
      %get3A_242 = arith.constant 240 : index
      %get3A_243 = tpu.vector_load %arg8[%get3A_241, %get3A_242] {strides = array<i32>} : memref<64x768xf32, #tpu.memory_space<vmem>>, vector<1x16xf32>,
      %get3A_244 = vector.shape_cast %get3A_243 : vector<1x16xf32> to vector<16xf32>
      %add3A_245 = arith.addf %get3A_240, %get3A_244 : vector<16xf32>
      %swap3A_246 = arith.index_cast %scan3A_28 : i32 to index
      %swap3A_247 = arith.constant 240 : index
      %swap3A_248 = tpu.vector_load %arg7[%swap3A_246, %swap3A_247] {strides = array<i32>} : memref<64x768xf32, #tpu.memory_space<vmem>>, vector<1x16xf32>,
      %swap3A_249 = vector.shape_cast %swap3A_248 : vector<1x16xf32> to vector<16xf32>
      %swap3A_250 = vector.shape_cast %add3A_245 : vector<16xf32> to vector<1x16xf32>
      tpu.vector_store %arg7[%swap3A_246, %swap3A_247], %swap3A_250 {strides = array<i32>} : memref<64x768xf32, #tpu.memory_space<vmem>>, vector<1x16xf32>,
      %get3A_251 = arith.index_cast %scan3A_28 : i32 to index
      %get3A_252 = arith.constant 256 : index
      %get3A_253 = tpu.vector_load %arg7[%get3A_251, %get3A_252] {strides = array<i32>} : memref<64x768xf32, #tpu.memory_space<vmem>>, vector<1x16xf32>,
      %get3A_254 = vector.shape_cast %get3A_253 : vector<1x16xf32> to vector<16xf32>
      %get3A_255 = arith.index_cast %scan3A_28 : i32 to index
      %get3A_256 = arith.constant 256 : index
      %get3A_257 = tpu.vector_load %arg8[%get3A_255, %get3A_256] {strides = array<i32>} : memref<64x768xf32, #tpu.memory_space<vmem>>, vector<1x16xf32>,
      %get3A_258 = vector.shape_cast %get3A_257 : vector<1x16xf32> to vector<16xf32>
      %add3A_259 = arith.addf %get3A_254, %get3A_258 : vector<16xf32>
      %swap3A_260 = arith.index_cast %scan3A_28 : i32 to index
      %swap3A_261 = arith.constant 256 : index
      %swap3A_262 = tpu.vector_load %arg7[%swap3A_260, %swap3A_261] {strides = array<i32>} : memref<64x768xf32, #tpu.memory_space<vmem>>, vector<1x16xf32>,
      %swap3A_263 = vector.shape_cast %swap3A_262 : vector<1x16xf32> to vector<16xf32>
      %swap3A_264 = vector.shape_cast %add3A_259 : vector<16xf32> to vector<1x16xf32>
      tpu.vector_store %arg7[%swap3A_260, %swap3A_261], %swap3A_264 {strides = array<i32>} : memref<64x768xf32, #tpu.memory_space<vmem>>, vector<1x16xf32>,
      %get3A_265 = arith.index_cast %scan3A_28 : i32 to index
      %get3A_266 = arith.constant 272 : index
      %get3A_267 = tpu.vector_load %arg7[%get3A_265, %get3A_266] {strides = array<i32>} : memref<64x768xf32, #tpu.memory_space<vmem>>, vector<1x16xf32>,
      %get3A_268 = vector.shape_cast %get3A_267 : vector<1x16xf32> to vector<16xf32>
      %get3A_269 = arith.index_cast %scan3A_28 : i32 to index
      %get3A_270 = arith.constant 272 : index
      %get3A_271 = tpu.vector_load %arg8[%get3A_269, %get3A_270] {strides = array<i32>} : memref<64x768xf32, #tpu.memory_space<vmem>>, vector<1x16xf32>,
      %get3A_272 = vector.shape_cast %get3A_271 : vector<1x16xf32> to vector<16xf32>
      %add3A_273 = arith.addf %get3A_268, %get3A_272 : vector<16xf32>
      %swap3A_274 = arith.index_cast %scan3A_28 : i32 to index
      %swap3A_275 = arith.constant 272 : index
      %swap3A_276 = tpu.vector_load %arg7[%swap3A_274, %swap3A_275] {strides = array<i32>} : memref<64x768xf32, #tpu.memory_space<vmem>>, vector<1x16xf32>,
      %swap3A_277 = vector.shape_cast %swap3A_276 : vector<1x16xf32> to vector<16xf32>
      %swap3A_278 = vector.shape_cast %add3A_273 : vector<16xf32> to vector<1x16xf32>
      tpu.vector_store %arg7[%swap3A_274, %swap3A_275], %swap3A_278 {strides = array<i32>} : memref<64x768xf32, #tpu.memory_space<vmem>>, vector<1x16xf32>,
      %get3A_279 = arith.index_cast %scan3A_28 : i32 to index
      %get3A_280 = arith.constant 288 : index
      %get3A_281 = tpu.vector_load %arg7[%get3A_279, %get3A_280] {strides = array<i32>} : memref<64x768xf32, #tpu.memory_space<vmem>>, vector<1x16xf32>,
      %get3A_282 = vector.shape_cast %get3A_281 : vector<1x16xf32> to vector<16xf32>
      %get3A_283 = arith.index_cast %scan3A_28 : i32 to index
      %get3A_284 = arith.constant 288 : index
      %get3A_285 = tpu.vector_load %arg8[%get3A_283, %get3A_284] {strides = array<i32>} : memref<64x768xf32, #tpu.memory_space<vmem>>, vector<1x16xf32>,
      %get3A_286 = vector.shape_cast %get3A_285 : vector<1x16xf32> to vector<16xf32>
      %add3A_287 = arith.addf %get3A_282, %get3A_286 : vector<16xf32>
      %swap3A_288 = arith.index_cast %scan3A_28 : i32 to index
      %swap3A_289 = arith.constant 288 : index
      %swap3A_290 = tpu.vector_load %arg7[%swap3A_288, %swap3A_289] {strides = array<i32>} : memref<64x768xf32, #tpu.memory_space<vmem>>, vector<1x16xf32>,
      %swap3A_291 = vector.shape_cast %swap3A_290 : vector<1x16xf32> to vector<16xf32>
      %swap3A_292 = vector.shape_cast %add3A_287 : vector<16xf32> to vector<1x16xf32>
      tpu.vector_store %arg7[%swap3A_288, %swap3A_289], %swap3A_292 {strides = array<i32>} : memref<64x768xf32, #tpu.memory_space<vmem>>, vector<1x16xf32>,
      %get3A_293 = arith.index_cast %scan3A_28 : i32 to index
      %get3A_294 = arith.constant 304 : index
      %get3A_295 = tpu.vector_load %arg7[%get3A_293, %get3A_294] {strides = array<i32>} : memref<64x768xf32, #tpu.memory_space<vmem>>, vector<1x16xf32>,
      %get3A_296 = vector.shape_cast %get3A_295 : vector<1x16xf32> to vector<16xf32>
      %get3A_297 = arith.index_cast %scan3A_28 : i32 to index
      %get3A_298 = arith.constant 304 : index
      %get3A_299 = tpu.vector_load %arg8[%get3A_297, %get3A_298] {strides = array<i32>} : memref<64x768xf32, #tpu.memory_space<vmem>>, vector<1x16xf32>,
      %get3A_300 = vector.shape_cast %get3A_299 : vector<1x16xf32> to vector<16xf32>
      %add3A_301 = arith.addf %get3A_296, %get3A_300 : vector<16xf32>
      %swap3A_302 = arith.index_cast %scan3A_28 : i32 to index
      %swap3A_303 = arith.constant 304 : index
      %swap3A_304 = tpu.vector_load %arg7[%swap3A_302, %swap3A_303] {strides = array<i32>} : memref<64x768xf32, #tpu.memory_space<vmem>>, vector<1x16xf32>,
      %swap3A_305 = vector.shape_cast %swap3A_304 : vector<1x16xf32> to vector<16xf32>
      %swap3A_306 = vector.shape_cast %add3A_301 : vector<16xf32> to vector<1x16xf32>
      tpu.vector_store %arg7[%swap3A_302, %swap3A_303], %swap3A_306 {strides = array<i32>} : memref<64x768xf32, #tpu.memory_space<vmem>>, vector<1x16xf32>,
      %get3A_307 = arith.index_cast %scan3A_28 : i32 to index
      %get3A_308 = arith.constant 320 : index
      %get3A_309 = tpu.vector_load %arg7[%get3A_307, %get3A_308] {strides = array<i32>} : memref<64x768xf32, #tpu.memory_space<vmem>>, vector<1x16xf32>,
      %get3A_310 = vector.shape_cast %get3A_309 : vector<1x16xf32> to vector<16xf32>
      %get3A_311 = arith.index_cast %scan3A_28 : i32 to index
      %get3A_312 = arith.constant 320 : index
      %get3A_313 = tpu.vector_load %arg8[%get3A_311, %get3A_312] {strides = array<i32>} : memref<64x768xf32, #tpu.memory_space<vmem>>, vector<1x16xf32>,
      %get3A_314 = vector.shape_cast %get3A_313 : vector<1x16xf32> to vector<16xf32>
      %add3A_315 = arith.addf %get3A_310, %get3A_314 : vector<16xf32>
      %swap3A_316 = arith.index_cast %scan3A_28 : i32 to index
      %swap3A_317 = arith.constant 320 : index
      %swap3A_318 = tpu.vector_load %arg7[%swap3A_316, %swap3A_317] {strides = array<i32>} : memref<64x768xf32, #tpu.memory_space<vmem>>, vector<1x16xf32>,
      %swap3A_319 = vector.shape_cast %swap3A_318 : vector<1x16xf32> to vector<16xf32>
      %swap3A_320 = vector.shape_cast %add3A_315 : vector<16xf32> to vector<1x16xf32>
      tpu.vector_store %arg7[%swap3A_316, %swap3A_317], %swap3A_320 {strides = array<i32>} : memref<64x768xf32, #tpu.memory_space<vmem>>, vector<1x16xf32>,
      %get3A_321 = arith.index_cast %scan3A_28 : i32 to index
      %get3A_322 = arith.constant 336 : index
      %get3A_323 = tpu.vector_load %arg7[%get3A_321, %get3A_322] {strides = array<i32>} : memref<64x768xf32, #tpu.memory_space<vmem>>, vector<1x16xf32>,
      %get3A_324 = vector.shape_cast %get3A_323 : vector<1x16xf32> to vector<16xf32>
      %get3A_325 = arith.index_cast %scan3A_28 : i32 to index
      %get3A_326 = arith.constant 336 : index
      %get3A_327 = tpu.vector_load %arg8[%get3A_325, %get3A_326] {strides = array<i32>} : memref<64x768xf32, #tpu.memory_space<vmem>>, vector<1x16xf32>,
      %get3A_328 = vector.shape_cast %get3A_327 : vector<1x16xf32> to vector<16xf32>
      %add3A_329 = arith.addf %get3A_324, %get3A_328 : vector<16xf32>
      %swap3A_330 = arith.index_cast %scan3A_28 : i32 to index
      %swap3A_331 = arith.constant 336 : index
      %swap3A_332 = tpu.vector_load %arg7[%swap3A_330, %swap3A_331] {strides = array<i32>} : memref<64x768xf32, #tpu.memory_space<vmem>>, vector<1x16xf32>,
      %swap3A_333 = vector.shape_cast %swap3A_332 : vector<1x16xf32> to vector<16xf32>
      %swap3A_334 = vector.shape_cast %add3A_329 : vector<16xf32> to vector<1x16xf32>
      tpu.vector_store %arg7[%swap3A_330, %swap3A_331], %swap3A_334 {strides = array<i32>} : memref<64x768xf32, #tpu.memory_space<vmem>>, vector<1x16xf32>,
      %get3A_335 = arith.index_cast %scan3A_28 : i32 to index
      %get3A_336 = arith.constant 352 : index
      %get3A_337 = tpu.vector_load %arg7[%get3A_335, %get3A_336] {strides = array<i32>} : memref<64x768xf32, #tpu.memory_space<vmem>>, vector<1x16xf32>,
      %get3A_338 = vector.shape_cast %get3A_337 : vector<1x16xf32> to vector<16xf32>
      %get3A_339 = arith.index_cast %scan3A_28 : i32 to index
      %get3A_340 = arith.constant 352 : index
      %get3A_341 = tpu.vector_load %arg8[%get3A_339, %get3A_340] {strides = array<i32>} : memref<64x768xf32, #tpu.memory_space<vmem>>, vector<1x16xf32>,
      %get3A_342 = vector.shape_cast %get3A_341 : vector<1x16xf32> to vector<16xf32>
      %add3A_343 = arith.addf %get3A_338, %get3A_342 : vector<16xf32>
      %swap3A_344 = arith.index_cast %scan3A_28 : i32 to index
      %swap3A_345 = arith.constant 352 : index
      %swap3A_346 = tpu.vector_load %arg7[%swap3A_344, %swap3A_345] {strides = array<i32>} : memref<64x768xf32, #tpu.memory_space<vmem>>, vector<1x16xf32>,
      %swap3A_347 = vector.shape_cast %swap3A_346 : vector<1x16xf32> to vector<16xf32>
      %swap3A_348 = vector.shape_cast %add3A_343 : vector<16xf32> to vector<1x16xf32>
      tpu.vector_store %arg7[%swap3A_344, %swap3A_345], %swap3A_348 {strides = array<i32>} : memref<64x768xf32, #tpu.memory_space<vmem>>, vector<1x16xf32>,
      %get3A_349 = arith.index_cast %scan3A_28 : i32 to index
      %get3A_350 = arith.constant 368 : index
      %get3A_351 = tpu.vector_load %arg7[%get3A_349, %get3A_350] {strides = array<i32>} : memref<64x768xf32, #tpu.memory_space<vmem>>, vector<1x16xf32>,
      %get3A_352 = vector.shape_cast %get3A_351 : vector<1x16xf32> to vector<16xf32>
      %get3A_353 = arith.index_cast %scan3A_28 : i32 to index
      %get3A_354 = arith.constant 368 : index
      %get3A_355 = tpu.vector_load %arg8[%get3A_353, %get3A_354] {strides = array<i32>} : memref<64x768xf32, #tpu.memory_space<vmem>>, vector<1x16xf32>,
      %get3A_356 = vector.shape_cast %get3A_355 : vector<1x16xf32> to vector<16xf32>
      %add3A_357 = arith.addf %get3A_352, %get3A_356 : vector<16xf32>
      %swap3A_358 = arith.index_cast %scan3A_28 : i32 to index
      %swap3A_359 = arith.constant 368 : index
      %swap3A_360 = tpu.vector_load %arg7[%swap3A_358, %swap3A_359] {strides = array<i32>} : memref<64x768xf32, #tpu.memory_space<vmem>>, vector<1x16xf32>,
      %swap3A_361 = vector.shape_cast %swap3A_360 : vector<1x16xf32> to vector<16xf32>
      %swap3A_362 = vector.shape_cast %add3A_357 : vector<16xf32> to vector<1x16xf32>
      tpu.vector_store %arg7[%swap3A_358, %swap3A_359], %swap3A_362 {strides = array<i32>} : memref<64x768xf32, #tpu.memory_space<vmem>>, vector<1x16xf32>,
      %get3A_363 = arith.index_cast %scan3A_28 : i32 to index
      %get3A_364 = arith.constant 384 : index
      %get3A_365 = tpu.vector_load %arg7[%get3A_363, %get3A_364] {strides = array<i32>} : memref<64x768xf32, #tpu.memory_space<vmem>>, vector<1x16xf32>,
      %get3A_366 = vector.shape_cast %get3A_365 : vector<1x16xf32> to vector<16xf32>
      %get3A_367 = arith.index_cast %scan3A_28 : i32 to index
      %get3A_368 = arith.constant 384 : index
      %get3A_369 = tpu.vector_load %arg8[%get3A_367, %get3A_368] {strides = array<i32>} : memref<64x768xf32, #tpu.memory_space<vmem>>, vector<1x16xf32>,
      %get3A_370 = vector.shape_cast %get3A_369 : vector<1x16xf32> to vector<16xf32>
      %add3A_371 = arith.addf %get3A_366, %get3A_370 : vector<16xf32>
      %swap3A_372 = arith.index_cast %scan3A_28 : i32 to index
      %swap3A_373 = arith.constant 384 : index
      %swap3A_374 = tpu.vector_load %arg7[%swap3A_372, %swap3A_373] {strides = array<i32>} : memref<64x768xf32, #tpu.memory_space<vmem>>, vector<1x16xf32>,
      %swap3A_375 = vector.shape_cast %swap3A_374 : vector<1x16xf32> to vector<16xf32>
      %swap3A_376 = vector.shape_cast %add3A_371 : vector<16xf32> to vector<1x16xf32>
      tpu.vector_store %arg7[%swap3A_372, %swap3A_373], %swap3A_376 {strides = array<i32>} : memref<64x768xf32, #tpu.memory_space<vmem>>, vector<1x16xf32>,
      %get3A_377 = arith.index_cast %scan3A_28 : i32 to index
      %get3A_378 = arith.constant 400 : index
      %get3A_379 = tpu.vector_load %arg7[%get3A_377, %get3A_378] {strides = array<i32>} : memref<64x768xf32, #tpu.memory_space<vmem>>, vector<1x16xf32>,
      %get3A_380 = vector.shape_cast %get3A_379 : vector<1x16xf32> to vector<16xf32>
      %get3A_381 = arith.index_cast %scan3A_28 : i32 to index
      %get3A_382 = arith.constant 400 : index
      %get3A_383 = tpu.vector_load %arg8[%get3A_381, %get3A_382] {strides = array<i32>} : memref<64x768xf32, #tpu.memory_space<vmem>>, vector<1x16xf32>,
      %get3A_384 = vector.shape_cast %get3A_383 : vector<1x16xf32> to vector<16xf32>
      %add3A_385 = arith.addf %get3A_380, %get3A_384 : vector<16xf32>
      %swap3A_386 = arith.index_cast %scan3A_28 : i32 to index
      %swap3A_387 = arith.constant 400 : index
      %swap3A_388 = tpu.vector_load %arg7[%swap3A_386, %swap3A_387] {strides = array<i32>} : memref<64x768xf32, #tpu.memory_space<vmem>>, vector<1x16xf32>,
      %swap3A_389 = vector.shape_cast %swap3A_388 : vector<1x16xf32> to vector<16xf32>
      %swap3A_390 = vector.shape_cast %add3A_385 : vector<16xf32> to vector<1x16xf32>
      tpu.vector_store %arg7[%swap3A_386, %swap3A_387], %swap3A_390 {strides = array<i32>} : memref<64x768xf32, #tpu.memory_space<vmem>>, vector<1x16xf32>,
      %get3A_391 = arith.index_cast %scan3A_28 : i32 to index
      %get3A_392 = arith.constant 416 : index
      %get3A_393 = tpu.vector_load %arg7[%get3A_391, %get3A_392] {strides = array<i32>} : memref<64x768xf32, #tpu.memory_space<vmem>>, vector<1x16xf32>,
      %get3A_394 = vector.shape_cast %get3A_393 : vector<1x16xf32> to vector<16xf32>
      %get3A_395 = arith.index_cast %scan3A_28 : i32 to index
      %get3A_396 = arith.constant 416 : index
      %get3A_397 = tpu.vector_load %arg8[%get3A_395, %get3A_396] {strides = array<i32>} : memref<64x768xf32, #tpu.memory_space<vmem>>, vector<1x16xf32>,
      %get3A_398 = vector.shape_cast %get3A_397 : vector<1x16xf32> to vector<16xf32>
      %add3A_399 = arith.addf %get3A_394, %get3A_398 : vector<16xf32>
      %swap3A_400 = arith.index_cast %scan3A_28 : i32 to index
      %swap3A_401 = arith.constant 416 : index
      %swap3A_402 = tpu.vector_load %arg7[%swap3A_400, %swap3A_401] {strides = array<i32>} : memref<64x768xf32, #tpu.memory_space<vmem>>, vector<1x16xf32>,
      %swap3A_403 = vector.shape_cast %swap3A_402 : vector<1x16xf32> to vector<16xf32>
      %swap3A_404 = vector.shape_cast %add3A_399 : vector<16xf32> to vector<1x16xf32>
      tpu.vector_store %arg7[%swap3A_400, %swap3A_401], %swap3A_404 {strides = array<i32>} : memref<64x768xf32, #tpu.memory_space<vmem>>, vector<1x16xf32>,
      %get3A_405 = arith.index_cast %scan3A_28 : i32 to index
      %get3A_406 = arith.constant 432 : index
      %get3A_407 = tpu.vector_load %arg7[%get3A_405, %get3A_406] {strides = array<i32>} : memref<64x768xf32, #tpu.memory_space<vmem>>, vector<1x16xf32>,
      %get3A_408 = vector.shape_cast %get3A_407 : vector<1x16xf32> to vector<16xf32>
      %get3A_409 = arith.index_cast %scan3A_28 : i32 to index
      %get3A_410 = arith.constant 432 : index
      %get3A_411 = tpu.vector_load %arg8[%get3A_409, %get3A_410] {strides = array<i32>} : memref<64x768xf32, #tpu.memory_space<vmem>>, vector<1x16xf32>,
      %get3A_412 = vector.shape_cast %get3A_411 : vector<1x16xf32> to vector<16xf32>
      %add3A_413 = arith.addf %get3A_408, %get3A_412 : vector<16xf32>
      %swap3A_414 = arith.index_cast %scan3A_28 : i32 to index
      %swap3A_415 = arith.constant 432 : index
      %swap3A_416 = tpu.vector_load %arg7[%swap3A_414, %swap3A_415] {strides = array<i32>} : memref<64x768xf32, #tpu.memory_space<vmem>>, vector<1x16xf32>,
      %swap3A_417 = vector.shape_cast %swap3A_416 : vector<1x16xf32> to vector<16xf32>
      %swap3A_418 = vector.shape_cast %add3A_413 : vector<16xf32> to vector<1x16xf32>
      tpu.vector_store %arg7[%swap3A_414, %swap3A_415], %swap3A_418 {strides = array<i32>} : memref<64x768xf32, #tpu.memory_space<vmem>>, vector<1x16xf32>,
      %get3A_419 = arith.index_cast %scan3A_28 : i32 to index
      %get3A_420 = arith.constant 448 : index
      %get3A_421 = tpu.vector_load %arg7[%get3A_419, %get3A_420] {strides = array<i32>} : memref<64x768xf32, #tpu.memory_space<vmem>>, vector<1x16xf32>,
      %get3A_422 = vector.shape_cast %get3A_421 : vector<1x16xf32> to vector<16xf32>
      %get3A_423 = arith.index_cast %scan3A_28 : i32 to index
      %get3A_424 = arith.constant 448 : index
      %get3A_425 = tpu.vector_load %arg8[%get3A_423, %get3A_424] {strides = array<i32>} : memref<64x768xf32, #tpu.memory_space<vmem>>, vector<1x16xf32>,
      %get3A_426 = vector.shape_cast %get3A_425 : vector<1x16xf32> to vector<16xf32>
      %add3A_427 = arith.addf %get3A_422, %get3A_426 : vector<16xf32>
      %swap3A_428 = arith.index_cast %scan3A_28 : i32 to index
      %swap3A_429 = arith.constant 448 : index
      %swap3A_430 = tpu.vector_load %arg7[%swap3A_428, %swap3A_429] {strides = array<i32>} : memref<64x768xf32, #tpu.memory_space<vmem>>, vector<1x16xf32>,
      %swap3A_431 = vector.shape_cast %swap3A_430 : vector<1x16xf32> to vector<16xf32>
      %swap3A_432 = vector.shape_cast %add3A_427 : vector<16xf32> to vector<1x16xf32>
      tpu.vector_store %arg7[%swap3A_428, %swap3A_429], %swap3A_432 {strides = array<i32>} : memref<64x768xf32, #tpu.memory_space<vmem>>, vector<1x16xf32>,
      %get3A_433 = arith.index_cast %scan3A_28 : i32 to index
      %get3A_434 = arith.constant 464 : index
      %get3A_435 = tpu.vector_load %arg7[%get3A_433, %get3A_434] {strides = array<i32>} : memref<64x768xf32, #tpu.memory_space<vmem>>, vector<1x16xf32>,
      %get3A_436 = vector.shape_cast %get3A_435 : vector<1x16xf32> to vector<16xf32>
      %get3A_437 = arith.index_cast %scan3A_28 : i32 to index
      %get3A_438 = arith.constant 464 : index
      %get3A_439 = tpu.vector_load %arg8[%get3A_437, %get3A_438] {strides = array<i32>} : memref<64x768xf32, #tpu.memory_space<vmem>>, vector<1x16xf32>,
      %get3A_440 = vector.shape_cast %get3A_439 : vector<1x16xf32> to vector<16xf32>
      %add3A_441 = arith.addf %get3A_436, %get3A_440 : vector<16xf32>
      %swap3A_442 = arith.index_cast %scan3A_28 : i32 to index
      %swap3A_443 = arith.constant 464 : index
      %swap3A_444 = tpu.vector_load %arg7[%swap3A_442, %swap3A_443] {strides = array<i32>} : memref<64x768xf32, #tpu.memory_space<vmem>>, vector<1x16xf32>,
      %swap3A_445 = vector.shape_cast %swap3A_444 : vector<1x16xf32> to vector<16xf32>
      %swap3A_446 = vector.shape_cast %add3A_441 : vector<16xf32> to vector<1x16xf32>
      tpu.vector_store %arg7[%swap3A_442, %swap3A_443], %swap3A_446 {strides = array<i32>} : memref<64x768xf32, #tpu.memory_space<vmem>>, vector<1x16xf32>,
      %get3A_447 = arith.index_cast %scan3A_28 : i32 to index
      %get3A_448 = arith.constant 480 : index
      %get3A_449 = tpu.vector_load %arg7[%get3A_447, %get3A_448] {strides = array<i32>} : memref<64x768xf32, #tpu.memory_space<vmem>>, vector<1x16xf32>,
      %get3A_450 = vector.shape_cast %get3A_449 : vector<1x16xf32> to vector<16xf32>
      %get3A_451 = arith.index_cast %scan3A_28 : i32 to index
      %get3A_452 = arith.constant 480 : index
      %get3A_453 = tpu.vector_load %arg8[%get3A_451, %get3A_452] {strides = array<i32>} : memref<64x768xf32, #tpu.memory_space<vmem>>, vector<1x16xf32>,
      %get3A_454 = vector.shape_cast %get3A_453 : vector<1x16xf32> to vector<16xf32>
      %add3A_455 = arith.addf %get3A_450, %get3A_454 : vector<16xf32>
      %swap3A_456 = arith.index_cast %scan3A_28 : i32 to index
      %swap3A_457 = arith.constant 480 : index
      %swap3A_458 = tpu.vector_load %arg7[%swap3A_456, %swap3A_457] {strides = array<i32>} : memref<64x768xf32, #tpu.memory_space<vmem>>, vector<1x16xf32>,
      %swap3A_459 = vector.shape_cast %swap3A_458 : vector<1x16xf32> to vector<16xf32>
      %swap3A_460 = vector.shape_cast %add3A_455 : vector<16xf32> to vector<1x16xf32>
      tpu.vector_store %arg7[%swap3A_456, %swap3A_457], %swap3A_460 {strides = array<i32>} : memref<64x768xf32, #tpu.memory_space<vmem>>, vector<1x16xf32>,
      %get3A_461 = arith.index_cast %scan3A_28 : i32 to index
      %get3A_462 = arith.constant 496 : index
      %get3A_463 = tpu.vector_load %arg7[%get3A_461, %get3A_462] {strides = array<i32>} : memref<64x768xf32, #tpu.memory_space<vmem>>, vector<1x16xf32>,
      %get3A_464 = vector.shape_cast %get3A_463 : vector<1x16xf32> to vector<16xf32>
      %get3A_465 = arith.index_cast %scan3A_28 : i32 to index
      %get3A_466 = arith.constant 496 : index
      %get3A_467 = tpu.vector_load %arg8[%get3A_465, %get3A_466] {strides = array<i32>} : memref<64x768xf32, #tpu.memory_space<vmem>>, vector<1x16xf32>,
      %get3A_468 = vector.shape_cast %get3A_467 : vector<1x16xf32> to vector<16xf32>
      %add3A_469 = arith.addf %get3A_464, %get3A_468 : vector<16xf32>
      %swap3A_470 = arith.index_cast %scan3A_28 : i32 to index
      %swap3A_471 = arith.constant 496 : index
      %swap3A_472 = tpu.vector_load %arg7[%swap3A_470, %swap3A_471] {strides = array<i32>} : memref<64x768xf32, #tpu.memory_space<vmem>>, vector<1x16xf32>,
      %swap3A_473 = vector.shape_cast %swap3A_472 : vector<1x16xf32> to vector<16xf32>
      %swap3A_474 = vector.shape_cast %add3A_469 : vector<16xf32> to vector<1x16xf32>
      tpu.vector_store %arg7[%swap3A_470, %swap3A_471], %swap3A_474 {strides = array<i32>} : memref<64x768xf32, #tpu.memory_space<vmem>>, vector<1x16xf32>,
      %get3A_475 = arith.index_cast %scan3A_28 : i32 to index
      %get3A_476 = arith.constant 512 : index
      %get3A_477 = tpu.vector_load %arg7[%get3A_475, %get3A_476] {strides = array<i32>} : memref<64x768xf32, #tpu.memory_space<vmem>>, vector<1x16xf32>,
      %get3A_478 = vector.shape_cast %get3A_477 : vector<1x16xf32> to vector<16xf32>
      %get3A_479 = arith.index_cast %scan3A_28 : i32 to index
      %get3A_480 = arith.constant 512 : index
      %get3A_481 = tpu.vector_load %arg8[%get3A_479, %get3A_480] {strides = array<i32>} : memref<64x768xf32, #tpu.memory_space<vmem>>, vector<1x16xf32>,
      %get3A_482 = vector.shape_cast %get3A_481 : vector<1x16xf32> to vector<16xf32>
      %add3A_483 = arith.addf %get3A_478, %get3A_482 : vector<16xf32>
      %swap3A_484 = arith.index_cast %scan3A_28 : i32 to index
      %swap3A_485 = arith.constant 512 : index
      %swap3A_486 = tpu.vector_load %arg7[%swap3A_484, %swap3A_485] {strides = array<i32>} : memref<64x768xf32, #tpu.memory_space<vmem>>, vector<1x16xf32>,
      %swap3A_487 = vector.shape_cast %swap3A_486 : vector<1x16xf32> to vector<16xf32>
      %swap3A_488 = vector.shape_cast %add3A_483 : vector<16xf32> to vector<1x16xf32>
      tpu.vector_store %arg7[%swap3A_484, %swap3A_485], %swap3A_488 {strides = array<i32>} : memref<64x768xf32, #tpu.memory_space<vmem>>, vector<1x16xf32>,
      %get3A_489 = arith.index_cast %scan3A_28 : i32 to index
      %get3A_490 = arith.constant 528 : index
      %get3A_491 = tpu.vector_load %arg7[%get3A_489, %get3A_490] {strides = array<i32>} : memref<64x768xf32, #tpu.memory_space<vmem>>, vector<1x16xf32>,
      %get3A_492 = vector.shape_cast %get3A_491 : vector<1x16xf32> to vector<16xf32>
      %get3A_493 = arith.index_cast %scan3A_28 : i32 to index
      %get3A_494 = arith.constant 528 : index
      %get3A_495 = tpu.vector_load %arg8[%get3A_493, %get3A_494] {strides = array<i32>} : memref<64x768xf32, #tpu.memory_space<vmem>>, vector<1x16xf32>,
      %get3A_496 = vector.shape_cast %get3A_495 : vector<1x16xf32> to vector<16xf32>
      %add3A_497 = arith.addf %get3A_492, %get3A_496 : vector<16xf32>
      %swap3A_498 = arith.index_cast %scan3A_28 : i32 to index
      %swap3A_499 = arith.constant 528 : index
      %swap3A_500 = tpu.vector_load %arg7[%swap3A_498, %swap3A_499] {strides = array<i32>} : memref<64x768xf32, #tpu.memory_space<vmem>>, vector<1x16xf32>,
      %swap3A_501 = vector.shape_cast %swap3A_500 : vector<1x16xf32> to vector<16xf32>
      %swap3A_502 = vector.shape_cast %add3A_497 : vector<16xf32> to vector<1x16xf32>
      tpu.vector_store %arg7[%swap3A_498, %swap3A_499], %swap3A_502 {strides = array<i32>} : memref<64x768xf32, #tpu.memory_space<vmem>>, vector<1x16xf32>,
      %get3A_503 = arith.index_cast %scan3A_28 : i32 to index
      %get3A_504 = arith.constant 544 : index
      %get3A_505 = tpu.vector_load %arg7[%get3A_503, %get3A_504] {strides = array<i32>} : memref<64x768xf32, #tpu.memory_space<vmem>>, vector<1x16xf32>,
      %get3A_506 = vector.shape_cast %get3A_505 : vector<1x16xf32> to vector<16xf32>
      %get3A_507 = arith.index_cast %scan3A_28 : i32 to index
      %get3A_508 = arith.constant 544 : index
      %get3A_509 = tpu.vector_load %arg8[%get3A_507, %get3A_508] {strides = array<i32>} : memref<64x768xf32, #tpu.memory_space<vmem>>, vector<1x16xf32>,
      %get3A_510 = vector.shape_cast %get3A_509 : vector<1x16xf32> to vector<16xf32>
      %add3A_511 = arith.addf %get3A_506, %get3A_510 : vector<16xf32>
      %swap3A_512 = arith.index_cast %scan3A_28 : i32 to index
      %swap3A_513 = arith.constant 544 : index
      %swap3A_514 = tpu.vector_load %arg7[%swap3A_512, %swap3A_513] {strides = array<i32>} : memref<64x768xf32, #tpu.memory_space<vmem>>, vector<1x16xf32>,
      %swap3A_515 = vector.shape_cast %swap3A_514 : vector<1x16xf32> to vector<16xf32>
      %swap3A_516 = vector.shape_cast %add3A_511 : vector<16xf32> to vector<1x16xf32>
      tpu.vector_store %arg7[%swap3A_512, %swap3A_513], %swap3A_516 {strides = array<i32>} : memref<64x768xf32, #tpu.memory_space<vmem>>, vector<1x16xf32>,
      %get3A_517 = arith.index_cast %scan3A_28 : i32 to index
      %get3A_518 = arith.constant 560 : index
      %get3A_519 = tpu.vector_load %arg7[%get3A_517, %get3A_518] {strides = array<i32>} : memref<64x768xf32, #tpu.memory_space<vmem>>, vector<1x16xf32>,
      %get3A_520 = vector.shape_cast %get3A_519 : vector<1x16xf32> to vector<16xf32>
      %get3A_521 = arith.index_cast %scan3A_28 : i32 to index
      %get3A_522 = arith.constant 560 : index
      %get3A_523 = tpu.vector_load %arg8[%get3A_521, %get3A_522] {strides = array<i32>} : memref<64x768xf32, #tpu.memory_space<vmem>>, vector<1x16xf32>,
      %get3A_524 = vector.shape_cast %get3A_523 : vector<1x16xf32> to vector<16xf32>
      %add3A_525 = arith.addf %get3A_520, %get3A_524 : vector<16xf32>
      %swap3A_526 = arith.index_cast %scan3A_28 : i32 to index
      %swap3A_527 = arith.constant 560 : index
      %swap3A_528 = tpu.vector_load %arg7[%swap3A_526, %swap3A_527] {strides = array<i32>} : memref<64x768xf32, #tpu.memory_space<vmem>>, vector<1x16xf32>,
      %swap3A_529 = vector.shape_cast %swap3A_528 : vector<1x16xf32> to vector<16xf32>
      %swap3A_530 = vector.shape_cast %add3A_525 : vector<16xf32> to vector<1x16xf32>
      tpu.vector_store %arg7[%swap3A_526, %swap3A_527], %swap3A_530 {strides = array<i32>} : memref<64x768xf32, #tpu.memory_space<vmem>>, vector<1x16xf32>,
      %get3A_531 = arith.index_cast %scan3A_28 : i32 to index
      %get3A_532 = arith.constant 576 : index
      %get3A_533 = tpu.vector_load %arg7[%get3A_531, %get3A_532] {strides = array<i32>} : memref<64x768xf32, #tpu.memory_space<vmem>>, vector<1x16xf32>,
      %get3A_534 = vector.shape_cast %get3A_533 : vector<1x16xf32> to vector<16xf32>
      %get3A_535 = arith.index_cast %scan3A_28 : i32 to index
      %get3A_536 = arith.constant 576 : index
      %get3A_537 = tpu.vector_load %arg8[%get3A_535, %get3A_536] {strides = array<i32>} : memref<64x768xf32, #tpu.memory_space<vmem>>, vector<1x16xf32>,
      %get3A_538 = vector.shape_cast %get3A_537 : vector<1x16xf32> to vector<16xf32>
      %add3A_539 = arith.addf %get3A_534, %get3A_538 : vector<16xf32>
      %swap3A_540 = arith.index_cast %scan3A_28 : i32 to index
      %swap3A_541 = arith.constant 576 : index
      %swap3A_542 = tpu.vector_load %arg7[%swap3A_540, %swap3A_541] {strides = array<i32>} : memref<64x768xf32, #tpu.memory_space<vmem>>, vector<1x16xf32>,
      %swap3A_543 = vector.shape_cast %swap3A_542 : vector<1x16xf32> to vector<16xf32>
      %swap3A_544 = vector.shape_cast %add3A_539 : vector<16xf32> to vector<1x16xf32>
      tpu.vector_store %arg7[%swap3A_540, %swap3A_541], %swap3A_544 {strides = array<i32>} : memref<64x768xf32, #tpu.memory_space<vmem>>, vector<1x16xf32>,
      %get3A_545 = arith.index_cast %scan3A_28 : i32 to index
      %get3A_546 = arith.constant 592 : index
      %get3A_547 = tpu.vector_load %arg7[%get3A_545, %get3A_546] {strides = array<i32>} : memref<64x768xf32, #tpu.memory_space<vmem>>, vector<1x16xf32>,
      %get3A_548 = vector.shape_cast %get3A_547 : vector<1x16xf32> to vector<16xf32>
      %get3A_549 = arith.index_cast %scan3A_28 : i32 to index
      %get3A_550 = arith.constant 592 : index
      %get3A_551 = tpu.vector_load %arg8[%get3A_549, %get3A_550] {strides = array<i32>} : memref<64x768xf32, #tpu.memory_space<vmem>>, vector<1x16xf32>,
      %get3A_552 = vector.shape_cast %get3A_551 : vector<1x16xf32> to vector<16xf32>
      %add3A_553 = arith.addf %get3A_548, %get3A_552 : vector<16xf32>
      %swap3A_554 = arith.index_cast %scan3A_28 : i32 to index
      %swap3A_555 = arith.constant 592 : index
      %swap3A_556 = tpu.vector_load %arg7[%swap3A_554, %swap3A_555] {strides = array<i32>} : memref<64x768xf32, #tpu.memory_space<vmem>>, vector<1x16xf32>,
      %swap3A_557 = vector.shape_cast %swap3A_556 : vector<1x16xf32> to vector<16xf32>
      %swap3A_558 = vector.shape_cast %add3A_553 : vector<16xf32> to vector<1x16xf32>
      tpu.vector_store %arg7[%swap3A_554, %swap3A_555], %swap3A_558 {strides = array<i32>} : memref<64x768xf32, #tpu.memory_space<vmem>>, vector<1x16xf32>,
      %get3A_559 = arith.index_cast %scan3A_28 : i32 to index
      %get3A_560 = arith.constant 608 : index
      %get3A_561 = tpu.vector_load %arg7[%get3A_559, %get3A_560] {strides = array<i32>} : memref<64x768xf32, #tpu.memory_space<vmem>>, vector<1x16xf32>,
      %get3A_562 = vector.shape_cast %get3A_561 : vector<1x16xf32> to vector<16xf32>
      %get3A_563 = arith.index_cast %scan3A_28 : i32 to index
      %get3A_564 = arith.constant 608 : index
      %get3A_565 = tpu.vector_load %arg8[%get3A_563, %get3A_564] {strides = array<i32>} : memref<64x768xf32, #tpu.memory_space<vmem>>, vector<1x16xf32>,
      %get3A_566 = vector.shape_cast %get3A_565 : vector<1x16xf32> to vector<16xf32>
      %add3A_567 = arith.addf %get3A_562, %get3A_566 : vector<16xf32>
      %swap3A_568 = arith.index_cast %scan3A_28 : i32 to index
      %swap3A_569 = arith.constant 608 : index
      %swap3A_570 = tpu.vector_load %arg7[%swap3A_568, %swap3A_569] {strides = array<i32>} : memref<64x768xf32, #tpu.memory_space<vmem>>, vector<1x16xf32>,
      %swap3A_571 = vector.shape_cast %swap3A_570 : vector<1x16xf32> to vector<16xf32>
      %swap3A_572 = vector.shape_cast %add3A_567 : vector<16xf32> to vector<1x16xf32>
      tpu.vector_store %arg7[%swap3A_568, %swap3A_569], %swap3A_572 {strides = array<i32>} : memref<64x768xf32, #tpu.memory_space<vmem>>, vector<1x16xf32>,
      %get3A_573 = arith.index_cast %scan3A_28 : i32 to index
      %get3A_574 = arith.constant 624 : index
      %get3A_575 = tpu.vector_load %arg7[%get3A_573, %get3A_574] {strides = array<i32>} : memref<64x768xf32, #tpu.memory_space<vmem>>, vector<1x16xf32>,
      %get3A_576 = vector.shape_cast %get3A_575 : vector<1x16xf32> to vector<16xf32>
      %get3A_577 = arith.index_cast %scan3A_28 : i32 to index
      %get3A_578 = arith.constant 624 : index
      %get3A_579 = tpu.vector_load %arg8[%get3A_577, %get3A_578] {strides = array<i32>} : memref<64x768xf32, #tpu.memory_space<vmem>>, vector<1x16xf32>,
      %get3A_580 = vector.shape_cast %get3A_579 : vector<1x16xf32> to vector<16xf32>
      %add3A_581 = arith.addf %get3A_576, %get3A_580 : vector<16xf32>
      %swap3A_582 = arith.index_cast %scan3A_28 : i32 to index
      %swap3A_583 = arith.constant 624 : index
      %swap3A_584 = tpu.vector_load %arg7[%swap3A_582, %swap3A_583] {strides = array<i32>} : memref<64x768xf32, #tpu.memory_space<vmem>>, vector<1x16xf32>,
      %swap3A_585 = vector.shape_cast %swap3A_584 : vector<1x16xf32> to vector<16xf32>
      %swap3A_586 = vector.shape_cast %add3A_581 : vector<16xf32> to vector<1x16xf32>
      tpu.vector_store %arg7[%swap3A_582, %swap3A_583], %swap3A_586 {strides = array<i32>} : memref<64x768xf32, #tpu.memory_space<vmem>>, vector<1x16xf32>,
      %get3A_587 = arith.index_cast %scan3A_28 : i32 to index
      %get3A_588 = arith.constant 640 : index
      %get3A_589 = tpu.vector_load %arg7[%get3A_587, %get3A_588] {strides = array<i32>} : memref<64x768xf32, #tpu.memory_space<vmem>>, vector<1x16xf32>,
      %get3A_590 = vector.shape_cast %get3A_589 : vector<1x16xf32> to vector<16xf32>
      %get3A_591 = arith.index_cast %scan3A_28 : i32 to index
      %get3A_592 = arith.constant 640 : index
      %get3A_593 = tpu.vector_load %arg8[%get3A_591, %get3A_592] {strides = array<i32>} : memref<64x768xf32, #tpu.memory_space<vmem>>, vector<1x16xf32>,
      %get3A_594 = vector.shape_cast %get3A_593 : vector<1x16xf32> to vector<16xf32>
      %add3A_595 = arith.addf %get3A_590, %get3A_594 : vector<16xf32>
      %swap3A_596 = arith.index_cast %scan3A_28 : i32 to index
      %swap3A_597 = arith.constant 640 : index
      %swap3A_598 = tpu.vector_load %arg7[%swap3A_596, %swap3A_597] {strides = array<i32>} : memref<64x768xf32, #tpu.memory_space<vmem>>, vector<1x16xf32>,
      %swap3A_599 = vector.shape_cast %swap3A_598 : vector<1x16xf32> to vector<16xf32>
      %swap3A_600 = vector.shape_cast %add3A_595 : vector<16xf32> to vector<1x16xf32>
      tpu.vector_store %arg7[%swap3A_596, %swap3A_597], %swap3A_600 {strides = array<i32>} : memref<64x768xf32, #tpu.memory_space<vmem>>, vector<1x16xf32>,
      %get3A_601 = arith.index_cast %scan3A_28 : i32 to index
      %get3A_602 = arith.constant 656 : index
      %get3A_603 = tpu.vector_load %arg7[%get3A_601, %get3A_602] {strides = array<i32>} : memref<64x768xf32, #tpu.memory_space<vmem>>, vector<1x16xf32>,
      %get3A_604 = vector.shape_cast %get3A_603 : vector<1x16xf32> to vector<16xf32>
      %get3A_605 = arith.index_cast %scan3A_28 : i32 to index
      %get3A_606 = arith.constant 656 : index
      %get3A_607 = tpu.vector_load %arg8[%get3A_605, %get3A_606] {strides = array<i32>} : memref<64x768xf32, #tpu.memory_space<vmem>>, vector<1x16xf32>,
      %get3A_608 = vector.shape_cast %get3A_607 : vector<1x16xf32> to vector<16xf32>
      %add3A_609 = arith.addf %get3A_604, %get3A_608 : vector<16xf32>
      %swap3A_610 = arith.index_cast %scan3A_28 : i32 to index
      %swap3A_611 = arith.constant 656 : index
      %swap3A_612 = tpu.vector_load %arg7[%swap3A_610, %swap3A_611] {strides = array<i32>} : memref<64x768xf32, #tpu.memory_space<vmem>>, vector<1x16xf32>,
      %swap3A_613 = vector.shape_cast %swap3A_612 : vector<1x16xf32> to vector<16xf32>
      %swap3A_614 = vector.shape_cast %add3A_609 : vector<16xf32> to vector<1x16xf32>
      tpu.vector_store %arg7[%swap3A_610, %swap3A_611], %swap3A_614 {strides = array<i32>} : memref<64x768xf32, #tpu.memory_space<vmem>>, vector<1x16xf32>,
      %get3A_615 = arith.index_cast %scan3A_28 : i32 to index
      %get3A_616 = arith.constant 672 : index
      %get3A_617 = tpu.vector_load %arg7[%get3A_615, %get3A_616] {strides = array<i32>} : memref<64x768xf32, #tpu.memory_space<vmem>>, vector<1x16xf32>,
      %get3A_618 = vector.shape_cast %get3A_617 : vector<1x16xf32> to vector<16xf32>
      %get3A_619 = arith.index_cast %scan3A_28 : i32 to index
      %get3A_620 = arith.constant 672 : index
      %get3A_621 = tpu.vector_load %arg8[%get3A_619, %get3A_620] {strides = array<i32>} : memref<64x768xf32, #tpu.memory_space<vmem>>, vector<1x16xf32>,
      %get3A_622 = vector.shape_cast %get3A_621 : vector<1x16xf32> to vector<16xf32>
      %add3A_623 = arith.addf %get3A_618, %get3A_622 : vector<16xf32>
      %swap3A_624 = arith.index_cast %scan3A_28 : i32 to index
      %swap3A_625 = arith.constant 672 : index
      %swap3A_626 = tpu.vector_load %arg7[%swap3A_624, %swap3A_625] {strides = array<i32>} : memref<64x768xf32, #tpu.memory_space<vmem>>, vector<1x16xf32>,
      %swap3A_627 = vector.shape_cast %swap3A_626 : vector<1x16xf32> to vector<16xf32>
      %swap3A_628 = vector.shape_cast %add3A_623 : vector<16xf32> to vector<1x16xf32>
      tpu.vector_store %arg7[%swap3A_624, %swap3A_625], %swap3A_628 {strides = array<i32>} : memref<64x768xf32, #tpu.memory_space<vmem>>, vector<1x16xf32>,
      %get3A_629 = arith.index_cast %scan3A_28 : i32 to index
      %get3A_630 = arith.constant 688 : index
      %get3A_631 = tpu.vector_load %arg7[%get3A_629, %get3A_630] {strides = array<i32>} : memref<64x768xf32, #tpu.memory_space<vmem>>, vector<1x16xf32>,
      %get3A_632 = vector.shape_cast %get3A_631 : vector<1x16xf32> to vector<16xf32>
      %get3A_633 = arith.index_cast %scan3A_28 : i32 to index
      %get3A_634 = arith.constant 688 : index
      %get3A_635 = tpu.vector_load %arg8[%get3A_633, %get3A_634] {strides = array<i32>} : memref<64x768xf32, #tpu.memory_space<vmem>>, vector<1x16xf32>,
      %get3A_636 = vector.shape_cast %get3A_635 : vector<1x16xf32> to vector<16xf32>
      %add3A_637 = arith.addf %get3A_632, %get3A_636 : vector<16xf32>
      %swap3A_638 = arith.index_cast %scan3A_28 : i32 to index
      %swap3A_639 = arith.constant 688 : index
      %swap3A_640 = tpu.vector_load %arg7[%swap3A_638, %swap3A_639] {strides = array<i32>} : memref<64x768xf32, #tpu.memory_space<vmem>>, vector<1x16xf32>,
      %swap3A_641 = vector.shape_cast %swap3A_640 : vector<1x16xf32> to vector<16xf32>
      %swap3A_642 = vector.shape_cast %add3A_637 : vector<16xf32> to vector<1x16xf32>
      tpu.vector_store %arg7[%swap3A_638, %swap3A_639], %swap3A_642 {strides = array<i32>} : memref<64x768xf32, #tpu.memory_space<vmem>>, vector<1x16xf32>,
      %get3A_643 = arith.index_cast %scan3A_28 : i32 to index
      %get3A_644 = arith.constant 704 : index
      %get3A_645 = tpu.vector_load %arg7[%get3A_643, %get3A_644] {strides = array<i32>} : memref<64x768xf32, #tpu.memory_space<vmem>>, vector<1x16xf32>,
      %get3A_646 = vector.shape_cast %get3A_645 : vector<1x16xf32> to vector<16xf32>
      %get3A_647 = arith.index_cast %scan3A_28 : i32 to index
      %get3A_648 = arith.constant 704 : index
      %get3A_649 = tpu.vector_load %arg8[%get3A_647, %get3A_648] {strides = array<i32>} : memref<64x768xf32, #tpu.memory_space<vmem>>, vector<1x16xf32>,
      %get3A_650 = vector.shape_cast %get3A_649 : vector<1x16xf32> to vector<16xf32>
      %add3A_651 = arith.addf %get3A_646, %get3A_650 : vector<16xf32>
      %swap3A_652 = arith.index_cast %scan3A_28 : i32 to index
      %swap3A_653 = arith.constant 704 : index
      %swap3A_654 = tpu.vector_load %arg7[%swap3A_652, %swap3A_653] {strides = array<i32>} : memref<64x768xf32, #tpu.memory_space<vmem>>, vector<1x16xf32>,
      %swap3A_655 = vector.shape_cast %swap3A_654 : vector<1x16xf32> to vector<16xf32>
      %swap3A_656 = vector.shape_cast %add3A_651 : vector<16xf32> to vector<1x16xf32>
      tpu.vector_store %arg7[%swap3A_652, %swap3A_653], %swap3A_656 {strides = array<i32>} : memref<64x768xf32, #tpu.memory_space<vmem>>, vector<1x16xf32>,
      %get3A_657 = arith.index_cast %scan3A_28 : i32 to index
      %get3A_658 = arith.constant 720 : index
      %get3A_659 = tpu.vector_load %arg7[%get3A_657, %get3A_658] {strides = array<i32>} : memref<64x768xf32, #tpu.memory_space<vmem>>, vector<1x16xf32>,
      %get3A_660 = vector.shape_cast %get3A_659 : vector<1x16xf32> to vector<16xf32>
      %get3A_661 = arith.index_cast %scan3A_28 : i32 to index
      %get3A_662 = arith.constant 720 : index
      %get3A_663 = tpu.vector_load %arg8[%get3A_661, %get3A_662] {strides = array<i32>} : memref<64x768xf32, #tpu.memory_space<vmem>>, vector<1x16xf32>,
      %get3A_664 = vector.shape_cast %get3A_663 : vector<1x16xf32> to vector<16xf32>
      %add3A_665 = arith.addf %get3A_660, %get3A_664 : vector<16xf32>
      %swap3A_666 = arith.index_cast %scan3A_28 : i32 to index
      %swap3A_667 = arith.constant 720 : index
      %swap3A_668 = tpu.vector_load %arg7[%swap3A_666, %swap3A_667] {strides = array<i32>} : memref<64x768xf32, #tpu.memory_space<vmem>>, vector<1x16xf32>,
      %swap3A_669 = vector.shape_cast %swap3A_668 : vector<1x16xf32> to vector<16xf32>
      %swap3A_670 = vector.shape_cast %add3A_665 : vector<16xf32> to vector<1x16xf32>
      tpu.vector_store %arg7[%swap3A_666, %swap3A_667], %swap3A_670 {strides = array<i32>} : memref<64x768xf32, #tpu.memory_space<vmem>>, vector<1x16xf32>,
      %get3A_671 = arith.index_cast %scan3A_28 : i32 to index
      %get3A_672 = arith.constant 736 : index
      %get3A_673 = tpu.vector_load %arg7[%get3A_671, %get3A_672] {strides = array<i32>} : memref<64x768xf32, #tpu.memory_space<vmem>>, vector<1x16xf32>,
      %get3A_674 = vector.shape_cast %get3A_673 : vector<1x16xf32> to vector<16xf32>
      %get3A_675 = arith.index_cast %scan3A_28 : i32 to index
      %get3A_676 = arith.constant 736 : index
      %get3A_677 = tpu.vector_load %arg8[%get3A_675, %get3A_676] {strides = array<i32>} : memref<64x768xf32, #tpu.memory_space<vmem>>, vector<1x16xf32>,
      %get3A_678 = vector.shape_cast %get3A_677 : vector<1x16xf32> to vector<16xf32>
      %add3A_679 = arith.addf %get3A_674, %get3A_678 : vector<16xf32>
      %swap3A_680 = arith.index_cast %scan3A_28 : i32 to index
      %swap3A_681 = arith.constant 736 : index
      %swap3A_682 = tpu.vector_load %arg7[%swap3A_680, %swap3A_681] {strides = array<i32>} : memref<64x768xf32, #tpu.memory_space<vmem>>, vector<1x16xf32>,
      %swap3A_683 = vector.shape_cast %swap3A_682 : vector<1x16xf32> to vector<16xf32>
      %swap3A_684 = vector.shape_cast %add3A_679 : vector<16xf32> to vector<1x16xf32>
      tpu.vector_store %arg7[%swap3A_680, %swap3A_681], %swap3A_684 {strides = array<i32>} : memref<64x768xf32, #tpu.memory_space<vmem>>, vector<1x16xf32>,
      %get3A_685 = arith.index_cast %scan3A_28 : i32 to index
      %get3A_686 = arith.constant 752 : index
      %get3A_687 = tpu.vector_load %arg7[%get3A_685, %get3A_686] {strides = array<i32>} : memref<64x768xf32, #tpu.memory_space<vmem>>, vector<1x16xf32>,
      %get3A_688 = vector.shape_cast %get3A_687 : vector<1x16xf32> to vector<16xf32>
      %get3A_689 = arith.index_cast %scan3A_28 : i32 to index
      %get3A_690 = arith.constant 752 : index
      %get3A_691 = tpu.vector_load %arg8[%get3A_689, %get3A_690] {strides = array<i32>} : memref<64x768xf32, #tpu.memory_space<vmem>>, vector<1x16xf32>,
      %get3A_692 = vector.shape_cast %get3A_691 : vector<1x16xf32> to vector<16xf32>
      %add3A_693 = arith.addf %get3A_688, %get3A_692 : vector<16xf32>
      %swap3A_694 = arith.index_cast %scan3A_28 : i32 to index
      %swap3A_695 = arith.constant 752 : index
      %swap3A_696 = tpu.vector_load %arg7[%swap3A_694, %swap3A_695] {strides = array<i32>} : memref<64x768xf32, #tpu.memory_space<vmem>>, vector<1x16xf32>,
      %swap3A_697 = vector.shape_cast %swap3A_696 : vector<1x16xf32> to vector<16xf32>
      %swap3A_698 = vector.shape_cast %add3A_693 : vector<16xf32> to vector<1x16xf32>
      tpu.vector_store %arg7[%swap3A_694, %swap3A_695], %swap3A_698 {strides = array<i32>} : memref<64x768xf32, #tpu.memory_space<vmem>>, vector<1x16xf32>,
    }
    %scan3A_27 = arith.constant 64 : i32
    "tpu.region"() ({
      %run_scoped3A = tpu.sem_alloc : memref<!tpu.dma_semaphore, #tpu.memory_space<semaphore_mem>>
      %dma_start3A_28 = arith.constant 0 : i32
      %dma_start3A_29 = tpu.memref_slice %arg4[%mul3A_2, %dma_start3A_28] : memref<2048x768xf32, #tpu.memory_space<hbm>> -> memref<64x768xf32, #tpu.memory_space<hbm>>
      %dma_start3A_30 = arith.constant 0 : i32
      %dma_start3A_31 = tpu.memref_slice %arg4[%mul3A_2, %dma_start3A_30] : memref<2048x768xf32, #tpu.memory_space<hbm>> -> memref<64x768xf32, #tpu.memory_space<hbm>>
      tpu.enqueue_dma source(%arg7 : memref<64x768xf32, #tpu.memory_space<vmem>>) target(%dma_start3A_31 : memref<64x768xf32, #tpu.memory_space<hbm>>) target_semaphore(%run_scoped3A : memref<!tpu.dma_semaphore, #tpu.memory_space<semaphore_mem>>)
      %dma_wait3A_32 = arith.constant 0 : i32
      %dma_wait3A_33 = tpu.memref_slice %arg4[%mul3A_2, %dma_wait3A_32] : memref<2048x768xf32, #tpu.memory_space<hbm>> -> memref<64x768xf32, #tpu.memory_space<hbm>>
      %dma_wait3A_34 = arith.constant 0 : i32
      %dma_wait3A_35 = tpu.memref_slice %arg4[%mul3A_2, %dma_wait3A_34] : memref<2048x768xf32, #tpu.memory_space<hbm>> -> memref<64x768xf32, #tpu.memory_space<hbm>>
      tpu.wait_dma2 semaphore(%run_scoped3A : memref<!tpu.dma_semaphore, #tpu.memory_space<semaphore_mem>>) src(%arg7 : memref<64x768xf32, #tpu.memory_space<vmem>>) dst(%dma_wait3A_35 : memref<64x768xf32, #tpu.memory_space<hbm>>)
      tpu.yield
    }) : () -> ()
    return
  }
}

module attributes {stable_mosaic.version = 14 : i64} {
  func.func @_gating_body(%arg0: memref<2048x768xf32, #tpu.memory_space<vmem>>, %arg1: memref<768x8xf32, #tpu.memory_space<vmem>>, %arg2: memref<1x8xf32, #tpu.memory_space<vmem>>, %arg3: memref<2048x2xi32, #tpu.memory_space<vmem>>, %arg4: memref<24x4xi32, #tpu.memory_space<vmem>>) attributes {dimension_semantics = [], scalar_prefetch = 0 : i64, scratch_operands = 0 : i64, tpu.core_type = #tpu.core_type<tc>} {
    %get3A = arith.constant 0 : index
    %get3A_0 = arith.constant 0 : index
    %get3A_1 = vector.load %arg0[%get3A, %get3A_0] : memref<2048x768xf32, #tpu.memory_space<vmem>>, vector<2048x768xf32>
    %get3A_2 = arith.constant 0 : index
    %get3A_3 = arith.constant 0 : index
    %get3A_4 = vector.load %arg1[%get3A_2, %get3A_3] : memref<768x8xf32, #tpu.memory_space<vmem>>, vector<768x8xf32>
    %dot_general3A = arith.constant dense<0.000000e+00> : vector<2048x8xf32>
    %dot_general3A_5 = tpu.matmul %get3A_1, %get3A_4, %dot_general3A {dimension_numbers = #tpu.dot_dimension_numbers<[1], [0], [0], [1], [0, 0, 1, 1], [], []>, transpose_lhs_hint = false} : vector<2048x768xf32>, vector<768x8xf32>, vector<2048x8xf32> -> vector<2048x8xf32>
    %get3A_6 = arith.constant 0 : index
    %get3A_7 = arith.constant 0 : index
    %get3A_8 = vector.load %arg2[%get3A_6, %get3A_7] : memref<1x8xf32, #tpu.memory_space<vmem>>, vector<1x8xf32>
    %add3A = vector.broadcast %get3A_8 : vector<1x8xf32> to vector<2048x8xf32>
    %add3A_9 = arith.addf %dot_general3A_5, %add3A : vector<2048x8xf32>
    %iota3A = tpu.iota {dimensions = array<i32: 1>} : vector<2048x8xi32>
    %convert_element_type3A = arith.sitofp %iota3A : vector<2048x8xi32> to vector<2048x8xf32>
    %reduce_max3A = arith.constant dense<0xFF800000> : vector<2048xf32>
    %reduce_max3A_10 = vector.multi_reduction <maximumf>, %add3A_9, %reduce_max3A [1] : vector<2048x8xf32> to vector<2048xf32>
    %broadcast_in_dim3A = vector.shape_cast %reduce_max3A_10 : vector<2048xf32> to vector<2048x1xf32>
    %eq3A = vector.broadcast %broadcast_in_dim3A : vector<2048x1xf32> to vector<2048x8xf32>
    %eq3A_11 = arith.cmpf oeq, %add3A_9, %eq3A : vector<2048x8xf32>
    %jit3A = arith.constant 8.000000e+00 : f32
    %broadcast_in_dim3A_12 = vector.broadcast %jit3A : f32 to vector<2048x8xf32>
    %select_n3A = arith.select %eq3A_11, %convert_element_type3A, %broadcast_in_dim3A_12 : vector<2048x8xi1>, vector<2048x8xf32>
    %reduce_min3A = arith.constant dense<0x7F800000> : vector<2048xf32>
    %reduce_min3A_13 = vector.multi_reduction <minimumf>, %select_n3A, %reduce_min3A [1] : vector<2048x8xf32> to vector<2048xf32>
    %broadcast_in_dim3A_14 = vector.shape_cast %reduce_min3A_13 : vector<2048xf32> to vector<2048x1xf32>
    %eq3A_15 = vector.broadcast %broadcast_in_dim3A_14 : vector<2048x1xf32> to vector<2048x8xf32>
    %eq3A_16 = arith.cmpf oeq, %convert_element_type3A, %eq3A_15 : vector<2048x8xf32>
    %convert_element_type3A_17 = arith.extui %eq3A_16 : vector<2048x8xi1> to vector<2048x8xi32>
    %convert_element_type3A_18 = arith.sitofp %convert_element_type3A_17 : vector<2048x8xi32> to vector<2048x8xf32>
    %gt3A = arith.constant 0.000000e+00 : f32
    %gt3A_19 = vector.broadcast %gt3A : f32 to vector<2048x8xf32>
    %gt3A_20 = arith.cmpf ogt, %convert_element_type3A_18, %gt3A_19 : vector<2048x8xf32>
    %jit3A_21 = arith.constant 0xFF800000 : f32
    %broadcast_in_dim3A_22 = vector.broadcast %jit3A_21 : f32 to vector<2048x8xf32>
    %select_n3A_23 = arith.select %gt3A_20, %broadcast_in_dim3A_22, %add3A_9 : vector<2048x8xi1>, vector<2048x8xf32>
    %reduce_max3A_24 = arith.constant dense<0xFF800000> : vector<2048xf32>
    %reduce_max3A_25 = vector.multi_reduction <maximumf>, %select_n3A_23, %reduce_max3A_24 [1] : vector<2048x8xf32> to vector<2048xf32>
    %broadcast_in_dim3A_26 = vector.shape_cast %reduce_max3A_25 : vector<2048xf32> to vector<2048x1xf32>
    %eq3A_27 = vector.broadcast %broadcast_in_dim3A_26 : vector<2048x1xf32> to vector<2048x8xf32>
    %eq3A_28 = arith.cmpf oeq, %select_n3A_23, %eq3A_27 : vector<2048x8xf32>
    %jit3A_29 = arith.constant 8.000000e+00 : f32
    %broadcast_in_dim3A_30 = vector.broadcast %jit3A_29 : f32 to vector<2048x8xf32>
    %select_n3A_31 = arith.select %eq3A_28, %convert_element_type3A, %broadcast_in_dim3A_30 : vector<2048x8xi1>, vector<2048x8xf32>
    %reduce_min3A_32 = arith.constant dense<0x7F800000> : vector<2048xf32>
    %reduce_min3A_33 = vector.multi_reduction <minimumf>, %select_n3A_31, %reduce_min3A_32 [1] : vector<2048x8xf32> to vector<2048xf32>
    %broadcast_in_dim3A_34 = vector.shape_cast %reduce_min3A_33 : vector<2048xf32> to vector<2048x1xf32>
    %eq3A_35 = vector.broadcast %broadcast_in_dim3A_34 : vector<2048x1xf32> to vector<2048x8xf32>
    %eq3A_36 = arith.cmpf oeq, %convert_element_type3A, %eq3A_35 : vector<2048x8xf32>
    %convert_element_type3A_37 = arith.extui %eq3A_36 : vector<2048x8xi1> to vector<2048x8xi32>
    %convert_element_type3A_38 = arith.sitofp %convert_element_type3A_37 : vector<2048x8xi32> to vector<2048x8xf32>
    %iota3A_39 = tpu.iota {dimensions = array<i32: 0>} : vector<256x256xi32>
    %iota3A_40 = tpu.iota {dimensions = array<i32: 1>} : vector<256x256xi32>
    %ge3A = arith.cmpi sge, %iota3A_39, %iota3A_40 : vector<256x256xi32>
    %convert_element_type3A_41 = arith.extui %ge3A : vector<256x256xi1> to vector<256x256xi32>
    %convert_element_type3A_42 = arith.sitofp %convert_element_type3A_41 : vector<256x256xi32> to vector<256x256xf32>
    %broadcast_in_dim3A_43 = arith.constant 0.000000e+00 : f32
    %broadcast_in_dim3A_44 = vector.broadcast %broadcast_in_dim3A_43 : f32 to vector<1x8xf32>
    %slice3A = vector.extract_strided_slice %convert_element_type3A_18 {offsets = [0, 0], sizes = [256, 8], strides = [1, 1]} : vector<2048x8xf32> to vector<256x8xf32>
    %dot_general3A_45 = arith.constant dense<0.000000e+00> : vector<256x8xf32>
    %dot_general3A_46 = tpu.matmul %convert_element_type3A_42, %slice3A, %dot_general3A_45 {dimension_numbers = #tpu.dot_dimension_numbers<[1], [0], [0], [1], [0, 0, 1, 1], [], []>, transpose_lhs_hint = false} : vector<256x256xf32>, vector<256x8xf32>, vector<256x8xf32> -> vector<256x8xf32>
    %add3A_47 = vector.broadcast %broadcast_in_dim3A_44 : vector<1x8xf32> to vector<256x8xf32>
    %add3A_48 = arith.addf %dot_general3A_46, %add3A_47 : vector<256x8xf32>
    %slice3A_49 = vector.extract_strided_slice %add3A_48 {offsets = [255, 0], sizes = [1, 8], strides = [1, 1]} : vector<256x8xf32> to vector<1x8xf32>
    %slice3A_50 = vector.extract_strided_slice %convert_element_type3A_18 {offsets = [256, 0], sizes = [256, 8], strides = [1, 1]} : vector<2048x8xf32> to vector<256x8xf32>
    %dot_general3A_51 = arith.constant dense<0.000000e+00> : vector<256x8xf32>
    %dot_general3A_52 = tpu.matmul %convert_element_type3A_42, %slice3A_50, %dot_general3A_51 {dimension_numbers = #tpu.dot_dimension_numbers<[1], [0], [0], [1], [0, 0, 1, 1], [], []>, transpose_lhs_hint = false} : vector<256x256xf32>, vector<256x8xf32>, vector<256x8xf32> -> vector<256x8xf32>
    %add3A_53 = vector.broadcast %slice3A_49 : vector<1x8xf32> to vector<256x8xf32>
    %add3A_54 = arith.addf %dot_general3A_52, %add3A_53 : vector<256x8xf32>
    %slice3A_55 = vector.extract_strided_slice %add3A_54 {offsets = [255, 0], sizes = [1, 8], strides = [1, 1]} : vector<256x8xf32> to vector<1x8xf32>
    %slice3A_56 = vector.extract_strided_slice %convert_element_type3A_18 {offsets = [512, 0], sizes = [256, 8], strides = [1, 1]} : vector<2048x8xf32> to vector<256x8xf32>
    %dot_general3A_57 = arith.constant dense<0.000000e+00> : vector<256x8xf32>
    %dot_general3A_58 = tpu.matmul %convert_element_type3A_42, %slice3A_56, %dot_general3A_57 {dimension_numbers = #tpu.dot_dimension_numbers<[1], [0], [0], [1], [0, 0, 1, 1], [], []>, transpose_lhs_hint = false} : vector<256x256xf32>, vector<256x8xf32>, vector<256x8xf32> -> vector<256x8xf32>
    %add3A_59 = vector.broadcast %slice3A_55 : vector<1x8xf32> to vector<256x8xf32>
    %add3A_60 = arith.addf %dot_general3A_58, %add3A_59 : vector<256x8xf32>
    %slice3A_61 = vector.extract_strided_slice %add3A_60 {offsets = [255, 0], sizes = [1, 8], strides = [1, 1]} : vector<256x8xf32> to vector<1x8xf32>
    %slice3A_62 = vector.extract_strided_slice %convert_element_type3A_18 {offsets = [768, 0], sizes = [256, 8], strides = [1, 1]} : vector<2048x8xf32> to vector<256x8xf32>
    %dot_general3A_63 = arith.constant dense<0.000000e+00> : vector<256x8xf32>
    %dot_general3A_64 = tpu.matmul %convert_element_type3A_42, %slice3A_62, %dot_general3A_63 {dimension_numbers = #tpu.dot_dimension_numbers<[1], [0], [0], [1], [0, 0, 1, 1], [], []>, transpose_lhs_hint = false} : vector<256x256xf32>, vector<256x8xf32>, vector<256x8xf32> -> vector<256x8xf32>
    %add3A_65 = vector.broadcast %slice3A_61 : vector<1x8xf32> to vector<256x8xf32>
    %add3A_66 = arith.addf %dot_general3A_64, %add3A_65 : vector<256x8xf32>
    %slice3A_67 = vector.extract_strided_slice %add3A_66 {offsets = [255, 0], sizes = [1, 8], strides = [1, 1]} : vector<256x8xf32> to vector<1x8xf32>
    %slice3A_68 = vector.extract_strided_slice %convert_element_type3A_18 {offsets = [1024, 0], sizes = [256, 8], strides = [1, 1]} : vector<2048x8xf32> to vector<256x8xf32>
    %dot_general3A_69 = arith.constant dense<0.000000e+00> : vector<256x8xf32>
    %dot_general3A_70 = tpu.matmul %convert_element_type3A_42, %slice3A_68, %dot_general3A_69 {dimension_numbers = #tpu.dot_dimension_numbers<[1], [0], [0], [1], [0, 0, 1, 1], [], []>, transpose_lhs_hint = false} : vector<256x256xf32>, vector<256x8xf32>, vector<256x8xf32> -> vector<256x8xf32>
    %add3A_71 = vector.broadcast %slice3A_67 : vector<1x8xf32> to vector<256x8xf32>
    %add3A_72 = arith.addf %dot_general3A_70, %add3A_71 : vector<256x8xf32>
    %slice3A_73 = vector.extract_strided_slice %add3A_72 {offsets = [255, 0], sizes = [1, 8], strides = [1, 1]} : vector<256x8xf32> to vector<1x8xf32>
    %slice3A_74 = vector.extract_strided_slice %convert_element_type3A_18 {offsets = [1280, 0], sizes = [256, 8], strides = [1, 1]} : vector<2048x8xf32> to vector<256x8xf32>
    %dot_general3A_75 = arith.constant dense<0.000000e+00> : vector<256x8xf32>
    %dot_general3A_76 = tpu.matmul %convert_element_type3A_42, %slice3A_74, %dot_general3A_75 {dimension_numbers = #tpu.dot_dimension_numbers<[1], [0], [0], [1], [0, 0, 1, 1], [], []>, transpose_lhs_hint = false} : vector<256x256xf32>, vector<256x8xf32>, vector<256x8xf32> -> vector<256x8xf32>
    %add3A_77 = vector.broadcast %slice3A_73 : vector<1x8xf32> to vector<256x8xf32>
    %add3A_78 = arith.addf %dot_general3A_76, %add3A_77 : vector<256x8xf32>
    %slice3A_79 = vector.extract_strided_slice %add3A_78 {offsets = [255, 0], sizes = [1, 8], strides = [1, 1]} : vector<256x8xf32> to vector<1x8xf32>
    %slice3A_80 = vector.extract_strided_slice %convert_element_type3A_18 {offsets = [1536, 0], sizes = [256, 8], strides = [1, 1]} : vector<2048x8xf32> to vector<256x8xf32>
    %dot_general3A_81 = arith.constant dense<0.000000e+00> : vector<256x8xf32>
    %dot_general3A_82 = tpu.matmul %convert_element_type3A_42, %slice3A_80, %dot_general3A_81 {dimension_numbers = #tpu.dot_dimension_numbers<[1], [0], [0], [1], [0, 0, 1, 1], [], []>, transpose_lhs_hint = false} : vector<256x256xf32>, vector<256x8xf32>, vector<256x8xf32> -> vector<256x8xf32>
    %add3A_83 = vector.broadcast %slice3A_79 : vector<1x8xf32> to vector<256x8xf32>
    %add3A_84 = arith.addf %dot_general3A_82, %add3A_83 : vector<256x8xf32>
    %slice3A_85 = vector.extract_strided_slice %add3A_84 {offsets = [255, 0], sizes = [1, 8], strides = [1, 1]} : vector<256x8xf32> to vector<1x8xf32>
    %slice3A_86 = vector.extract_strided_slice %convert_element_type3A_18 {offsets = [1792, 0], sizes = [256, 8], strides = [1, 1]} : vector<2048x8xf32> to vector<256x8xf32>
    %dot_general3A_87 = arith.constant dense<0.000000e+00> : vector<256x8xf32>
    %dot_general3A_88 = tpu.matmul %convert_element_type3A_42, %slice3A_86, %dot_general3A_87 {dimension_numbers = #tpu.dot_dimension_numbers<[1], [0], [0], [1], [0, 0, 1, 1], [], []>, transpose_lhs_hint = false} : vector<256x256xf32>, vector<256x8xf32>, vector<256x8xf32> -> vector<256x8xf32>
    %add3A_89 = vector.broadcast %slice3A_85 : vector<1x8xf32> to vector<256x8xf32>
    %add3A_90 = arith.addf %dot_general3A_88, %add3A_89 : vector<256x8xf32>
    %concatenate3A = tpu.concatenate %add3A_48, %add3A_54, %add3A_60, %add3A_66, %add3A_72, %add3A_78, %add3A_84, %add3A_90 in 0 : vector<256x8xf32>, vector<256x8xf32>, vector<256x8xf32>, vector<256x8xf32>, vector<256x8xf32>, vector<256x8xf32>, vector<256x8xf32>, vector<256x8xf32> -> vector<2048x8xf32>
    %broadcast_in_dim3A_91 = arith.constant 0.000000e+00 : f32
    %broadcast_in_dim3A_92 = vector.broadcast %broadcast_in_dim3A_91 : f32 to vector<1x8xf32>
    %slice3A_93 = vector.extract_strided_slice %convert_element_type3A_38 {offsets = [0, 0], sizes = [256, 8], strides = [1, 1]} : vector<2048x8xf32> to vector<256x8xf32>
    %dot_general3A_94 = arith.constant dense<0.000000e+00> : vector<256x8xf32>
    %dot_general3A_95 = tpu.matmul %convert_element_type3A_42, %slice3A_93, %dot_general3A_94 {dimension_numbers = #tpu.dot_dimension_numbers<[1], [0], [0], [1], [0, 0, 1, 1], [], []>, transpose_lhs_hint = false} : vector<256x256xf32>, vector<256x8xf32>, vector<256x8xf32> -> vector<256x8xf32>
    %add3A_96 = vector.broadcast %broadcast_in_dim3A_92 : vector<1x8xf32> to vector<256x8xf32>
    %add3A_97 = arith.addf %dot_general3A_95, %add3A_96 : vector<256x8xf32>
    %slice3A_98 = vector.extract_strided_slice %add3A_97 {offsets = [255, 0], sizes = [1, 8], strides = [1, 1]} : vector<256x8xf32> to vector<1x8xf32>
    %slice3A_99 = vector.extract_strided_slice %convert_element_type3A_38 {offsets = [256, 0], sizes = [256, 8], strides = [1, 1]} : vector<2048x8xf32> to vector<256x8xf32>
    %dot_general3A_100 = arith.constant dense<0.000000e+00> : vector<256x8xf32>
    %dot_general3A_101 = tpu.matmul %convert_element_type3A_42, %slice3A_99, %dot_general3A_100 {dimension_numbers = #tpu.dot_dimension_numbers<[1], [0], [0], [1], [0, 0, 1, 1], [], []>, transpose_lhs_hint = false} : vector<256x256xf32>, vector<256x8xf32>, vector<256x8xf32> -> vector<256x8xf32>
    %add3A_102 = vector.broadcast %slice3A_98 : vector<1x8xf32> to vector<256x8xf32>
    %add3A_103 = arith.addf %dot_general3A_101, %add3A_102 : vector<256x8xf32>
    %slice3A_104 = vector.extract_strided_slice %add3A_103 {offsets = [255, 0], sizes = [1, 8], strides = [1, 1]} : vector<256x8xf32> to vector<1x8xf32>
    %slice3A_105 = vector.extract_strided_slice %convert_element_type3A_38 {offsets = [512, 0], sizes = [256, 8], strides = [1, 1]} : vector<2048x8xf32> to vector<256x8xf32>
    %dot_general3A_106 = arith.constant dense<0.000000e+00> : vector<256x8xf32>
    %dot_general3A_107 = tpu.matmul %convert_element_type3A_42, %slice3A_105, %dot_general3A_106 {dimension_numbers = #tpu.dot_dimension_numbers<[1], [0], [0], [1], [0, 0, 1, 1], [], []>, transpose_lhs_hint = false} : vector<256x256xf32>, vector<256x8xf32>, vector<256x8xf32> -> vector<256x8xf32>
    %add3A_108 = vector.broadcast %slice3A_104 : vector<1x8xf32> to vector<256x8xf32>
    %add3A_109 = arith.addf %dot_general3A_107, %add3A_108 : vector<256x8xf32>
    %slice3A_110 = vector.extract_strided_slice %add3A_109 {offsets = [255, 0], sizes = [1, 8], strides = [1, 1]} : vector<256x8xf32> to vector<1x8xf32>
    %slice3A_111 = vector.extract_strided_slice %convert_element_type3A_38 {offsets = [768, 0], sizes = [256, 8], strides = [1, 1]} : vector<2048x8xf32> to vector<256x8xf32>
    %dot_general3A_112 = arith.constant dense<0.000000e+00> : vector<256x8xf32>
    %dot_general3A_113 = tpu.matmul %convert_element_type3A_42, %slice3A_111, %dot_general3A_112 {dimension_numbers = #tpu.dot_dimension_numbers<[1], [0], [0], [1], [0, 0, 1, 1], [], []>, transpose_lhs_hint = false} : vector<256x256xf32>, vector<256x8xf32>, vector<256x8xf32> -> vector<256x8xf32>
    %add3A_114 = vector.broadcast %slice3A_110 : vector<1x8xf32> to vector<256x8xf32>
    %add3A_115 = arith.addf %dot_general3A_113, %add3A_114 : vector<256x8xf32>
    %slice3A_116 = vector.extract_strided_slice %add3A_115 {offsets = [255, 0], sizes = [1, 8], strides = [1, 1]} : vector<256x8xf32> to vector<1x8xf32>
    %slice3A_117 = vector.extract_strided_slice %convert_element_type3A_38 {offsets = [1024, 0], sizes = [256, 8], strides = [1, 1]} : vector<2048x8xf32> to vector<256x8xf32>
    %dot_general3A_118 = arith.constant dense<0.000000e+00> : vector<256x8xf32>
    %dot_general3A_119 = tpu.matmul %convert_element_type3A_42, %slice3A_117, %dot_general3A_118 {dimension_numbers = #tpu.dot_dimension_numbers<[1], [0], [0], [1], [0, 0, 1, 1], [], []>, transpose_lhs_hint = false} : vector<256x256xf32>, vector<256x8xf32>, vector<256x8xf32> -> vector<256x8xf32>
    %add3A_120 = vector.broadcast %slice3A_116 : vector<1x8xf32> to vector<256x8xf32>
    %add3A_121 = arith.addf %dot_general3A_119, %add3A_120 : vector<256x8xf32>
    %slice3A_122 = vector.extract_strided_slice %add3A_121 {offsets = [255, 0], sizes = [1, 8], strides = [1, 1]} : vector<256x8xf32> to vector<1x8xf32>
    %slice3A_123 = vector.extract_strided_slice %convert_element_type3A_38 {offsets = [1280, 0], sizes = [256, 8], strides = [1, 1]} : vector<2048x8xf32> to vector<256x8xf32>
    %dot_general3A_124 = arith.constant dense<0.000000e+00> : vector<256x8xf32>
    %dot_general3A_125 = tpu.matmul %convert_element_type3A_42, %slice3A_123, %dot_general3A_124 {dimension_numbers = #tpu.dot_dimension_numbers<[1], [0], [0], [1], [0, 0, 1, 1], [], []>, transpose_lhs_hint = false} : vector<256x256xf32>, vector<256x8xf32>, vector<256x8xf32> -> vector<256x8xf32>
    %add3A_126 = vector.broadcast %slice3A_122 : vector<1x8xf32> to vector<256x8xf32>
    %add3A_127 = arith.addf %dot_general3A_125, %add3A_126 : vector<256x8xf32>
    %slice3A_128 = vector.extract_strided_slice %add3A_127 {offsets = [255, 0], sizes = [1, 8], strides = [1, 1]} : vector<256x8xf32> to vector<1x8xf32>
    %slice3A_129 = vector.extract_strided_slice %convert_element_type3A_38 {offsets = [1536, 0], sizes = [256, 8], strides = [1, 1]} : vector<2048x8xf32> to vector<256x8xf32>
    %dot_general3A_130 = arith.constant dense<0.000000e+00> : vector<256x8xf32>
    %dot_general3A_131 = tpu.matmul %convert_element_type3A_42, %slice3A_129, %dot_general3A_130 {dimension_numbers = #tpu.dot_dimension_numbers<[1], [0], [0], [1], [0, 0, 1, 1], [], []>, transpose_lhs_hint = false} : vector<256x256xf32>, vector<256x8xf32>, vector<256x8xf32> -> vector<256x8xf32>
    %add3A_132 = vector.broadcast %slice3A_128 : vector<1x8xf32> to vector<256x8xf32>
    %add3A_133 = arith.addf %dot_general3A_131, %add3A_132 : vector<256x8xf32>
    %slice3A_134 = vector.extract_strided_slice %add3A_133 {offsets = [255, 0], sizes = [1, 8], strides = [1, 1]} : vector<256x8xf32> to vector<1x8xf32>
    %slice3A_135 = vector.extract_strided_slice %convert_element_type3A_38 {offsets = [1792, 0], sizes = [256, 8], strides = [1, 1]} : vector<2048x8xf32> to vector<256x8xf32>
    %dot_general3A_136 = arith.constant dense<0.000000e+00> : vector<256x8xf32>
    %dot_general3A_137 = tpu.matmul %convert_element_type3A_42, %slice3A_135, %dot_general3A_136 {dimension_numbers = #tpu.dot_dimension_numbers<[1], [0], [0], [1], [0, 0, 1, 1], [], []>, transpose_lhs_hint = false} : vector<256x256xf32>, vector<256x8xf32>, vector<256x8xf32> -> vector<256x8xf32>
    %add3A_138 = vector.broadcast %slice3A_134 : vector<1x8xf32> to vector<256x8xf32>
    %add3A_139 = arith.addf %dot_general3A_137, %add3A_138 : vector<256x8xf32>
    %concatenate3A_140 = tpu.concatenate %add3A_97, %add3A_103, %add3A_109, %add3A_115, %add3A_121, %add3A_127, %add3A_133, %add3A_139 in 0 : vector<256x8xf32>, vector<256x8xf32>, vector<256x8xf32>, vector<256x8xf32>, vector<256x8xf32>, vector<256x8xf32>, vector<256x8xf32>, vector<256x8xf32> -> vector<2048x8xf32>
    %slice3A_141 = vector.extract_strided_slice %concatenate3A {offsets = [2047, 0], sizes = [1, 8], strides = [1, 1]} : vector<2048x8xf32> to vector<1x8xf32>
    %slice3A_142 = vector.extract_strided_slice %concatenate3A_140 {offsets = [2047, 0], sizes = [1, 8], strides = [1, 1]} : vector<2048x8xf32> to vector<1x8xf32>
    %add3A_143 = arith.addf %slice3A_141, %slice3A_142 : vector<1x8xf32>
    %add3A_144 = arith.constant 2.550000e+02 : f32
    %add3A_145 = vector.broadcast %add3A_144 : f32 to vector<1x8xf32>
    %add3A_146 = arith.addf %add3A_143, %add3A_145 : vector<1x8xf32>
    %div3A = arith.constant 2.560000e+02 : f32
    %div3A_147 = vector.broadcast %div3A : f32 to vector<1x8xf32>
    %div3A_148 = arith.divf %add3A_146, %div3A_147 : vector<1x8xf32>
    %floor3A = math.floor %div3A_148 : vector<1x8xf32>
    %mul3A = arith.constant 2.560000e+02 : f32
    %mul3A_149 = vector.broadcast %mul3A : f32 to vector<1x8xf32>
    %mul3A_150 = arith.mulf %floor3A, %mul3A_149 : vector<1x8xf32>
    %iota3A_151 = tpu.iota {dimensions = array<i32: 0>} : vector<8x8xi32>
    %iota3A_152 = tpu.iota {dimensions = array<i32: 1>} : vector<8x8xi32>
    %lt3A = arith.cmpi slt, %iota3A_151, %iota3A_152 : vector<8x8xi32>
    %convert_element_type3A_153 = arith.extui %lt3A : vector<8x8xi1> to vector<8x8xi32>
    %convert_element_type3A_154 = arith.sitofp %convert_element_type3A_153 : vector<8x8xi32> to vector<8x8xf32>
    %dot_general3A_155 = arith.constant dense<0.000000e+00> : vector<1x8xf32>
    %dot_general3A_156 = tpu.matmul %mul3A_150, %convert_element_type3A_154, %dot_general3A_155 {dimension_numbers = #tpu.dot_dimension_numbers<[1], [0], [0], [1], [0, 0, 1, 1], [], []>, transpose_lhs_hint = false} : vector<1x8xf32>, vector<8x8xf32>, vector<1x8xf32> -> vector<1x8xf32>
    %add3A_157 = vector.broadcast %dot_general3A_156 : vector<1x8xf32> to vector<2048x8xf32>
    %add3A_158 = arith.addf %add3A_157, %concatenate3A : vector<2048x8xf32>
    %sub3A = arith.constant 1.000000e+00 : f32
    %sub3A_159 = vector.broadcast %sub3A : f32 to vector<2048x8xf32>
    %sub3A_160 = arith.subf %add3A_158, %sub3A_159 : vector<2048x8xf32>
    %mul3A_161 = arith.mulf %convert_element_type3A_18, %sub3A_160 : vector<2048x8xf32>
    %reduce_sum3A = arith.constant dense<0.000000e+00> : vector<2048xf32>
    %reduce_sum3A_162 = vector.multi_reduction <add>, %mul3A_161, %reduce_sum3A [1] : vector<2048x8xf32> to vector<2048xf32>
    %broadcast_in_dim3A_163 = vector.shape_cast %reduce_sum3A_162 : vector<2048xf32> to vector<2048x1xf32>
    %add3A_164 = arith.addf %dot_general3A_156, %slice3A_141 : vector<1x8xf32>
    %add3A_165 = vector.broadcast %add3A_164 : vector<1x8xf32> to vector<2048x8xf32>
    %add3A_166 = arith.addf %add3A_165, %concatenate3A_140 : vector<2048x8xf32>
    %sub3A_167 = arith.constant 1.000000e+00 : f32
    %sub3A_168 = vector.broadcast %sub3A_167 : f32 to vector<2048x8xf32>
    %sub3A_169 = arith.subf %add3A_166, %sub3A_168 : vector<2048x8xf32>
    %mul3A_170 = arith.mulf %convert_element_type3A_38, %sub3A_169 : vector<2048x8xf32>
    %reduce_sum3A_171 = arith.constant dense<0.000000e+00> : vector<2048xf32>
    %reduce_sum3A_172 = vector.multi_reduction <add>, %mul3A_170, %reduce_sum3A_171 [1] : vector<2048x8xf32> to vector<2048xf32>
    %broadcast_in_dim3A_173 = vector.shape_cast %reduce_sum3A_172 : vector<2048xf32> to vector<2048x1xf32>
    %convert_element_type3A_174 = arith.fptosi %broadcast_in_dim3A_163 : vector<2048x1xf32> to vector<2048x1xi32>
    %swap3A = arith.constant 0 : index
    %swap3A_175 = arith.constant 0 : index
    %swap3A_176 = vector.load %arg3[%swap3A, %swap3A_175] : memref<2048x2xi32, #tpu.memory_space<vmem>>, vector<2048x1xi32>
    tpu.vector_store %arg3[%swap3A, %swap3A_175], %convert_element_type3A_174 {strides = array<i32>} : memref<2048x2xi32, #tpu.memory_space<vmem>>, vector<2048x1xi32>,
    %convert_element_type3A_177 = arith.fptosi %broadcast_in_dim3A_173 : vector<2048x1xf32> to vector<2048x1xi32>
    %swap3A_178 = arith.constant 0 : index
    %swap3A_179 = arith.constant 1 : index
    %swap3A_180 = vector.load %arg3[%swap3A_178, %swap3A_179] : memref<2048x2xi32, #tpu.memory_space<vmem>>, vector<2048x1xi32>
    tpu.vector_store %arg3[%swap3A_178, %swap3A_179], %convert_element_type3A_177 {strides = array<i32>} : memref<2048x2xi32, #tpu.memory_space<vmem>>, vector<2048x1xi32>,
    %reduce_sum3A_181 = arith.constant dense<0.000000e+00> : vector<1xf32>
    %reduce_sum3A_182 = vector.multi_reduction <add>, %mul3A_150, %reduce_sum3A_181 [1] : vector<1x8xf32> to vector<1xf32>
    %broadcast_in_dim3A_183 = vector.shape_cast %reduce_sum3A_182 : vector<1xf32> to vector<1x1xf32>
    %iota3A_184 = tpu.iota {dimensions = array<i32: 0>} : vector<24x8xi32>
    %convert_element_type3A_185 = arith.sitofp %iota3A_184 : vector<24x8xi32> to vector<24x8xf32>
    %mul3A_186 = arith.constant 2.560000e+02 : f32
    %mul3A_187 = vector.broadcast %mul3A_186 : f32 to vector<24x8xf32>
    %mul3A_188 = arith.mulf %convert_element_type3A_185, %mul3A_187 : vector<24x8xf32>
    %ge3A_189 = vector.broadcast %dot_general3A_156 : vector<1x8xf32> to vector<24x8xf32>
    %ge3A_190 = arith.cmpf oge, %mul3A_188, %ge3A_189 : vector<24x8xf32>
    %convert_element_type3A_191 = arith.extui %ge3A_190 : vector<24x8xi1> to vector<24x8xi32>
    %convert_element_type3A_192 = arith.sitofp %convert_element_type3A_191 : vector<24x8xi32> to vector<24x8xf32>
    %reduce_sum3A_193 = arith.constant dense<0.000000e+00> : vector<24xf32>
    %reduce_sum3A_194 = vector.multi_reduction <add>, %convert_element_type3A_192, %reduce_sum3A_193 [1] : vector<24x8xf32> to vector<24xf32>
    %broadcast_in_dim3A_195 = vector.shape_cast %reduce_sum3A_194 : vector<24xf32> to vector<24x1xf32>
    %iota3A_196 = tpu.iota {dimensions = array<i32: 0>} : vector<24x1xi32>
    %convert_element_type3A_197 = arith.sitofp %iota3A_196 : vector<24x1xi32> to vector<24x1xf32>
    %mul3A_198 = arith.constant 2.560000e+02 : f32
    %mul3A_199 = vector.broadcast %mul3A_198 : f32 to vector<24x1xf32>
    %mul3A_200 = arith.mulf %convert_element_type3A_197, %mul3A_199 : vector<24x1xf32>
    %lt3A_201 = vector.broadcast %broadcast_in_dim3A_183 : vector<1x1xf32> to vector<24x1xf32>
    %lt3A_202 = arith.cmpf olt, %mul3A_200, %lt3A_201 : vector<24x1xf32>
    %sub3A_203 = arith.constant 1.000000e+00 : f32
    %sub3A_204 = vector.broadcast %sub3A_203 : f32 to vector<24x1xf32>
    %sub3A_205 = arith.subf %broadcast_in_dim3A_195, %sub3A_204 : vector<24x1xf32>
    %jit3A_206 = arith.constant -1.000000e+00 : f32
    %broadcast_in_dim3A_207 = vector.broadcast %jit3A_206 : f32 to vector<24x1xf32>
    %select_n3A_208 = arith.select %lt3A_202, %sub3A_205, %broadcast_in_dim3A_207 : vector<24x1xi1>, vector<24x1xf32>
    %gt3A_209 = arith.constant 0.000000e+00 : f32
    %gt3A_210 = vector.broadcast %gt3A_209 : f32 to vector<1x8xf32>
    %gt3A_211 = arith.cmpf ogt, %mul3A_150, %gt3A_210 : vector<1x8xf32>
    %convert_element_type3A_212 = arith.extui %gt3A_211 : vector<1x8xi1> to vector<1x8xi32>
    %convert_element_type3A_213 = arith.sitofp %convert_element_type3A_212 : vector<1x8xi32> to vector<1x8xf32>
    %broadcast_in_dim3A_214 = vector.shape_cast %convert_element_type3A_213 : vector<1x8xf32> to vector<1x8xf32>
    %broadcast_in_dim3A_215 = vector.broadcast %broadcast_in_dim3A_214 : vector<1x8xf32> to vector<24x8xf32>
    %broadcast_in_dim3A_216 = vector.shape_cast %dot_general3A_156 : vector<1x8xf32> to vector<1x8xf32>
    %broadcast_in_dim3A_217 = vector.broadcast %broadcast_in_dim3A_216 : vector<1x8xf32> to vector<24x8xf32>
    %le3A = arith.cmpf ole, %broadcast_in_dim3A_217, %mul3A_188 : vector<24x8xf32>
    %convert_element_type3A_218 = arith.extui %le3A : vector<24x8xi1> to vector<24x8xi32>
    %convert_element_type3A_219 = arith.sitofp %convert_element_type3A_218 : vector<24x8xi32> to vector<24x8xf32>
    %mul3A_220 = arith.mulf %broadcast_in_dim3A_215, %convert_element_type3A_219 : vector<24x8xf32>
    %reduce_sum3A_221 = arith.constant dense<0.000000e+00> : vector<24xf32>
    %reduce_sum3A_222 = vector.multi_reduction <add>, %mul3A_220, %reduce_sum3A_221 [1] : vector<24x8xf32> to vector<24xf32>
    %broadcast_in_dim3A_223 = vector.shape_cast %reduce_sum3A_222 : vector<24xf32> to vector<24x1xf32>
    %sub3A_224 = arith.constant 1.000000e+00 : f32
    %sub3A_225 = vector.broadcast %sub3A_224 : f32 to vector<24x1xf32>
    %sub3A_226 = arith.subf %broadcast_in_dim3A_223, %sub3A_225 : vector<24x1xf32>
    %div3A_227 = arith.constant 3.000000e+00 : f32
    %div3A_228 = vector.broadcast %div3A_227 : f32 to vector<24x1xf32>
    %div3A_229 = arith.divf %sub3A_226, %div3A_228 : vector<24x1xf32>
    %floor3A_230 = math.floor %div3A_229 : vector<24x1xf32>
    %mul3A_231 = arith.constant 3.000000e+00 : f32
    %mul3A_232 = vector.broadcast %mul3A_231 : f32 to vector<24x1xf32>
    %mul3A_233 = arith.mulf %mul3A_232, %floor3A_230 : vector<24x1xf32>
    %sub3A_234 = arith.subf %sub3A_226, %mul3A_233 : vector<24x1xf32>
    %eq3A_235 = arith.cmpf oeq, %broadcast_in_dim3A_217, %mul3A_188 : vector<24x8xf32>
    %convert_element_type3A_236 = arith.extui %eq3A_235 : vector<24x8xi1> to vector<24x8xi32>
    %convert_element_type3A_237 = arith.sitofp %convert_element_type3A_236 : vector<24x8xi32> to vector<24x8xf32>
    %mul3A_238 = arith.mulf %broadcast_in_dim3A_215, %convert_element_type3A_237 : vector<24x8xf32>
    %reduce_sum3A_239 = arith.constant dense<0.000000e+00> : vector<24xf32>
    %reduce_sum3A_240 = vector.multi_reduction <add>, %mul3A_238, %reduce_sum3A_239 [1] : vector<24x8xf32> to vector<24xf32>
    %broadcast_in_dim3A_241 = vector.shape_cast %reduce_sum3A_240 : vector<24xf32> to vector<24x1xf32>
    %iota3A_242 = tpu.iota {dimensions = array<i32: 1>} : vector<24x8xi32>
    %convert_element_type3A_243 = arith.sitofp %iota3A_242 : vector<24x8xi32> to vector<24x8xf32>
    %gt3A_244 = arith.constant 0.000000e+00 : f32
    %gt3A_245 = vector.broadcast %gt3A_244 : f32 to vector<24x8xf32>
    %gt3A_246 = arith.cmpf ogt, %broadcast_in_dim3A_215, %gt3A_245 : vector<24x8xf32>
    %gt3A_247 = arith.cmpf ogt, %broadcast_in_dim3A_217, %mul3A_188 : vector<24x8xf32>
    %and3A = arith.andi %gt3A_246, %gt3A_247 : vector<24x8xi1>
    %jit3A_248 = arith.constant 8.000000e+00 : f32
    %broadcast_in_dim3A_249 = vector.broadcast %jit3A_248 : f32 to vector<24x8xf32>
    %select_n3A_250 = arith.select %and3A, %convert_element_type3A_243, %broadcast_in_dim3A_249 : vector<24x8xi1>, vector<24x8xf32>
    %reduce_min3A_251 = arith.constant dense<0x7F800000> : vector<24xf32>
    %reduce_min3A_252 = vector.multi_reduction <minimumf>, %select_n3A_250, %reduce_min3A_251 [1] : vector<24x8xf32> to vector<24xf32>
    %broadcast_in_dim3A_253 = vector.shape_cast %reduce_min3A_252 : vector<24xf32> to vector<24x1xf32>
    %concatenate3A_254 = tpu.concatenate %select_n3A_208, %sub3A_234, %broadcast_in_dim3A_241, %broadcast_in_dim3A_253 in 1 : vector<24x1xf32>, vector<24x1xf32>, vector<24x1xf32>, vector<24x1xf32> -> vector<24x4xf32>
    %convert_element_type3A_255 = arith.fptosi %concatenate3A_254 : vector<24x4xf32> to vector<24x4xi32>
    %swap3A_256 = arith.constant 0 : index
    %swap3A_257 = arith.constant 0 : index
    %swap3A_258 = vector.load %arg4[%swap3A_256, %swap3A_257] : memref<24x4xi32, #tpu.memory_space<vmem>>, vector<24x4xi32>
    tpu.vector_store %arg4[%swap3A_256, %swap3A_257], %convert_element_type3A_255 {strides = array<i32>} : memref<24x4xi32, #tpu.memory_space<vmem>>, vector<24x4xi32>,
    return
  }
}

module attributes {stable_mosaic.version = 14 : i64} {
  func.func @_expert_body(%arg0: i32, %arg1: memref<24x4xi32, #tpu.memory_space<smem>>, %arg2: memref<256x768xf32, #tpu.memory_space<vmem>>, %arg3: memref<8x768x1024xf32, #tpu.memory_space<any>>, %arg4: memref<1x1x1024xf32, #tpu.memory_space<vmem>>, %arg5: memref<8x1024x768xf32, #tpu.memory_space<any>>, %arg6: memref<1x1x768xf32, #tpu.memory_space<vmem>>, %arg7: memref<256x768xf32, #tpu.memory_space<vmem>>, %arg8: memref<3x768x1024xf32, #tpu.memory_space<vmem>>, %arg9: memref<3x1024x768xf32, #tpu.memory_space<vmem>>, %arg10: memref<3x!tpu.dma_semaphore, #tpu.memory_space<semaphore_mem>>) attributes {dimension_semantics = [#tpu.dimension_semantics<arbitrary>], iteration_bounds = array<i64: 24>, scalar_prefetch = 1 : i64, scratch_operands = 3 : i64, tpu.core_type = #tpu.core_type<tc>, window_params = [{transform_indices = @transform_0, window_bounds = array<i64: 256, 768>}, {}, {transform_indices = @transform_2, window_bounds = array<i64: 1, 1, 1024>}, {}, {transform_indices = @transform_4, window_bounds = array<i64: 1, 1, 768>}, {transform_indices = @transform_5, window_bounds = array<i64: 256, 768>}]} {
    %get3A = arith.index_cast %arg0 : i32 to index
    %get3A_0 = arith.constant 0 : index
    %get3A_1 = memref.load %arg1[%get3A, %get3A_0] : memref<24x4xi32, #tpu.memory_space<smem>>
    %get3A_2 = arith.index_cast %arg0 : i32 to index
    %get3A_3 = arith.constant 1 : index
    %get3A_4 = memref.load %arg1[%get3A_2, %get3A_3] : memref<24x4xi32, #tpu.memory_space<smem>>
    %get3A_5 = arith.index_cast %arg0 : i32 to index
    %get3A_6 = arith.constant 2 : index
    %get3A_7 = memref.load %arg1[%get3A_5, %get3A_6] : memref<24x4xi32, #tpu.memory_space<smem>>
    %get3A_8 = arith.index_cast %arg0 : i32 to index
    %get3A_9 = arith.constant 3 : index
    %get3A_10 = memref.load %arg1[%get3A_8, %get3A_9] : memref<24x4xi32, #tpu.memory_space<smem>>
    %eq3A = arith.constant 0 : i32
    %eq3A_11 = arith.cmpi eq, %arg0, %eq3A : i32
    %convert_element_type3A = arith.extui %eq3A_11 : i1 to i32
    %cond3A = arith.constant 0 : i32
    %cond3A_12 = arith.cmpi ne, %convert_element_type3A, %cond3A : i32
    scf.if %cond3A_12 {
      %dma_start3A = tpu.memref_slice %arg10[%get3A_4] : memref<3x!tpu.dma_semaphore, #tpu.memory_space<semaphore_mem>> -> memref<1x!tpu.dma_semaphore, #tpu.memory_space<semaphore_mem>>
      %dma_start3A_28 = tpu.memref_squeeze %dma_start3A : memref<1x!tpu.dma_semaphore, #tpu.memory_space<semaphore_mem>> -> memref<!tpu.dma_semaphore, #tpu.memory_space<semaphore_mem>>
      %dma_start3A_29 = arith.constant 0 : i32
      %dma_start3A_30 = arith.constant 0 : i32
      %dma_start3A_31 = tpu.memref_slice %arg8[%get3A_4, %dma_start3A_29, %dma_start3A_30] : memref<3x768x1024xf32, #tpu.memory_space<vmem>> -> memref<1x768x1024xf32, #tpu.memory_space<vmem>>
      %dma_start3A_32 = tpu.memref_squeeze %dma_start3A_31 : memref<1x768x1024xf32, #tpu.memory_space<vmem>> -> memref<768x1024xf32, #tpu.memory_space<vmem>>
      %dma_start3A_33 = arith.constant 0 : i32
      %dma_start3A_34 = arith.constant 0 : i32
      %dma_start3A_35 = tpu.memref_slice %arg3[%get3A_1, %dma_start3A_33, %dma_start3A_34] : memref<8x768x1024xf32, #tpu.memory_space<any>> -> memref<1x768x1024xf32, #tpu.memory_space<any>>
      %dma_start3A_36 = tpu.memref_squeeze %dma_start3A_35 : memref<1x768x1024xf32, #tpu.memory_space<any>> -> memref<768x1024xf32, #tpu.memory_space<any>>
      tpu.enqueue_dma source(%dma_start3A_36 : memref<768x1024xf32, #tpu.memory_space<any>>) target(%dma_start3A_32 : memref<768x1024xf32, #tpu.memory_space<vmem>>) target_semaphore(%dma_start3A_28 : memref<!tpu.dma_semaphore, #tpu.memory_space<semaphore_mem>>)
      %dma_start3A_37 = tpu.memref_slice %arg10[%get3A_4] : memref<3x!tpu.dma_semaphore, #tpu.memory_space<semaphore_mem>> -> memref<1x!tpu.dma_semaphore, #tpu.memory_space<semaphore_mem>>
      %dma_start3A_38 = tpu.memref_squeeze %dma_start3A_37 : memref<1x!tpu.dma_semaphore, #tpu.memory_space<semaphore_mem>> -> memref<!tpu.dma_semaphore, #tpu.memory_space<semaphore_mem>>
      %dma_start3A_39 = arith.constant 0 : i32
      %dma_start3A_40 = arith.constant 0 : i32
      %dma_start3A_41 = tpu.memref_slice %arg9[%get3A_4, %dma_start3A_39, %dma_start3A_40] : memref<3x1024x768xf32, #tpu.memory_space<vmem>> -> memref<1x1024x768xf32, #tpu.memory_space<vmem>>
      %dma_start3A_42 = tpu.memref_squeeze %dma_start3A_41 : memref<1x1024x768xf32, #tpu.memory_space<vmem>> -> memref<1024x768xf32, #tpu.memory_space<vmem>>
      %dma_start3A_43 = arith.constant 0 : i32
      %dma_start3A_44 = arith.constant 0 : i32
      %dma_start3A_45 = tpu.memref_slice %arg5[%get3A_1, %dma_start3A_43, %dma_start3A_44] : memref<8x1024x768xf32, #tpu.memory_space<any>> -> memref<1x1024x768xf32, #tpu.memory_space<any>>
      %dma_start3A_46 = tpu.memref_squeeze %dma_start3A_45 : memref<1x1024x768xf32, #tpu.memory_space<any>> -> memref<1024x768xf32, #tpu.memory_space<any>>
      tpu.enqueue_dma source(%dma_start3A_46 : memref<1024x768xf32, #tpu.memory_space<any>>) target(%dma_start3A_42 : memref<1024x768xf32, #tpu.memory_space<vmem>>) target_semaphore(%dma_start3A_38 : memref<!tpu.dma_semaphore, #tpu.memory_space<semaphore_mem>>)
    } else {
    }
    %eq3A_13 = arith.constant 1 : i32
    %eq3A_14 = arith.cmpi eq, %get3A_7, %eq3A_13 : i32
    %lt3A = arith.constant 8 : i32
    %lt3A_15 = arith.cmpi slt, %get3A_10, %lt3A : i32
    %and3A = arith.andi %eq3A_14, %lt3A_15 : i1
    %convert_element_type3A_16 = arith.extui %and3A : i1 to i32
    %cond3A_17 = arith.constant 0 : i32
    %cond3A_18 = arith.cmpi ne, %convert_element_type3A_16, %cond3A_17 : i32
    scf.if %cond3A_18 {
      %add3A = arith.constant 1 : i32
      %add3A_28 = arith.addi %get3A_4, %add3A : i32
      %rem3A = arith.constant 3 : i32
      %rem3A_29 = arith.remsi %add3A_28, %rem3A : i32
      %dma_start3A = tpu.memref_slice %arg10[%rem3A_29] : memref<3x!tpu.dma_semaphore, #tpu.memory_space<semaphore_mem>> -> memref<1x!tpu.dma_semaphore, #tpu.memory_space<semaphore_mem>>
      %dma_start3A_30 = tpu.memref_squeeze %dma_start3A : memref<1x!tpu.dma_semaphore, #tpu.memory_space<semaphore_mem>> -> memref<!tpu.dma_semaphore, #tpu.memory_space<semaphore_mem>>
      %dma_start3A_31 = arith.constant 0 : i32
      %dma_start3A_32 = arith.constant 0 : i32
      %dma_start3A_33 = tpu.memref_slice %arg8[%rem3A_29, %dma_start3A_31, %dma_start3A_32] : memref<3x768x1024xf32, #tpu.memory_space<vmem>> -> memref<1x768x1024xf32, #tpu.memory_space<vmem>>
      %dma_start3A_34 = tpu.memref_squeeze %dma_start3A_33 : memref<1x768x1024xf32, #tpu.memory_space<vmem>> -> memref<768x1024xf32, #tpu.memory_space<vmem>>
      %dma_start3A_35 = arith.constant 0 : i32
      %dma_start3A_36 = arith.constant 0 : i32
      %dma_start3A_37 = tpu.memref_slice %arg3[%get3A_10, %dma_start3A_35, %dma_start3A_36] : memref<8x768x1024xf32, #tpu.memory_space<any>> -> memref<1x768x1024xf32, #tpu.memory_space<any>>
      %dma_start3A_38 = tpu.memref_squeeze %dma_start3A_37 : memref<1x768x1024xf32, #tpu.memory_space<any>> -> memref<768x1024xf32, #tpu.memory_space<any>>
      tpu.enqueue_dma source(%dma_start3A_38 : memref<768x1024xf32, #tpu.memory_space<any>>) target(%dma_start3A_34 : memref<768x1024xf32, #tpu.memory_space<vmem>>) target_semaphore(%dma_start3A_30 : memref<!tpu.dma_semaphore, #tpu.memory_space<semaphore_mem>>)
      %dma_start3A_39 = tpu.memref_slice %arg10[%rem3A_29] : memref<3x!tpu.dma_semaphore, #tpu.memory_space<semaphore_mem>> -> memref<1x!tpu.dma_semaphore, #tpu.memory_space<semaphore_mem>>
      %dma_start3A_40 = tpu.memref_squeeze %dma_start3A_39 : memref<1x!tpu.dma_semaphore, #tpu.memory_space<semaphore_mem>> -> memref<!tpu.dma_semaphore, #tpu.memory_space<semaphore_mem>>
      %dma_start3A_41 = arith.constant 0 : i32
      %dma_start3A_42 = arith.constant 0 : i32
      %dma_start3A_43 = tpu.memref_slice %arg9[%rem3A_29, %dma_start3A_41, %dma_start3A_42] : memref<3x1024x768xf32, #tpu.memory_space<vmem>> -> memref<1x1024x768xf32, #tpu.memory_space<vmem>>
      %dma_start3A_44 = tpu.memref_squeeze %dma_start3A_43 : memref<1x1024x768xf32, #tpu.memory_space<vmem>> -> memref<1024x768xf32, #tpu.memory_space<vmem>>
      %dma_start3A_45 = arith.constant 0 : i32
      %dma_start3A_46 = arith.constant 0 : i32
      %dma_start3A_47 = tpu.memref_slice %arg5[%get3A_10, %dma_start3A_45, %dma_start3A_46] : memref<8x1024x768xf32, #tpu.memory_space<any>> -> memref<1x1024x768xf32, #tpu.memory_space<any>>
      %dma_start3A_48 = tpu.memref_squeeze %dma_start3A_47 : memref<1x1024x768xf32, #tpu.memory_space<any>> -> memref<1024x768xf32, #tpu.memory_space<any>>
      tpu.enqueue_dma source(%dma_start3A_48 : memref<1024x768xf32, #tpu.memory_space<any>>) target(%dma_start3A_44 : memref<1024x768xf32, #tpu.memory_space<vmem>>) target_semaphore(%dma_start3A_40 : memref<!tpu.dma_semaphore, #tpu.memory_space<semaphore_mem>>)
    } else {
    }
    %eq3A_19 = arith.constant 1 : i32
    %eq3A_20 = arith.cmpi eq, %get3A_7, %eq3A_19 : i32
    %convert_element_type3A_21 = arith.extui %eq3A_20 : i1 to i32
    %cond3A_22 = arith.constant 0 : i32
    %cond3A_23 = arith.cmpi ne, %convert_element_type3A_21, %cond3A_22 : i32
    scf.if %cond3A_23 {
      %dma_wait3A = arith.constant 0 : i32
      %dma_wait3A_28 = tpu.memref_slice %arg10[%get3A_4] : memref<3x!tpu.dma_semaphore, #tpu.memory_space<semaphore_mem>> -> memref<1x!tpu.dma_semaphore, #tpu.memory_space<semaphore_mem>>
      %dma_wait3A_29 = tpu.memref_squeeze %dma_wait3A_28 : memref<1x!tpu.dma_semaphore, #tpu.memory_space<semaphore_mem>> -> memref<!tpu.dma_semaphore, #tpu.memory_space<semaphore_mem>>
      %dma_wait3A_30 = arith.constant 0 : i32
      %dma_wait3A_31 = arith.constant 0 : i32
      %dma_wait3A_32 = tpu.memref_slice %arg8[%get3A_4, %dma_wait3A_30, %dma_wait3A_31] : memref<3x768x1024xf32, #tpu.memory_space<vmem>> -> memref<1x768x1024xf32, #tpu.memory_space<vmem>>
      %dma_wait3A_33 = tpu.memref_squeeze %dma_wait3A_32 : memref<1x768x1024xf32, #tpu.memory_space<vmem>> -> memref<768x1024xf32, #tpu.memory_space<vmem>>
      %dma_wait3A_34 = arith.constant 0 : i32
      %dma_wait3A_35 = arith.constant 0 : i32
      %dma_wait3A_36 = tpu.memref_slice %arg3[%dma_wait3A, %dma_wait3A_34, %dma_wait3A_35] : memref<8x768x1024xf32, #tpu.memory_space<any>> -> memref<1x768x1024xf32, #tpu.memory_space<any>>
      %dma_wait3A_37 = tpu.memref_squeeze %dma_wait3A_36 : memref<1x768x1024xf32, #tpu.memory_space<any>> -> memref<768x1024xf32, #tpu.memory_space<any>>
      tpu.wait_dma2 semaphore(%dma_wait3A_29 : memref<!tpu.dma_semaphore, #tpu.memory_space<semaphore_mem>>) src(%dma_wait3A_37 : memref<768x1024xf32, #tpu.memory_space<any>>) dst(%dma_wait3A_33 : memref<768x1024xf32, #tpu.memory_space<vmem>>)
      %dma_wait3A_38 = arith.constant 0 : i32
      %dma_wait3A_39 = tpu.memref_slice %arg10[%get3A_4] : memref<3x!tpu.dma_semaphore, #tpu.memory_space<semaphore_mem>> -> memref<1x!tpu.dma_semaphore, #tpu.memory_space<semaphore_mem>>
      %dma_wait3A_40 = tpu.memref_squeeze %dma_wait3A_39 : memref<1x!tpu.dma_semaphore, #tpu.memory_space<semaphore_mem>> -> memref<!tpu.dma_semaphore, #tpu.memory_space<semaphore_mem>>
      %dma_wait3A_41 = arith.constant 0 : i32
      %dma_wait3A_42 = arith.constant 0 : i32
      %dma_wait3A_43 = tpu.memref_slice %arg9[%get3A_4, %dma_wait3A_41, %dma_wait3A_42] : memref<3x1024x768xf32, #tpu.memory_space<vmem>> -> memref<1x1024x768xf32, #tpu.memory_space<vmem>>
      %dma_wait3A_44 = tpu.memref_squeeze %dma_wait3A_43 : memref<1x1024x768xf32, #tpu.memory_space<vmem>> -> memref<1024x768xf32, #tpu.memory_space<vmem>>
      %dma_wait3A_45 = arith.constant 0 : i32
      %dma_wait3A_46 = arith.constant 0 : i32
      %dma_wait3A_47 = tpu.memref_slice %arg5[%dma_wait3A_38, %dma_wait3A_45, %dma_wait3A_46] : memref<8x1024x768xf32, #tpu.memory_space<any>> -> memref<1x1024x768xf32, #tpu.memory_space<any>>
      %dma_wait3A_48 = tpu.memref_squeeze %dma_wait3A_47 : memref<1x1024x768xf32, #tpu.memory_space<any>> -> memref<1024x768xf32, #tpu.memory_space<any>>
      tpu.wait_dma2 semaphore(%dma_wait3A_40 : memref<!tpu.dma_semaphore, #tpu.memory_space<semaphore_mem>>) src(%dma_wait3A_48 : memref<1024x768xf32, #tpu.memory_space<any>>) dst(%dma_wait3A_44 : memref<1024x768xf32, #tpu.memory_space<vmem>>)
    } else {
    }
    %ge3A = arith.constant 0 : i32
    %ge3A_24 = arith.cmpi sge, %get3A_1, %ge3A : i32
    %convert_element_type3A_25 = arith.extui %ge3A_24 : i1 to i32
    %cond3A_26 = arith.constant 0 : i32
    %cond3A_27 = arith.cmpi ne, %convert_element_type3A_25, %cond3A_26 : i32
    scf.if %cond3A_27 {
      %get3A_28 = arith.constant 0 : index
      %get3A_29 = arith.constant 0 : index
      %get3A_30 = vector.load %arg2[%get3A_28, %get3A_29] : memref<256x768xf32, #tpu.memory_space<vmem>>, vector<256x768xf32>
      %get3A_31 = arith.index_cast %get3A_4 : i32 to index
      %get3A_32 = arith.constant 0 : index
      %get3A_33 = arith.constant 0 : index
      %get3A_34 = vector.load %arg8[%get3A_31, %get3A_32, %get3A_33] : memref<3x768x1024xf32, #tpu.memory_space<vmem>>, vector<1x768x1024xf32>
      %get3A_35 = vector.shape_cast %get3A_34 : vector<1x768x1024xf32> to vector<768x1024xf32>
      %dot_general3A = arith.constant dense<0.000000e+00> : vector<256x1024xf32>
      %dot_general3A_36 = tpu.matmul %get3A_30, %get3A_35, %dot_general3A {dimension_numbers = #tpu.dot_dimension_numbers<[1], [0], [0], [1], [0, 0, 1, 1], [], []>, transpose_lhs_hint = false} : vector<256x768xf32>, vector<768x1024xf32>, vector<256x1024xf32> -> vector<256x1024xf32>
      %get3A_37 = arith.constant 0 : index
      %get3A_38 = arith.constant 0 : index
      %get3A_39 = arith.constant 0 : index
      %get3A_40 = vector.load %arg4[%get3A_37, %get3A_38, %get3A_39] : memref<1x1x1024xf32, #tpu.memory_space<vmem>>, vector<1x1x1024xf32>
      %get3A_41 = vector.shape_cast %get3A_40 : vector<1x1x1024xf32> to vector<1x1024xf32>
      %add3A = vector.broadcast %get3A_41 : vector<1x1024xf32> to vector<256x1024xf32>
      %add3A_42 = arith.addf %dot_general3A_36, %add3A : vector<256x1024xf32>
      %max3A = arith.constant 0.000000e+00 : f32
      %max3A_43 = vector.broadcast %max3A : f32 to vector<256x1024xf32>
      %max3A_44 = arith.maximumf %add3A_42, %max3A_43 : vector<256x1024xf32>
      %get3A_45 = arith.index_cast %get3A_4 : i32 to index
      %get3A_46 = arith.constant 0 : index
      %get3A_47 = arith.constant 0 : index
      %get3A_48 = vector.load %arg9[%get3A_45, %get3A_46, %get3A_47] : memref<3x1024x768xf32, #tpu.memory_space<vmem>>, vector<1x1024x768xf32>
      %get3A_49 = vector.shape_cast %get3A_48 : vector<1x1024x768xf32> to vector<1024x768xf32>
      %dot_general3A_50 = arith.constant dense<0.000000e+00> : vector<256x768xf32>
      %dot_general3A_51 = tpu.matmul %max3A_44, %get3A_49, %dot_general3A_50 {dimension_numbers = #tpu.dot_dimension_numbers<[1], [0], [0], [1], [0, 0, 1, 1], [], []>, transpose_lhs_hint = false} : vector<256x1024xf32>, vector<1024x768xf32>, vector<256x768xf32> -> vector<256x768xf32>
      %get3A_52 = arith.constant 0 : index
      %get3A_53 = arith.constant 0 : index
      %get3A_54 = arith.constant 0 : index
      %get3A_55 = vector.load %arg6[%get3A_52, %get3A_53, %get3A_54] : memref<1x1x768xf32, #tpu.memory_space<vmem>>, vector<1x1x768xf32>
      %get3A_56 = vector.shape_cast %get3A_55 : vector<1x1x768xf32> to vector<1x768xf32>
      %add3A_57 = vector.broadcast %get3A_56 : vector<1x768xf32> to vector<256x768xf32>
      %add3A_58 = arith.addf %dot_general3A_51, %add3A_57 : vector<256x768xf32>
      %swap3A = arith.constant 0 : index
      %swap3A_59 = arith.constant 0 : index
      %swap3A_60 = vector.load %arg7[%swap3A, %swap3A_59] : memref<256x768xf32, #tpu.memory_space<vmem>>, vector<256x768xf32>
      tpu.vector_store %arg7[%swap3A, %swap3A_59], %add3A_58 {strides = array<i32>} : memref<256x768xf32, #tpu.memory_space<vmem>>, vector<256x768xf32>,
    } else {
    }
    return
  }
  func.func @transform_0(%arg0: i32, %arg1: memref<24x4xi32, #tpu.memory_space<smem>>) -> (i32, i32) {
    %c0_i32 = arith.constant 0 : i32
    %c0_i32_0 = arith.constant 0 : i32
    return %arg0, %c0_i32 : i32, i32
  }
  func.func @transform_2(%arg0: i32, %arg1: memref<24x4xi32, #tpu.memory_space<smem>>) -> (i32, i32, i32) {
    %get3A = arith.index_cast %arg0 : i32 to index
    %get3A_0 = arith.constant 0 : index
    %get3A_1 = memref.load %arg1[%get3A, %get3A_0] : memref<24x4xi32, #tpu.memory_space<smem>>
    %lt3A = arith.constant 0 : i32
    %lt3A_2 = arith.cmpi slt, %get3A_1, %lt3A : i32
    %jit3A = arith.constant 7 : i32
    %select_n3A = arith.select %lt3A_2, %jit3A, %get3A_1 : i32
    %c0_i32 = arith.constant 0 : i32
    %c0_i32_3 = arith.constant 0 : i32
    %c0_i32_4 = arith.constant 0 : i32
    return %select_n3A, %c0_i32, %c0_i32_3 : i32, i32, i32
  }
  func.func @transform_4(%arg0: i32, %arg1: memref<24x4xi32, #tpu.memory_space<smem>>) -> (i32, i32, i32) {
    %get3A = arith.index_cast %arg0 : i32 to index
    %get3A_0 = arith.constant 0 : index
    %get3A_1 = memref.load %arg1[%get3A, %get3A_0] : memref<24x4xi32, #tpu.memory_space<smem>>
    %lt3A = arith.constant 0 : i32
    %lt3A_2 = arith.cmpi slt, %get3A_1, %lt3A : i32
    %jit3A = arith.constant 7 : i32
    %select_n3A = arith.select %lt3A_2, %jit3A, %get3A_1 : i32
    %c0_i32 = arith.constant 0 : i32
    %c0_i32_3 = arith.constant 0 : i32
    %c0_i32_4 = arith.constant 0 : i32
    return %select_n3A, %c0_i32, %c0_i32_3 : i32, i32, i32
  }
  func.func @transform_5(%arg0: i32, %arg1: memref<24x4xi32, #tpu.memory_space<smem>>) -> (i32, i32) {
    %c0_i32 = arith.constant 0 : i32
    %c0_i32_0 = arith.constant 0 : i32
    return %arg0, %c0_i32 : i32, i32
  }
}

</mosaic_0001>

<sc_bundles>
// kernel: kernel.6.cloned.1.call-start
scs
__scs_entry_jumppad:
0x0: {  	(pc) =	sbr.rel $0x88, $3  }
0x1: {  	(tag) =	ssettag $0x0;
	lr =	simm.s32 $0x1  }
0x2: {  	[smem:$0x3F9A] =	sst lr;
	_ =	strace $0xD0000000  }
0x3: {  	_ = 	snop  }
0x4: {  	_ = 	snop  }
0x5: {  	_ = 	snop  }
0x6: {  	_ = 	snop  }
0x7: {  	_ = 	snop  }
__scs_overlays_trampoline_lowered:
0x8: {  	[smem:$0x3FA9] =	sst s0  }
0x9: {  	[smem:$0x3FAA] =	sst s1  }
0xa: {  	[smem:$0x3FAB] =	sst s2  }
0xb: {  	[smem:$0x3FAC] =	sst s3  }
0xc: {  	[smem:$0x3FAD] =	sst s4  }
0xd: {  	[smem:$0x3FAE] =	sst s5  }
0xe: {  	[smem:$0x3FAF] =	sst s6  }
0xf: {  	[smem:$0x3FB0] =	sst s7  }
0x10: {  	[smem:$0x3FB1] =	sst s8  }
0x11: {  	[smem:$0x3FB2] =	sst s9;
	s0 =	simm.s32 @!p0 $0x0  }
0x12: {  	s1 =	sld [smem:$0x3F98];
	s0 =	simm.s32 @p0 $0x1  }
0x13: {  	[smem:$0x3FB3] =	sst s0;
	s0 =	simm.s32 @!p1 $0x0  }
0x14: {  	s2 =	sld [smem:$0x3F97];
	s0 =	simm.s32 @p1 $0x1  }
0x15: {  	[smem:$0x3FB4] =	sst s0;
	s0 =	simm.s32 @!p2 $0x0  }
0x16: {  	s3 =	sld [smem:$0x3FDB];
	s0 =	simm.s32 @p2 $0x1  }
0x17: {  	s4 =	simm.s32 $0x1BF5;
	[smem:$0x3FB6] =	sst s0  }
0x18: {  	s0 =	sld [smem:$0x3F99];
	_ =	swait.ge [sflag:s4], $0x0  }
0x19: {  	s7 =	sld [smem:$0x3F9A]  }
0x1a: {  	s8 =	sadd.s32 $0xFFFFE003, lr  }
0x1b: {  	s9 =	sadd.s32 $0xFFFFFEF7, lr;
	s5 =	simm.s32 $0xFFFFFFFF;
	p2 =	slt.u32 s8, $0xFFFFF086  }
0x1c: {  	p1 =	slt.u32 s9, $0xF7A;
	s5 =	simm.s32 @!p2 $0x0  }
0x1d: {  	s5 =	simm.s32 @p1 $0x1;
	p0 =	seq.s32 s7, s2  }
0x1e: {  	s7 =	smul.u32 @!p0 $0xF7A, s2;
	p2 =	seq.s32 @!p0 s5, $0x0  }
0x1f: {  	s9 =	smul.u32 $0xF7A, s1;
	s8 =	simm.s32 @!p0 $0x1BF5;
	p2 =	por !p2, p0  }
0x20: {  	[sflag:s8] =	ssyncset.s32 @!p0 $0xFFFFF086;
	s6 =	sadd.s32 @!p0 s3, s7;
	s7 =	simm.s32 @!p0 $0x108  }
0x21: {  	s3 =	sadd.s32 s3, s9;
	s6 =	sadd.s32 @!p0 $0x88, s6;
	s7 =	simm.s32 @p2 $0x1082  }
0x22: {  	[simem:s7], [sflag:s8] =	dma.local @!p0 [hbm:s6], $0xF7A  }
0x23: {  	s9 =	sor.u32 $0xD0000000, s2;
	s6 =	simm.s32 $0x108;
	_ =	swait.ge @!p0 [sflag:s8], $0x0  }
0x24: {  	s3 =	sadd.s32 $0x88, s3;
	s6 =	simm.s32 @!p1 $0x1082;
	[sflag:s4] =	ssyncset.s32 $0xFFFFF086  }
0x25: {  	[simem:s6], [sflag:s4] =	dma.local [hbm:s3], $0xF7A  }
0x26: {  	[smem:$0x3F9A] =	sst s1;
	(tag) =	ssettag s2;
	_ =	strace s9  }
0x27: {  	s1 =	sld [smem:$0x3FAA]  }
0x28: {  	s2 =	sld [smem:$0x3FAB]  }
0x29: {  	s4 =	sld [smem:$0x3FAD]  }
0x2a: {  	p0 =	seq.s32 s5, $0x0;
	s5 =	sld [smem:$0x3FAE]  }
0x2b: {  	s6 =	sld [smem:$0x3FAF]  }
0x2c: {  	s7 =	sld [smem:$0x3FB0]  }
0x2d: {  	s3 =	simm.s32 $0x108;
	s8 =	sld [smem:$0x3FB1]  }
0x2e: {  	s3 =	simm.s32 @!p0 $0x1082;
	s9 =	sld [smem:$0x3FB2]  }
0x2f: {  	lr =	sadd.s32 s0, s3;
	s0 =	sld [smem:$0x3FA9]  }
0x30: {  	s3 =	sld [smem:$0x3FAC]  }
0x31: {  	[smem:$0x3FB5] =	sst s10  }
0x32: {  	s10 =	sld [smem:$0x3FB3];
	_ =	sdelay $0x3  }
0x33: {  	p0 =	seq.s32 s10, $0x1;
	s10 =	sld [smem:$0x3FB5];
	_ =	sdelay $0x3  }
0x34: {  	[smem:$0x3FB5] =	sst s10  }
0x35: {  	s10 =	sld [smem:$0x3FB4];
	_ =	sdelay $0x3  }
0x36: {  	p1 =	seq.s32 s10, $0x1;
	s10 =	sld [smem:$0x3FB5];
	_ =	sdelay $0x3  }
0x37: {  	[smem:$0x3FB5] =	sst s10  }
0x38: {  	s10 =	sld [smem:$0x3FB6]  }
0x39: {  	_ = 	snop;
	(pc) =	sbr.ind lr, $3  }
0x3a: {  	_ = 	snop  }
0x3b: {  	_ = 	snop  }
0x3c: {  	p2 =	seq.s32 s10, $0x1;
	s10 =	sld [smem:$0x3FB5]  }
0x3d: {  	_ =	shalt  }
0x3e: {  	_ =	shalt  }
0x3f: {  	_ =	shalt  }
0x40: {  	_ =	shalt  }
0x41: {  	_ =	shalt  }
0x42: {  	_ =	shalt  }
0x43: {  	_ =	shalt  }
0x44: {  	_ =	shalt  }
0x45: {  	_ =	shalt  }
0x46: {  	_ =	shalt  }
0x47: {  	_ =	shalt  }
0x48: {  	_ =	shalt  }
0x49: {  	_ =	shalt  }
0x4a: {  	_ =	shalt  }
0x4b: {  	_ =	shalt  }
0x4c: {  	_ =	shalt  }
0x4d: {  	_ =	shalt  }
0x4e: {  	_ =	shalt  }
0x4f: {  	_ =	shalt  }
0x50: {  	_ =	shalt  }
0x51: {  	_ =	shalt  }
0x52: {  	_ =	shalt  }
0x53: {  	_ =	shalt  }
0x54: {  	_ =	shalt  }
0x55: {  	_ =	shalt  }
0x56: {  	_ =	shalt  }
0x57: {  	_ =	shalt  }
0x58: {  	_ =	shalt  }
0x59: {  	_ =	shalt  }
0x5a: {  	_ =	shalt  }
0x5b: {  	_ =	shalt  }
0x5c: {  	_ =	shalt  }
0x5d: {  	_ =	shalt  }
0x5e: {  	_ =	shalt  }
0x5f: {  	_ =	shalt  }
0x60: {  	_ =	shalt  }
0x61: {  	_ =	shalt  }
0x62: {  	_ =	shalt  }
0x63: {  	_ =	shalt  }
0x64: {  	_ =	shalt  }
0x65: {  	_ =	shalt  }
0x66: {  	_ =	shalt  }
0x67: {  	_ =	shalt  }
0x68: {  	_ =	shalt  }
0x69: {  	_ =	shalt  }
0x6a: {  	_ =	shalt  }
0x6b: {  	_ =	shalt  }
0x6c: {  	_ =	shalt  }
0x6d: {  	_ =	shalt  }
0x6e: {  	_ =	shalt  }
0x6f: {  	_ =	shalt  }
0x70: {  	_ =	shalt  }
0x71: {  	_ =	shalt  }
0x72: {  	_ =	shalt  }
0x73: {  	_ =	shalt  }
0x74: {  	_ =	shalt  }
0x75: {  	_ =	shalt  }
0x76: {  	_ =	shalt  }
0x77: {  	_ =	shalt  }
0x78: {  	_ =	shalt  }
0x79: {  	_ =	shalt  }
0x7a: {  	_ =	shalt  }
0x7b: {  	_ =	shalt  }
0x7c: {  	_ =	shalt  }
0x7d: {  	_ =	shalt  }
0x7e: {  	_ =	shalt  }
0x7f: {  	_ =	shalt  }
0x80: {  	_ =	shalt  }
0x81: {  	_ =	shalt  }
0x82: {  	_ =	shalt  }
0x83: {  	_ =	shalt  }
0x84: {  	_ =	shalt  }
0x85: {  	_ =	shalt  }
0x86: {  	_ =	shalt  }
0x87: {  	_ =	shalt  }
.Lfunc_end0:
.L_simem_size_0:
called_computation_lowered:
.L_overlay_start_0:
0x88: {  	s2 =	sld [smem:$0x3FD9]  }
0x89: {  	s3 =	sld [smem:$0x3FFE];
	_ =	sdelay $0x1  }
0x8a: {  	s1 =	srdreg.scid  }
0x8b: {  	s0 =	sand.u32 $0x1, s1  }
0x8c: {  	s17 =	sshll.u32 s0, $0xA;
	s2 =	sadd.s32 s3, s2  }
0x8d: {  	s2 =	sadd.s32 s2, s17  }
0x8e: {  	[smem:$0x3FC1] =	sst s2  }
0x8f: {  	_ = 	snop  }
0x90: {  	s2 =	sld [smem:$0x3FC9];
	(tm) =	ssettm $0x1  }
0x91: {  	s18 =	sld [smem:$0x3FFB];
	_ =	sdelay $0x3  }
0x92: {  	_ =	strace s18  }
0x93: {  	s3 =	sld [smem:$0x3FFC];
	_ =	sdelay $0x3  }
0x94: {  	_ =	strace s3  }
0x95: {  	s3 =	sld [smem:$0x3FFD];
	_ =	sdelay $0x3  }
0x96: {  	_ =	strace s3  }
0x97: {  	_ =	strace $0x8FFFFFFF  }
0x98: {  	s19 =	sld [smem:$0x3FDB];
	_ =	sdelay $0x1  }
0x99: {  	s4 =	simm.s32 $_scs_section_size  }
0x9a: {  	s5 =	simm.s32 $_size__tile_overlayer_lowered;
	s6 =	simm.s32 $_tile_overlayer_lowered  }
0x9b: {  	s22 =	simm.s32 $0x1BFF;
	s21 =	sshll.u32 s6, $0x1;
	s3 =	sadd.s32 s4, s19  }
0x9c: {  	s7 =	simm.s32 $0x0;
	s20 =	sshll.u32 s5, $0x1;
	s5 =	sadd.s32 s21, s3  }
0x9d: {  	[timem:s7], [sflag:s22] =	dma.local [hbm:s5], s20  }
0x9e: {  	_ =	swait.ge [sflag:s22], s20  }
0x9f: {  	s4 =	ssub.s32 $0x0, s20;
	[sflag:s22] =	ssyncset.done $0x0  }
0xa0: {  	[sflag:s22] =	ssyncadd.s32 s4;
	_ =	sdelay $0x1  }
0xa1: {  	s23 =	simm.s32 $0x1B8B  }
0xa2: {  	_ =	swait.ge [sflag:s23], $0x1  }
0xa3: {  	[sflag:s23] =	ssyncset.done $0x0  }
0xa4: {  	s25 =	simm.s32 $0x1B8E;
	s24 =	sld [smem:$0x3FFE];
	[sflag:s23] =	ssyncadd.s32 $0xFFFFFFFF  }
0xa5: {  	s26 =	simm.s32 $execute0_lowered;
	[smem:$0x3FD2] =	sst s25  }
0xa6: {  	s5 =	sshll.u32 s26, $0x1;
	_ =	strace $0x80000046;
	[dreg:$0x1] =	wrdreg $0xFFFFFFFF  }
0xa7: {  	s28 =	simm.s32 $_size_execute0_lowered;
	s3 =	sadd.s32 s3, s5;
	[dreg:$0x0] =	wrdreg $0x0  }
0xa8: {  	s5 =	sshll.u32 s28, $0x1;
	[dreg:$0x2] =	wrdreg s3  }
0xa9: {  	[dreg:$0x3] =	wrdreg s5  }
0xaa: {  	[dreg:$0x4] =	wrdreg $0xC0  }
0xab: {  	_ =	task [dreg:s7], $0x5FFFF  }
0xac: {  	[dreg:$0x1] =	wrdreg $0xFFFFFFFF  }
0xad: {  	[dreg:$0x0] =	wrdreg $0x60  }
0xae: {  	[dreg:$0x2] =	wrdreg s2  }
0xaf: {  	[dreg:$0x3] =	wrdreg s24  }
0xb0: {  	[dreg:$0x4] =	wrdreg $0x9  }
0xb1: {  	_ =	task.clear_ibuf [dreg:s7], $0x5FFFF;
	_ =	strace $0x90000046  }
0xb2: {  	s29 =	simm.s32 $0x9;
	_ =	strace $0x80000048  }
0xb3: {  	_ =	swait.ge [sflag:s29], $0x1  }
0xb4: {  	[sflag:s29] =	ssyncadd.s32 $0xFFFFFFFF  }
0xb5: {  	_ =	strace $0x90000048  }
0xb6: {  	_ =	sfence  }
0xb7: {  	s30 =	sld [smem:$0x0];
	_ =	sdelay $0x2  }
0xb8: {  	s31 =	sshll.u32 s1, $0xD;
	s1 =	sshrl.u32 s1, $0x2  }
0xb9: {  	s3 =	sand.u32 $0x4000, s31;
	s1 =	sadd.s32 s1, s30  }
0xba: {  	s0 =	sor.u32 s3, s0;
	s1 =	sshll.u32 s1, $0x11  }
0xbb: {  	s0 =	sor.u32 s1, s0  }
0xbc: {  	s0 =	sadd.s32 $0x8F2B, s0  }
0xbd: {  	[sflag:s0] =	ssyncadd.remote.s32 $0x1  }
0xbe: {  	_ =	sfence.sel $0xFFFF  }
0xbf: {  	[dreg:$0x0] =	wrdreg $0xFFFFFFFF;
	(pc) =	sbr.abs _section_cstart, $3  }
0xc0: {  	[dreg:$0x1] =	wrdreg $0xFFFFFFFF  }
0xc1: {  	_ =	task.clear_ibuf [dreg:s7], $0x2FFFF;
	_ =	strace $0x9FFFFFFF  }
0xc2: {  	(tm) =	ssettm $0x7FFFFFFF  }
0xc3: {  	_ =	shalt  }
tec
execute0_lowered:
.L_overlay_start_1:
0x0: {  	(tag) =	ssettag $0x1  }
0x1: {  	s1 =	srdreg.scid;
	s3 =	rddreg [dreg:$0x0]  }
0x2: {  	s2 =	simm.s32 $0x0;
	s4 =	sand.u32 $0x1, s1;
	s1 =	rddreg [dreg:$0x1]  }
0x3: {  	s21 =	simm.s32 $0x80;
	[smem:$0x7FF] =	sst s2  }
0x4: {  	s22 =	simm.s32 $0x900;
	_ =	strace $0x80000047;
	[dreg:$0x7] =	wrdreg s21  }
0x5: {  	s23 =	simm.s32 $0x1100;
	[dreg:$0x8] =	wrdreg s22  }
0x6: {  	s0 =	stileid.u32;
	s24 =	simm.s32 $0x1900;
	[dreg:$0x9] =	wrdreg s23  }
0x7: {  	s25 =	simm.s32 $0x2100;
	s26 =	simm.s32 $0x2900;
	[dreg:$0xa] =	wrdreg s24  }
0x8: {  	s6 =	sshll.u32 s0, $0x4;
	s19 =	smul.u32 $0x18000, s0;
	[dreg:$0xb] =	wrdreg s25  }
0x9: {  	s8 =	smul.u32 $0x3000, s0;
	s0 =	simm.s32 $0x3100;
	[dreg:$0xc] =	wrdreg s26  }
0xa: {  	s9 =	simm.s32 $0x5900;
	[dreg:$0xd] =	wrdreg s0  }
0xb: {  	s10 =	simm.s32 $0x6100;
	[dreg:$0x12] =	wrdreg s9  }
0xc: {  	s11 =	simm.s32 $0x6900;
	[dreg:$0x13] =	wrdreg s10  }
0xd: {  	s12 =	simm.s32 $0x7100;
	[dreg:$0x14] =	wrdreg s11  }
0xe: {  	s13 =	simm.s32 $0x7900;
	s14 =	simm.s32 $0x8100;
	[dreg:$0x15] =	wrdreg s12  }
0xf: {  	s15 =	simm.s32 $0x8900;
	s17 =	simm.s32 $0x9100;
	[dreg:$0x16] =	wrdreg s13  }
0x10: {  	s18 =	simm.s32 $0x9900;
	s28 =	simm.s32 $0x15900;
	[dreg:$0x17] =	wrdreg s14  }
0x11: {  	s29 =	simm.s32 $0x16100;
	s30 =	simm.s32 $0x16900;
	[dreg:$0x18] =	wrdreg s15  }
0x12: {  	s31 =	simm.s32 $0x17100;
	s5 =	sshll.u32 s4, $0x8;
	[dreg:$0x19] =	wrdreg s17  }
0x13: {  	s4 =	ssub.s32 $0x2, s4;
	[dreg:$0x1a] =	wrdreg s18;
	s21 =	simm.s32 $0xB100  }
0x14: {  	s22 =	simm.s32 $0xB900;
	s23 =	simm.s32 $0xC900;
	s9 =	simm.s32 $0x1  }
0x15: {  	s24 =	simm.s32 $0xD100;
	s10 =	simm.s32 $0x3;
	s25 =	simm.s32 $0xD900  }
0x16: {  	s11 =	simm.s32 $0x2;
	s26 =	simm.s32 $0xE100;
	[dreg:$0x1d] =	wrdreg s21  }
0x17: {  	s12 =	simm.s32 $0x4;
	s15 =	simm.s32 $0xF900;
	[dreg:$0x1e] =	wrdreg s22  }
0x18: {  	s17 =	simm.s32 $0x10900;
	s18 =	simm.s32 $0x11100;
	[dreg:$0x1f] =	wrdreg s23  }
0x19: {  	s5 =	sor.u32 s6, s5;
	s6 =	sshrl.u32 s19, $0x3;
	[smem:$0x7FB] =	sst s24  }
0x1a: {  	s20 =	sadd.s32 s3, s8;
	s8 =	simm.s32 $0x5100;
	[smem:$0x7FC] =	sst s25  }
0x1b: {  	s16 =	sshrl.u32 s4, $0x1;
	s19 =	simm.s32 $0xA100;
	[smem:$0x7FD] =	sst s26  }
0x1c: {  	s21 =	simm.s32 $0x12900;
	s22 =	simm.s32 $0x13100;
	s23 =	simm.s32 $0x13900  }
0x1d: {  	s24 =	simm.s32 $0x14100;
	s25 =	simm.s32 $0x14900;
	[dreg:$0x5] =	wrdreg s20  }
0x1e: {  	s26 =	simm.s32 $0x15100;
	s5 =	sadd.s32 s5, s1;
	[dreg:$0x11] =	wrdreg s8  }
0x1f: {  	s3 =	sadd.s32 s3, s6;
	s6 =	simm.s32 $0x4100;
	[dreg:$0x1b] =	wrdreg s19  }
0x20: {  	s20 =	simm.s32 $0xA900;
	s8 =	simm.s32 $0xC100;
	[dreg:$0xf] =	wrdreg s6  }
0x21: {  	s19 =	simm.s32 $0x11900;
	s7 =	sadd.s32 $0x1400, s5;
	[dreg:$0x1c] =	wrdreg s20  }
0x22: {  	s5 =	sadd.s32 $0x1408, s5;
	s3 =	sadd.s32 $0x1800, s3;
	[dreg:$0x3] =	wrdreg s7  }
0x23: {  	s6 =	ssub.s32 s4, s16;
	s4 =	sadd.s32 $0x1700, s1;
	[dreg:$0x4] =	wrdreg s5  }
0x24: {  	s16 =	simm.s32 $0x10100;
	[dreg:$0x6] =	wrdreg s3;
	s5 =	simm.s32 $0x3900  }
0x25: {  	v2 =	vlaneseq.u32;
	s20 =	simm.s32 $0x12100;
	s7 =	simm.s32 $0x4900;
	[dreg:$0xe] =	wrdreg s5  }
0x26: {  	vm0 =	vmmov $0xffff;
	v1 =	vshrl.u32 v2, $0x3;
	s3 =	sadd.s32 $0x1600, s1;
	s6 =	smax.u32 s6, $0x1;
	[dreg:$0x10] =	wrdreg s7  }
0x27: {  	v0 =	vand.u32 $0x7, v2;
	v2 =	vor.u32 $0x8, v2;
	v1 =	vmul.u32 $0x8, v1;
	s5 =	sadd.s32 $0x1800, s1;
	s7 =	simm.s32 $0x100;
	s1 =	simm.s32 $0x17900  }
.LBB2_1:
0x28: {  	s0 =	rddreg [dreg:$0x3]  }
0x29: {  	s13 =	rddreg [dreg:$0x4]  }
0x2a: {  	[tilespmem:s2], [sflag:$0x1] =	stream.linear.gather [hbm4b:s0+s2], $0x40, $0x38;
	[tilespmem:$0x18100] =	vst v63  }
0x2b: {  	s14 =	rddreg [dreg:$0x7]  }
0x2c: {  	[tilespmem:s14], [sflag:$0x2] =	stream.linear.gather [hbm4b:s13+s2], $0x40, $0x38;
	[tilespmem:$0x18100] =	vst v63  }
0x2d: {  	s0 =	rddreg [dreg:$0x5]  }
0x2e: {  	[tilespmem:s7], [sflag:$0x3] =	stream.linear.gather [hbm4b:s0+s2], $0xC000, $0x38;
	[tilespmem:$0x18100] =	vst v63  }
0x2f: {  	s14 =	rddreg [dreg:$0x6]  }
0x30: {  	[tilespmem:s8], [sflag:$0x4] =	stream.linear.gather [hbm4b:s14+s2], $0xC000, $0x38;
	[tilespmem:$0x18100] =	vst v63  }
0x31: {  	_ =	swait.ge [sflag:s9], $0x40  }
0x32: {  	[sflag:s9] =	ssyncset.done $0x0  }
0x33: {  	[sflag:s9] =	ssyncadd.s32 $0xFFFFFFC0  }
0x34: {  	_ =	swait.ge [sflag:s10], $0xC000  }
0x35: {  	[sflag:s10] =	ssyncset.done $0x0  }
0x36: {  	[sflag:s10] =	ssyncadd.s32 $0xFFFF4000  }
0x37: {  	v3 =	vld [tilespmem:$0x0];
	_ =	sdelay $0x4  }
0x38: {  	v4 =	vshrl.u32 v3, $0x3  }
0x39: {  	v4 =	vmul.u32 $0x30, v4  }
0x3a: {  	v3 =	vand.u32 $0x7, v3  }
0x3b: {  	v3 =	vor.u32 v3, v4  }
0x3c: {  	v4 =	vperm.xlane v3, v0;
	_ =	sdelay $0x1  }
0x3d: {  	v4 =	vadd.s32 v1, v4;
	_ =	sdelay $0x3  }
0x3e: {  	v3 =	vperm.xlane v3, v2  }
0x3f: {  	[hbm4b:s3+s2] =	stream.indirect_vreg.scatter [tilespmem:s7], [sflag:$0x1], $0x80, v4, vm0, $0xb8;
	[tilespmem:$0x18100] =	vst v63  }
0x40: {  	s14 =	rddreg [dreg:$0x8];
	v3 =	vadd.s32 v1, v3  }
0x41: {  	[hbm4b:s4+s2] =	stream.indirect_vreg.scatter [tilespmem:s14], [sflag:$0x1], $0x80, v4, vm0, $0xb8;
	[tilespmem:$0x18100] =	vst v63  }
0x42: {  	s13 =	rddreg [dreg:$0x9]  }
0x43: {  	[hbm4b:s5+s2] =	stream.indirect_vreg.scatter [tilespmem:s13], [sflag:$0x1], $0x80, v4, vm0, $0xb8;
	[tilespmem:$0x18100] =	vst v63  }
0x44: {  	s14 =	rddreg [dreg:$0xa]  }
0x45: {  	[hbm4b:s3+s2] =	stream.indirect_vreg.scatter [tilespmem:s14], [sflag:$0x1], $0x80, v3, vm0, $0xb8;
	[tilespmem:$0x18100] =	vst v63  }
0x46: {  	s13 =	rddreg [dreg:$0xb]  }
0x47: {  	[hbm4b:s4+s2] =	stream.indirect_vreg.scatter [tilespmem:s13], [sflag:$0x1], $0x80, v3, vm0, $0xb8;
	[tilespmem:$0x18100] =	vst v63  }
0x48: {  	s14 =	rddreg [dreg:$0xc]  }
0x49: {  	[hbm4b:s5+s2] =	stream.indirect_vreg.scatter [tilespmem:s14], [sflag:$0x1], $0x80, v3, vm0, $0xb8;
	[tilespmem:$0x18100] =	vst v63  }
0x4a: {  	v3 =	vld [tilespmem:$0x10];
	_ =	sdelay $0x4  }
0x4b: {  	v57 =	vshrl.u32 v3, $0x3  }
0x4c: {  	v4 =	vmul.u32 $0x30, v57  }
0x4d: {  	v3 =	vand.u32 $0x7, v3  }
0x4e: {  	v3 =	vor.u32 v3, v4  }
0x4f: {  	v4 =	vperm.xlane v3, v0;
	_ =	sdelay $0x1  }
0x50: {  	v4 =	vadd.s32 v1, v4;
	_ =	sdelay $0x3  }
0x51: {  	s13 =	rddreg [dreg:$0xd];
	v3 =	vperm.xlane v3, v2  }
0x52: {  	[hbm4b:s3+s2] =	stream.indirect_vreg.scatter [tilespmem:s13], [sflag:$0x1], $0x80, v4, vm0, $0xb8;
	[tilespmem:$0x18100] =	vst v63  }
0x53: {  	s14 =	rddreg [dreg:$0xe];
	v3 =	vadd.s32 v1, v3  }
0x54: {  	[hbm4b:s4+s2] =	stream.indirect_vreg.scatter [tilespmem:s14], [sflag:$0x1], $0x80, v4, vm0, $0xb8;
	[tilespmem:$0x18100] =	vst v63  }
0x55: {  	s0 =	rddreg [dreg:$0xf]  }
0x56: {  	[hbm4b:s5+s2] =	stream.indirect_vreg.scatter [tilespmem:s0], [sflag:$0x1], $0x80, v4, vm0, $0xb8;
	[tilespmem:$0x18100] =	vst v63  }
0x57: {  	s14 =	rddreg [dreg:$0x10]  }
0x58: {  	[hbm4b:s3+s2] =	stream.indirect_vreg.scatter [tilespmem:s14], [sflag:$0x1], $0x80, v3, vm0, $0xb8;
	[tilespmem:$0x18100] =	vst v63  }
0x59: {  	s0 =	rddreg [dreg:$0x11]  }
0x5a: {  	[hbm4b:s4+s2] =	stream.indirect_vreg.scatter [tilespmem:s0], [sflag:$0x1], $0x80, v3, vm0, $0xb8;
	[tilespmem:$0x18100] =	vst v63  }
0x5b: {  	s14 =	rddreg [dreg:$0x12]  }
0x5c: {  	[hbm4b:s5+s2] =	stream.indirect_vreg.scatter [tilespmem:s14], [sflag:$0x1], $0x80, v3, vm0, $0xb8;
	[tilespmem:$0x18100] =	vst v63  }
0x5d: {  	v3 =	vld [tilespmem:$0x20];
	_ =	sdelay $0x4  }
0x5e: {  	v58 =	vshrl.u32 v3, $0x3  }
0x5f: {  	v4 =	vmul.u32 $0x30, v58  }
0x60: {  	v3 =	vand.u32 $0x7, v3  }
0x61: {  	v3 =	vor.u32 v3, v4  }
0x62: {  	v4 =	vperm.xlane v3, v0;
	_ =	sdelay $0x1  }
0x63: {  	v4 =	vadd.s32 v1, v4;
	_ =	sdelay $0x3  }
0x64: {  	s13 =	rddreg [dreg:$0x13];
	v3 =	vperm.xlane v3, v2  }
0x65: {  	[hbm4b:s3+s2] =	stream.indirect_vreg.scatter [tilespmem:s13], [sflag:$0x1], $0x80, v4, vm0, $0xb8;
	[tilespmem:$0x18100] =	vst v63  }
0x66: {  	s14 =	rddreg [dreg:$0x14];
	v3 =	vadd.s32 v1, v3  }
0x67: {  	[hbm4b:s4+s2] =	stream.indirect_vreg.scatter [tilespmem:s14], [sflag:$0x1], $0x80, v4, vm0, $0xb8;
	[tilespmem:$0x18100] =	vst v63  }
0x68: {  	s0 =	rddreg [dreg:$0x15]  }
0x69: {  	[hbm4b:s5+s2] =	stream.indirect_vreg.scatter [tilespmem:s0], [sflag:$0x1], $0x80, v4, vm0, $0xb8;
	[tilespmem:$0x18100] =	vst v63  }
0x6a: {  	s14 =	rddreg [dreg:$0x16]  }
0x6b: {  	[hbm4b:s3+s2] =	stream.indirect_vreg.scatter [tilespmem:s14], [sflag:$0x1], $0x80, v3, vm0, $0xb8;
	[tilespmem:$0x18100] =	vst v63  }
0x6c: {  	s0 =	rddreg [dreg:$0x17]  }
0x6d: {  	[hbm4b:s4+s2] =	stream.indirect_vreg.scatter [tilespmem:s0], [sflag:$0x1], $0x80, v3, vm0, $0xb8;
	[tilespmem:$0x18100] =	vst v63  }
0x6e: {  	s14 =	rddreg [dreg:$0x18]  }
0x6f: {  	[hbm4b:s5+s2] =	stream.indirect_vreg.scatter [tilespmem:s14], [sflag:$0x1], $0x80, v3, vm0, $0xb8;
	[tilespmem:$0x18100] =	vst v63  }
0x70: {  	v3 =	vld [tilespmem:$0x30];
	_ =	sdelay $0x4  }
0x71: {  	v59 =	vshrl.u32 v3, $0x3  }
0x72: {  	v4 =	vmul.u32 $0x30, v59  }
0x73: {  	v3 =	vand.u32 $0x7, v3  }
0x74: {  	v3 =	vor.u32 v3, v4  }
0x75: {  	v4 =	vperm.xlane v3, v0;
	_ =	sdelay $0x1  }
0x76: {  	v4 =	vadd.s32 v1, v4;
	_ =	sdelay $0x3  }
0x77: {  	s13 =	rddreg [dreg:$0x19];
	v3 =	vperm.xlane v3, v2  }
0x78: {  	[hbm4b:s3+s2] =	stream.indirect_vreg.scatter [tilespmem:s13], [sflag:$0x1], $0x80, v4, vm0, $0xb8;
	[tilespmem:$0x18100] =	vst v63  }
0x79: {  	s14 =	rddreg [dreg:$0x1a];
	v3 =	vadd.s32 v1, v3  }
0x7a: {  	[hbm4b:s4+s2] =	stream.indirect_vreg.scatter [tilespmem:s14], [sflag:$0x1], $0x80, v4, vm0, $0xb8;
	[tilespmem:$0x18100] =	vst v63  }
0x7b: {  	s0 =	rddreg [dreg:$0x1b]  }
0x7c: {  	[hbm4b:s5+s2] =	stream.indirect_vreg.scatter [tilespmem:s0], [sflag:$0x1], $0x80, v4, vm0, $0xb8;
	[tilespmem:$0x18100] =	vst v63  }
0x7d: {  	s14 =	rddreg [dreg:$0x1c]  }
0x7e: {  	[hbm4b:s3+s2] =	stream.indirect_vreg.scatter [tilespmem:s14], [sflag:$0x1], $0x80, v3, vm0, $0xb8;
	[tilespmem:$0x18100] =	vst v63  }
0x7f: {  	s0 =	rddreg [dreg:$0x1d]  }
0x80: {  	[hbm4b:s4+s2] =	stream.indirect_vreg.scatter [tilespmem:s0], [sflag:$0x1], $0x80, v3, vm0, $0xb8;
	[tilespmem:$0x18100] =	vst v63  }
0x81: {  	s14 =	rddreg [dreg:$0x1e]  }
0x82: {  	[hbm4b:s5+s2] =	stream.indirect_vreg.scatter [tilespmem:s14], [sflag:$0x1], $0x80, v3, vm0, $0xb8;
	[tilespmem:$0x18100] =	vst v63  }
0x83: {  	_ =	swait.ge [sflag:s11], $0x40  }
0x84: {  	[sflag:s11] =	ssyncset.done $0x0  }
0x85: {  	[sflag:s11] =	ssyncadd.s32 $0xFFFFFFC0  }
0x86: {  	_ =	swait.ge [sflag:s12], $0xC000  }
0x87: {  	[sflag:s12] =	ssyncset.done $0x0  }
0x88: {  	[sflag:s12] =	ssyncadd.s32 $0xFFFF4000  }
0x89: {  	v3 =	vld [tilespmem:$0x80];
	_ =	sdelay $0x4  }
0x8a: {  	v60 =	vshrl.u32 v3, $0x3  }
0x8b: {  	v4 =	vmul.u32 $0x30, v60  }
0x8c: {  	v3 =	vand.u32 $0x7, v3  }
0x8d: {  	v3 =	vor.u32 v3, v4  }
0x8e: {  	v4 =	vperm.xlane v3, v0;
	_ =	sdelay $0x1  }
0x8f: {  	v4 =	vadd.s32 v1, v4;
	_ =	sdelay $0x3  }
0x90: {  	s13 =	rddreg [dreg:$0x1f];
	v3 =	vperm.xlane v3, v2  }
0x91: {  	[hbm4b:s3+s2] =	stream.indirect_vreg.scatter [tilespmem:s8], [sflag:$0x2], $0x80, v4, vm0, $0xb8;
	[tilespmem:$0x18100] =	vst v63  }
0x92: {  	s14 =	sld [smem:$0x7FB];
	v3 =	vadd.s32 v1, v3  }
0x93: {  	[hbm4b:s4+s2] =	stream.indirect_vreg.scatter [tilespmem:s13], [sflag:$0x2], $0x80, v4, vm0, $0xb8;
	[tilespmem:$0x18100] =	vst v63  }
0x94: {  	s0 =	sld [smem:$0x7FC]  }
0x95: {  	[hbm4b:s5+s2] =	stream.indirect_vreg.scatter [tilespmem:s14], [sflag:$0x2], $0x80, v4, vm0, $0xb8;
	[tilespmem:$0x18100] =	vst v63  }
0x96: {  	s14 =	sld [smem:$0x7FD]  }
0x97: {  	[hbm4b:s3+s2] =	stream.indirect_vreg.scatter [tilespmem:s0], [sflag:$0x2], $0x80, v3, vm0, $0xb8;
	[tilespmem:$0x18100] =	vst v63  }
0x98: {  	_ = 	snop  }
0x99: {  	[hbm4b:s4+s2] =	stream.indirect_vreg.scatter [tilespmem:s14], [sflag:$0x2], $0x80, v3, vm0, $0xb8;
	[tilespmem:$0x18100] =	vst v63  }
0x9a: {  	s13 =	simm.s32 $0xE900  }
0x9b: {  	[hbm4b:s5+s2] =	stream.indirect_vreg.scatter [tilespmem:s13], [sflag:$0x2], $0x80, v3, vm0, $0xb8;
	[tilespmem:$0x18100] =	vst v63  }
0x9c: {  	v3 =	vld [tilespmem:$0x90];
	_ =	sdelay $0x4  }
0x9d: {  	v61 =	vshrl.u32 v3, $0x3  }
0x9e: {  	v4 =	vmul.u32 $0x30, v61  }
0x9f: {  	v3 =	vand.u32 $0x7, v3  }
0xa0: {  	v3 =	vor.u32 v3, v4  }
0xa1: {  	v4 =	vperm.xlane v3, v0;
	_ =	sdelay $0x1  }
0xa2: {  	v4 =	vadd.s32 v1, v4;
	_ =	sdelay $0x3  }
0xa3: {  	s14 =	simm.s32 $0xF100;
	v3 =	vperm.xlane v3, v2  }
0xa4: {  	[hbm4b:s3+s2] =	stream.indirect_vreg.scatter [tilespmem:s14], [sflag:$0x2], $0x80, v4, vm0, $0xb8;
	[tilespmem:$0x18100] =	vst v63  }
0xa5: {  	v3 =	vadd.s32 v1, v3  }
0xa6: {  	[hbm4b:s4+s2] =	stream.indirect_vreg.scatter [tilespmem:s15], [sflag:$0x2], $0x80, v4, vm0, $0xb8;
	[tilespmem:$0x18100] =	vst v63  }
0xa7: {  	_ = 	snop  }
0xa8: {  	[hbm4b:s5+s2] =	stream.indirect_vreg.scatter [tilespmem:s16], [sflag:$0x2], $0x80, v4, vm0, $0xb8;
	[tilespmem:$0x18100] =	vst v63  }
0xa9: {  	_ = 	snop  }
0xaa: {  	[hbm4b:s3+s2] =	stream.indirect_vreg.scatter [tilespmem:s17], [sflag:$0x2], $0x80, v3, vm0, $0xb8;
	[tilespmem:$0x18100] =	vst v63  }
0xab: {  	_ = 	snop  }
0xac: {  	[hbm4b:s4+s2] =	stream.indirect_vreg.scatter [tilespmem:s18], [sflag:$0x2], $0x80, v3, vm0, $0xb8;
	[tilespmem:$0x18100] =	vst v63  }
0xad: {  	_ = 	snop  }
0xae: {  	[hbm4b:s5+s2] =	stream.indirect_vreg.scatter [tilespmem:s19], [sflag:$0x2], $0x80, v3, vm0, $0xb8;
	[tilespmem:$0x18100] =	vst v63  }
0xaf: {  	v3 =	vld [tilespmem:$0xA0];
	_ =	sdelay $0x4  }
0xb0: {  	v62 =	vshrl.u32 v3, $0x3  }
0xb1: {  	v4 =	vmul.u32 $0x30, v62  }
0xb2: {  	v3 =	vand.u32 $0x7, v3  }
0xb3: {  	v3 =	vor.u32 v3, v4  }
0xb4: {  	v4 =	vperm.xlane v3, v0;
	_ =	sdelay $0x1  }
0xb5: {  	v4 =	vadd.s32 v1, v4;
	_ =	sdelay $0x3  }
0xb6: {  	v3 =	vperm.xlane v3, v2  }
0xb7: {  	[hbm4b:s3+s2] =	stream.indirect_vreg.scatter [tilespmem:s20], [sflag:$0x2], $0x80, v4, vm0, $0xb8;
	[tilespmem:$0x18100] =	vst v63  }
0xb8: {  	v3 =	vadd.s32 v1, v3  }
0xb9: {  	[hbm4b:s4+s2] =	stream.indirect_vreg.scatter [tilespmem:s21], [sflag:$0x2], $0x80, v4, vm0, $0xb8;
	[tilespmem:$0x18100] =	vst v63  }
0xba: {  	_ = 	snop  }
0xbb: {  	[hbm4b:s5+s2] =	stream.indirect_vreg.scatter [tilespmem:s22], [sflag:$0x2], $0x80, v4, vm0, $0xb8;
	[tilespmem:$0x18100] =	vst v63  }
0xbc: {  	_ = 	snop  }
0xbd: {  	[hbm4b:s3+s2] =	stream.indirect_vreg.scatter [tilespmem:s23], [sflag:$0x2], $0x80, v3, vm0, $0xb8;
	[tilespmem:$0x18100] =	vst v63  }
0xbe: {  	_ = 	snop  }
0xbf: {  	[hbm4b:s4+s2] =	stream.indirect_vreg.scatter [tilespmem:s24], [sflag:$0x2], $0x80, v3, vm0, $0xb8;
	[tilespmem:$0x18100] =	vst v63  }
0xc0: {  	_ = 	snop  }
0xc1: {  	[hbm4b:s5+s2] =	stream.indirect_vreg.scatter [tilespmem:s25], [sflag:$0x2], $0x80, v3, vm0, $0xb8;
	[tilespmem:$0x18100] =	vst v63  }
0xc2: {  	v3 =	vld [tilespmem:$0xB0];
	_ =	sdelay $0x4  }
0xc3: {  	v63 =	vshrl.u32 v3, $0x3  }
0xc4: {  	v4 =	vmul.u32 $0x30, v63  }
0xc5: {  	v3 =	vand.u32 $0x7, v3  }
0xc6: {  	v3 =	vor.u32 v3, v4  }
0xc7: {  	v4 =	vperm.xlane v3, v0;
	_ =	sdelay $0x1  }
0xc8: {  	v4 =	vadd.s32 v1, v4;
	_ =	sdelay $0x3  }
0xc9: {  	v3 =	vperm.xlane v3, v2  }
0xca: {  	[hbm4b:s3+s2] =	stream.indirect_vreg.scatter [tilespmem:s26], [sflag:$0x2], $0x80, v4, vm0, $0xb8;
	[tilespmem:$0x18100] =	vst v63  }
0xcb: {  	v3 =	vadd.s32 v1, v3  }
0xcc: {  	[hbm4b:s4+s2] =	stream.indirect_vreg.scatter [tilespmem:s28], [sflag:$0x2], $0x80, v4, vm0, $0xb8;
	[tilespmem:$0x18100] =	vst v63  }
0xcd: {  	_ = 	snop  }
0xce: {  	[hbm4b:s5+s2] =	stream.indirect_vreg.scatter [tilespmem:s29], [sflag:$0x2], $0x80, v4, vm0, $0xb8;
	[tilespmem:$0x18100] =	vst v63  }
0xcf: {  	_ = 	snop  }
0xd0: {  	[hbm4b:s3+s2] =	stream.indirect_vreg.scatter [tilespmem:s30], [sflag:$0x2], $0x80, v3, vm0, $0xb8;
	[tilespmem:$0x18100] =	vst v63  }
0xd1: {  	_ = 	snop  }
0xd2: {  	[hbm4b:s4+s2] =	stream.indirect_vreg.scatter [tilespmem:s31], [sflag:$0x2], $0x80, v3, vm0, $0xb8;
	[tilespmem:$0x18100] =	vst v63  }
0xd3: {  	_ = 	snop  }
0xd4: {  	[hbm4b:s5+s2] =	stream.indirect_vreg.scatter [tilespmem:s1], [sflag:$0x2], $0x80, v3, vm0, $0xb8;
	[tilespmem:$0x18100] =	vst v63  }
0xd5: {  	p0 =	sne.s32 s6, $0x1;
	_ =	swait.ge [sflag:s9], $0xC000  }
.Ltmp0:
0xd6: {  	[sflag:s9] =	ssyncset.done $0x0;
	(pc) =	sbr.rel @p0 .LBB2_1-.Ltmp0, $4  }
0xd7: {  	[sflag:s9] =	ssyncadd.s32 $0xFFFF4000  }
0xd8: {  	_ =	swait.ge [sflag:s11], $0xC000  }
0xd9: {  	[sflag:s11] =	ssyncset.done $0x0  }
0xda: {  	s6 =	sadd.s32 $0xFFFFFFFF, s6;
	[sflag:s11] =	ssyncadd.s32 $0xFFFF4000  }
0xdb: {  	_ =	sfence.sel $0x180000  }
0xdc: {  	[bflag:$0x0] =	sbarrier.arrive $0xFFFF  }
0xdd: {  	_ =	strace $0x90000047  }
0xde: {  	s0 =	stileid.u32;
	[bflag:$0x2] =	sbarrier.arrive $0xFFFF  }
0xdf: {  	p0 =	sne.s32 s0, $0x0;
	s0 =	rddreg [dreg:$0x2]  }
0xe0: {  	s0 =	sadd.s32 @!p0 $0x100000, s0  }
0xe1: {  	[sflag:s0] =	ssyncadd.tile.s32 @!p0 $0x1;
	_ =	shalt  }
.Lfunc_end2:
_tile_overlayer_lowered:
.L_overlay_start_2:
0xe2: {  	(tag) =	ssettag $0x2  }
0xe3: {  	s0 =	rddreg [dreg:$0x0];
	s2 =	stileid.u32  }
0xe4: {  	s1 =	rddreg [dreg:$0x1];
	p0 =	sne.s32 s2, $0x0  }
0xe5: {  	s3 =	rddreg [dreg:$0x2];
	[bflag:$0x3] =	sbarrier.arrive $0xFFFF;
	s2 =	simm.s32 @!p0 $0x1C05  }
0xe6: {  	[timem:s3], [sflag:s2] =	dma.local @!p0 [hbm:s0], s1  }
0xe7: {  	s0 =	simm.s32 @!p0 $0x5  }
0xe8: {  	_ =	swait.ge @!p0 [sflag:s0], s1  }
0xe9: {  	s1 =	ssub.s32 @!p0 $0x0, s1;
	[sflag:s0] =	ssyncset.done @!p0 $0x0  }
0xea: {  	[sflag:s0] =	ssyncadd.s32 @!p0 s1  }
0xeb: {  	[bflag:$0x3] =	sbarrier.arrive $0xFFFF  }
0xec: {  	_ =	shalt  }

// kernel: kernel.9.cloned.1.call-start
scs
__scs_entry_jumppad:
0x0: {  	(pc) =	sbr.rel $0x88, $3  }
0x1: {  	(tag) =	ssettag $0x0;
	lr =	simm.s32 $0x1  }
0x2: {  	[smem:$0x3F9A] =	sst lr;
	_ =	strace $0xD0000000  }
0x3: {  	_ = 	snop  }
0x4: {  	_ = 	snop  }
0x5: {  	_ = 	snop  }
0x6: {  	_ = 	snop  }
0x7: {  	_ = 	snop  }
__scs_overlays_trampoline_lowered:
0x8: {  	[smem:$0x3FA9] =	sst s0  }
0x9: {  	[smem:$0x3FAA] =	sst s1  }
0xa: {  	[smem:$0x3FAB] =	sst s2  }
0xb: {  	[smem:$0x3FAC] =	sst s3  }
0xc: {  	[smem:$0x3FAD] =	sst s4  }
0xd: {  	[smem:$0x3FAE] =	sst s5  }
0xe: {  	[smem:$0x3FAF] =	sst s6  }
0xf: {  	[smem:$0x3FB0] =	sst s7  }
0x10: {  	[smem:$0x3FB1] =	sst s8  }
0x11: {  	[smem:$0x3FB2] =	sst s9;
	s0 =	simm.s32 @!p0 $0x0  }
0x12: {  	s1 =	sld [smem:$0x3F98];
	s0 =	simm.s32 @p0 $0x1  }
0x13: {  	[smem:$0x3FB3] =	sst s0;
	s0 =	simm.s32 @!p1 $0x0  }
0x14: {  	s2 =	sld [smem:$0x3F97];
	s0 =	simm.s32 @p1 $0x1  }
0x15: {  	[smem:$0x3FB4] =	sst s0;
	s0 =	simm.s32 @!p2 $0x0  }
0x16: {  	s3 =	sld [smem:$0x3FDB];
	s0 =	simm.s32 @p2 $0x1  }
0x17: {  	s4 =	simm.s32 $0x1BF5;
	[smem:$0x3FB6] =	sst s0  }
0x18: {  	s0 =	sld [smem:$0x3F99];
	_ =	swait.ge [sflag:s4], $0x0  }
0x19: {  	s7 =	sld [smem:$0x3F9A]  }
0x1a: {  	s8 =	sadd.s32 $0xFFFFE003, lr  }
0x1b: {  	s9 =	sadd.s32 $0xFFFFFEF7, lr;
	s5 =	simm.s32 $0xFFFFFFFF;
	p2 =	slt.u32 s8, $0xFFFFF086  }
0x1c: {  	p1 =	slt.u32 s9, $0xF7A;
	s5 =	simm.s32 @!p2 $0x0  }
0x1d: {  	s5 =	simm.s32 @p1 $0x1;
	p0 =	seq.s32 s7, s2  }
0x1e: {  	s7 =	smul.u32 @!p0 $0xF7A, s2;
	p2 =	seq.s32 @!p0 s5, $0x0  }
0x1f: {  	s9 =	smul.u32 $0xF7A, s1;
	s8 =	simm.s32 @!p0 $0x1BF5;
	p2 =	por !p2, p0  }
0x20: {  	[sflag:s8] =	ssyncset.s32 @!p0 $0xFFFFF086;
	s6 =	sadd.s32 @!p0 s3, s7;
	s7 =	simm.s32 @!p0 $0x108  }
0x21: {  	s3 =	sadd.s32 s3, s9;
	s6 =	sadd.s32 @!p0 $0x88, s6;
	s7 =	simm.s32 @p2 $0x1082  }
0x22: {  	[simem:s7], [sflag:s8] =	dma.local @!p0 [hbm:s6], $0xF7A  }
0x23: {  	s9 =	sor.u32 $0xD0000000, s2;
	s6 =	simm.s32 $0x108;
	_ =	swait.ge @!p0 [sflag:s8], $0x0  }
0x24: {  	s3 =	sadd.s32 $0x88, s3;
	s6 =	simm.s32 @!p1 $0x1082;
	[sflag:s4] =	ssyncset.s32 $0xFFFFF086  }
0x25: {  	[simem:s6], [sflag:s4] =	dma.local [hbm:s3], $0xF7A  }
0x26: {  	[smem:$0x3F9A] =	sst s1;
	(tag) =	ssettag s2;
	_ =	strace s9  }
0x27: {  	s1 =	sld [smem:$0x3FAA]  }
0x28: {  	s2 =	sld [smem:$0x3FAB]  }
0x29: {  	s4 =	sld [smem:$0x3FAD]  }
0x2a: {  	p0 =	seq.s32 s5, $0x0;
	s5 =	sld [smem:$0x3FAE]  }
0x2b: {  	s6 =	sld [smem:$0x3FAF]  }
0x2c: {  	s7 =	sld [smem:$0x3FB0]  }
0x2d: {  	s3 =	simm.s32 $0x108;
	s8 =	sld [smem:$0x3FB1]  }
0x2e: {  	s3 =	simm.s32 @!p0 $0x1082;
	s9 =	sld [smem:$0x3FB2]  }
0x2f: {  	lr =	sadd.s32 s0, s3;
	s0 =	sld [smem:$0x3FA9]  }
0x30: {  	s3 =	sld [smem:$0x3FAC]  }
0x31: {  	[smem:$0x3FB5] =	sst s10  }
0x32: {  	s10 =	sld [smem:$0x3FB3];
	_ =	sdelay $0x3  }
0x33: {  	p0 =	seq.s32 s10, $0x1;
	s10 =	sld [smem:$0x3FB5];
	_ =	sdelay $0x3  }
0x34: {  	[smem:$0x3FB5] =	sst s10  }
0x35: {  	s10 =	sld [smem:$0x3FB4];
	_ =	sdelay $0x3  }
0x36: {  	p1 =	seq.s32 s10, $0x1;
	s10 =	sld [smem:$0x3FB5];
	_ =	sdelay $0x3  }
0x37: {  	[smem:$0x3FB5] =	sst s10  }
0x38: {  	s10 =	sld [smem:$0x3FB6]  }
0x39: {  	_ = 	snop;
	(pc) =	sbr.ind lr, $3  }
0x3a: {  	_ = 	snop  }
0x3b: {  	_ = 	snop  }
0x3c: {  	p2 =	seq.s32 s10, $0x1;
	s10 =	sld [smem:$0x3FB5]  }
0x3d: {  	_ =	shalt  }
0x3e: {  	_ =	shalt  }
0x3f: {  	_ =	shalt  }
0x40: {  	_ =	shalt  }
0x41: {  	_ =	shalt  }
0x42: {  	_ =	shalt  }
0x43: {  	_ =	shalt  }
0x44: {  	_ =	shalt  }
0x45: {  	_ =	shalt  }
0x46: {  	_ =	shalt  }
0x47: {  	_ =	shalt  }
0x48: {  	_ =	shalt  }
0x49: {  	_ =	shalt  }
0x4a: {  	_ =	shalt  }
0x4b: {  	_ =	shalt  }
0x4c: {  	_ =	shalt  }
0x4d: {  	_ =	shalt  }
0x4e: {  	_ =	shalt  }
0x4f: {  	_ =	shalt  }
0x50: {  	_ =	shalt  }
0x51: {  	_ =	shalt  }
0x52: {  	_ =	shalt  }
0x53: {  	_ =	shalt  }
0x54: {  	_ =	shalt  }
0x55: {  	_ =	shalt  }
0x56: {  	_ =	shalt  }
0x57: {  	_ =	shalt  }
0x58: {  	_ =	shalt  }
0x59: {  	_ =	shalt  }
0x5a: {  	_ =	shalt  }
0x5b: {  	_ =	shalt  }
0x5c: {  	_ =	shalt  }
0x5d: {  	_ =	shalt  }
0x5e: {  	_ =	shalt  }
0x5f: {  	_ =	shalt  }
0x60: {  	_ =	shalt  }
0x61: {  	_ =	shalt  }
0x62: {  	_ =	shalt  }
0x63: {  	_ =	shalt  }
0x64: {  	_ =	shalt  }
0x65: {  	_ =	shalt  }
0x66: {  	_ =	shalt  }
0x67: {  	_ =	shalt  }
0x68: {  	_ =	shalt  }
0x69: {  	_ =	shalt  }
0x6a: {  	_ =	shalt  }
0x6b: {  	_ =	shalt  }
0x6c: {  	_ =	shalt  }
0x6d: {  	_ =	shalt  }
0x6e: {  	_ =	shalt  }
0x6f: {  	_ =	shalt  }
0x70: {  	_ =	shalt  }
0x71: {  	_ =	shalt  }
0x72: {  	_ =	shalt  }
0x73: {  	_ =	shalt  }
0x74: {  	_ =	shalt  }
0x75: {  	_ =	shalt  }
0x76: {  	_ =	shalt  }
0x77: {  	_ =	shalt  }
0x78: {  	_ =	shalt  }
0x79: {  	_ =	shalt  }
0x7a: {  	_ =	shalt  }
0x7b: {  	_ =	shalt  }
0x7c: {  	_ =	shalt  }
0x7d: {  	_ =	shalt  }
0x7e: {  	_ =	shalt  }
0x7f: {  	_ =	shalt  }
0x80: {  	_ =	shalt  }
0x81: {  	_ =	shalt  }
0x82: {  	_ =	shalt  }
0x83: {  	_ =	shalt  }
0x84: {  	_ =	shalt  }
0x85: {  	_ =	shalt  }
0x86: {  	_ =	shalt  }
0x87: {  	_ =	shalt  }
.Lfunc_end0:
.L_simem_size_0:
called_computation.1_lowered:
.L_overlay_start_0:
0x88: {  	s2 =	sld [smem:$0x3FD9]  }
0x89: {  	s3 =	sld [smem:$0x3FFE];
	_ =	sdelay $0x1  }
0x8a: {  	s1 =	srdreg.scid  }
0x8b: {  	s0 =	sand.u32 $0x1, s1  }
0x8c: {  	s17 =	sshll.u32 s0, $0xA;
	s2 =	sadd.s32 s3, s2  }
0x8d: {  	s2 =	sadd.s32 s2, s17  }
0x8e: {  	[smem:$0x3FC1] =	sst s2  }
0x8f: {  	_ = 	snop  }
0x90: {  	s2 =	sld [smem:$0x3FD0];
	(tm) =	ssettm $0x1  }
0x91: {  	s18 =	sld [smem:$0x3FFB];
	_ =	sdelay $0x3  }
0x92: {  	_ =	strace s18  }
0x93: {  	s3 =	sld [smem:$0x3FFC];
	_ =	sdelay $0x3  }
0x94: {  	_ =	strace s3  }
0x95: {  	s3 =	sld [smem:$0x3FFD];
	_ =	sdelay $0x3  }
0x96: {  	_ =	strace s3  }
0x97: {  	_ =	strace $0x8FFFFFFF  }
0x98: {  	s19 =	sld [smem:$0x3FDB];
	_ =	sdelay $0x1  }
0x99: {  	s4 =	simm.s32 $_scs_section_size  }
0x9a: {  	s5 =	simm.s32 $_size__tile_overlayer_lowered;
	s6 =	simm.s32 $_tile_overlayer_lowered  }
0x9b: {  	s22 =	simm.s32 $0x1BFF;
	s21 =	sshll.u32 s6, $0x1;
	s3 =	sadd.s32 s4, s19  }
0x9c: {  	s7 =	simm.s32 $0x0;
	s20 =	sshll.u32 s5, $0x1;
	s5 =	sadd.s32 s21, s3  }
0x9d: {  	[timem:s7], [sflag:s22] =	dma.local [hbm:s5], s20  }
0x9e: {  	_ =	swait.ge [sflag:s22], s20  }
0x9f: {  	s4 =	ssub.s32 $0x0, s20;
	[sflag:s22] =	ssyncset.done $0x0  }
0xa0: {  	[sflag:s22] =	ssyncadd.s32 s4;
	_ =	sdelay $0x1  }
0xa1: {  	s23 =	simm.s32 $0x1B8B  }
0xa2: {  	_ =	swait.ge [sflag:s23], $0x1  }
0xa3: {  	[sflag:s23] =	ssyncset.done $0x0  }
0xa4: {  	s25 =	simm.s32 $0x1B8E;
	s24 =	sld [smem:$0x3FFE];
	[sflag:s23] =	ssyncadd.s32 $0xFFFFFFFF  }
0xa5: {  	s26 =	simm.s32 $execute0_lowered;
	[smem:$0x3FD2] =	sst s25  }
0xa6: {  	s5 =	sshll.u32 s26, $0x1;
	_ =	strace $0x80000049;
	[dreg:$0x1] =	wrdreg $0xFFFFFFFF  }
0xa7: {  	s28 =	simm.s32 $_size_execute0_lowered;
	s3 =	sadd.s32 s3, s5;
	[dreg:$0x0] =	wrdreg $0x0  }
0xa8: {  	s5 =	sshll.u32 s28, $0x1;
	[dreg:$0x2] =	wrdreg s3  }
0xa9: {  	[dreg:$0x3] =	wrdreg s5  }
0xaa: {  	[dreg:$0x4] =	wrdreg $0xC0  }
0xab: {  	_ =	task [dreg:s7], $0x5FFFF  }
0xac: {  	[dreg:$0x1] =	wrdreg $0xFFFFFFFF  }
0xad: {  	[dreg:$0x0] =	wrdreg $0x60  }
0xae: {  	[dreg:$0x2] =	wrdreg s24  }
0xaf: {  	[dreg:$0x3] =	wrdreg s2  }
0xb0: {  	[dreg:$0x4] =	wrdreg $0x9  }
0xb1: {  	_ =	task.clear_ibuf [dreg:s7], $0x5FFFF;
	_ =	strace $0x90000049  }
0xb2: {  	s29 =	simm.s32 $0x9;
	_ =	strace $0x8000004B  }
0xb3: {  	_ =	swait.ge [sflag:s29], $0x1  }
0xb4: {  	[sflag:s29] =	ssyncadd.s32 $0xFFFFFFFF  }
0xb5: {  	_ =	strace $0x9000004B  }
0xb6: {  	_ =	sfence  }
0xb7: {  	s30 =	sld [smem:$0x0];
	_ =	sdelay $0x2  }
0xb8: {  	s31 =	sshll.u32 s1, $0xD;
	s1 =	sshrl.u32 s1, $0x2  }
0xb9: {  	s3 =	sand.u32 $0x4000, s31;
	s1 =	sadd.s32 s1, s30  }
0xba: {  	s0 =	sor.u32 s3, s0;
	s1 =	sshll.u32 s1, $0x11  }
0xbb: {  	s0 =	sor.u32 s1, s0  }
0xbc: {  	s0 =	sadd.s32 $0x8F2B, s0  }
0xbd: {  	[sflag:s0] =	ssyncadd.remote.s32 $0x1  }
0xbe: {  	_ =	sfence.sel $0xFFFF  }
0xbf: {  	[dreg:$0x0] =	wrdreg $0xFFFFFFFF;
	(pc) =	sbr.abs _section_cstart, $3  }
0xc0: {  	[dreg:$0x1] =	wrdreg $0xFFFFFFFF  }
0xc1: {  	_ =	task.clear_ibuf [dreg:s7], $0x2FFFF;
	_ =	strace $0x9FFFFFFF  }
0xc2: {  	(tm) =	ssettm $0x7FFFFFFF  }
0xc3: {  	_ =	shalt  }
tec
execute0_lowered:
.L_overlay_start_1:
0x0: {  	(tag) =	ssettag $0x1  }
0x1: {  	s0 =	rddreg [dreg:$0x0]  }
0x2: {  	s1 =	rddreg [dreg:$0x1]  }
0x3: {  	s2 =	simm.s32 $0x0;
	s3 =	srdreg.scid;
	s6 =	stileid.u32  }
0x4: {  	s11 =	simm.s32 $0x1;
	s12 =	simm.s32 $0x2;
	s13 =	simm.s32 $0x100  }
0x5: {  	s29 =	simm.s32 $0x11900;
	s30 =	simm.s32 $0x12100;
	s31 =	simm.s32 $0x12900  }
0x6: {  	s10 =	simm.s32 $0x14100;
	s14 =	simm.s32 $0x14900;
	s15 =	simm.s32 $0x15100  }
0x7: {  	s16 =	simm.s32 $0x15900;
	s17 =	simm.s32 $0x16100;
	s18 =	simm.s32 $0x16900  }
0x8: {  	s19 =	simm.s32 $0x17100;
	s20 =	simm.s32 $0x17900;
	s21 =	simm.s32 $0x3  }
0x9: {  	s22 =	simm.s32 $0x0;
	[smem:$0x7FF] =	sst s2;
	s4 =	sand.u32 $0x1, s3  }
0xa: {  	s6 =	sshll.u32 s6, $0x3;
	s3 =	sadd.s32 $0x1600, s0;
	s5 =	sshll.u32 s4, $0x7  }
0xb: {  	_ =	strace $0x8000004A;
	s4 =	ssub.s32 $0x2, s4;
	s5 =	sor.u32 s6, s5  }
0xc: {  	s7 =	sshrl.u32 s4, $0x1;
	s6 =	sadd.s32 s5, s0;
	s8 =	smul.u32 $0x300, s5  }
0xd: {  	v2 =	vlaneseq.u32;
	s9 =	ssub.s32 s4, s7;
	s7 =	sadd.s32 $0x1800, s0;
	s4 =	sadd.s32 $0x1400, s6  }
0xe: {  	vm0 =	vmmov $0xffff;
	v1 =	vshrl.u32 v2, $0x3;
	s5 =	sadd.s32 $0x1500, s6;
	s6 =	sadd.s32 $0x1700, s0;
	s9 =	smax.u32 s9, $0x1  }
0xf: {  	v0 =	vand.u32 $0x7, v2;
	v2 =	vor.u32 $0x8, v2;
	v1 =	vmul.u32 $0x8, v1;
	s0 =	simm.s32 $0x13100;
	s8 =	sadd.s32 s1, s8;
	s1 =	simm.s32 $0x13900  }
.LBB2_1:
0x10: {  	[tilespmem:s2], [sflag:$0x1] =	stream.linear.gather [hbm4b:s4+s2], $0x40, $0x38;
	[tilespmem:$0x18100] =	vst v63  }
0x11: {  	s23 =	simm.s32 $0x80  }
0x12: {  	[tilespmem:s23], [sflag:$0x2] =	stream.linear.gather [hbm4b:s5+s2], $0x40, $0x38;
	[tilespmem:$0x18100] =	vst v63  }
0x13: {  	_ =	swait.ge [sflag:s11], $0x40  }
0x14: {  	[sflag:s11] =	ssyncset.done $0x0  }
0x15: {  	[sflag:s11] =	ssyncadd.s32 $0xFFFFFFC0  }
0x16: {  	_ =	swait.ge [sflag:s12], $0x40  }
0x17: {  	[sflag:s12] =	ssyncset.done $0x0  }
0x18: {  	[sflag:s12] =	ssyncadd.s32 $0xFFFFFFC0  }
0x19: {  	v3 =	vld [tilespmem:$0x0];
	_ =	sdelay $0x4  }
0x1a: {  	v4 =	vshrl.u32 v3, $0x3  }
0x1b: {  	v4 =	vmul.u32 $0x30, v4  }
0x1c: {  	v3 =	vand.u32 $0x7, v3  }
0x1d: {  	v3 =	vor.u32 v3, v4  }
0x1e: {  	v4 =	vperm.xlane v3, v0;
	_ =	sdelay $0x1  }
0x1f: {  	v4 =	vadd.s32 v1, v4;
	_ =	sdelay $0x3  }
0x20: {  	v3 =	vperm.xlane v3, v2  }
0x21: {  	[tilespmem:s13], [sflag:$0x1] =	stream.indirect_vreg.gather [hbm4b:s3+s2], $0x80, v4, vm0, $0xb8;
	[tilespmem:$0x18100] =	vst v63  }
0x22: {  	s25 =	simm.s32 $0x900;
	v3 =	vadd.s32 v1, v3  }
0x23: {  	[tilespmem:s25], [sflag:$0x1] =	stream.indirect_vreg.gather [hbm4b:s6+s2], $0x80, v4, vm0, $0xb8;
	[tilespmem:$0x18100] =	vst v63  }
0x24: {  	s26 =	simm.s32 $0x1100  }
0x25: {  	[tilespmem:s26], [sflag:$0x1] =	stream.indirect_vreg.gather [hbm4b:s7+s2], $0x80, v4, vm0, $0xb8;
	[tilespmem:$0x18100] =	vst v63  }
0x26: {  	s28 =	simm.s32 $0x1900  }
0x27: {  	[tilespmem:s28], [sflag:$0x1] =	stream.indirect_vreg.gather [hbm4b:s3+s2], $0x80, v3, vm0, $0xb8;
	[tilespmem:$0x18100] =	vst v63  }
0x28: {  	s24 =	simm.s32 $0x2100  }
0x29: {  	[tilespmem:s24], [sflag:$0x1] =	stream.indirect_vreg.gather [hbm4b:s6+s2], $0x80, v3, vm0, $0xb8;
	[tilespmem:$0x18100] =	vst v63  }
0x2a: {  	s25 =	simm.s32 $0x2900  }
0x2b: {  	[tilespmem:s25], [sflag:$0x1] =	stream.indirect_vreg.gather [hbm4b:s7+s2], $0x80, v3, vm0, $0xb8;
	[tilespmem:$0x18100] =	vst v63  }
0x2c: {  	v3 =	vld [tilespmem:$0x10];
	_ =	sdelay $0x4  }
0x2d: {  	v4 =	vshrl.u32 v3, $0x3  }
0x2e: {  	v4 =	vmul.u32 $0x30, v4  }
0x2f: {  	v3 =	vand.u32 $0x7, v3  }
0x30: {  	v3 =	vor.u32 v3, v4  }
0x31: {  	v4 =	vperm.xlane v3, v0;
	_ =	sdelay $0x1  }
0x32: {  	v4 =	vadd.s32 v1, v4;
	_ =	sdelay $0x3  }
0x33: {  	s26 =	simm.s32 $0x3100;
	v3 =	vperm.xlane v3, v2  }
0x34: {  	[tilespmem:s26], [sflag:$0x1] =	stream.indirect_vreg.gather [hbm4b:s3+s2], $0x80, v4, vm0, $0xb8;
	[tilespmem:$0x18100] =	vst v63  }
0x35: {  	s28 =	simm.s32 $0x3900;
	v3 =	vadd.s32 v1, v3  }
0x36: {  	[tilespmem:s28], [sflag:$0x1] =	stream.indirect_vreg.gather [hbm4b:s6+s2], $0x80, v4, vm0, $0xb8;
	[tilespmem:$0x18100] =	vst v63  }
0x37: {  	s24 =	simm.s32 $0x4100  }
0x38: {  	[tilespmem:s24], [sflag:$0x1] =	stream.indirect_vreg.gather [hbm4b:s7+s2], $0x80, v4, vm0, $0xb8;
	[tilespmem:$0x18100] =	vst v63  }
0x39: {  	s25 =	simm.s32 $0x4900  }
0x3a: {  	[tilespmem:s25], [sflag:$0x1] =	stream.indirect_vreg.gather [hbm4b:s3+s2], $0x80, v3, vm0, $0xb8;
	[tilespmem:$0x18100] =	vst v63  }
0x3b: {  	s26 =	simm.s32 $0x5100  }
0x3c: {  	[tilespmem:s26], [sflag:$0x1] =	stream.indirect_vreg.gather [hbm4b:s6+s2], $0x80, v3, vm0, $0xb8;
	[tilespmem:$0x18100] =	vst v63  }
0x3d: {  	s28 =	simm.s32 $0x5900  }
0x3e: {  	[tilespmem:s28], [sflag:$0x1] =	stream.indirect_vreg.gather [hbm4b:s7+s2], $0x80, v3, vm0, $0xb8;
	[tilespmem:$0x18100] =	vst v63  }
0x3f: {  	v3 =	vld [tilespmem:$0x20];
	_ =	sdelay $0x4  }
0x40: {  	v4 =	vshrl.u32 v3, $0x3  }
0x41: {  	v4 =	vmul.u32 $0x30, v4  }
0x42: {  	v3 =	vand.u32 $0x7, v3  }
0x43: {  	v3 =	vor.u32 v3, v4  }
0x44: {  	v4 =	vperm.xlane v3, v0;
	_ =	sdelay $0x1  }
0x45: {  	v4 =	vadd.s32 v1, v4;
	_ =	sdelay $0x3  }
0x46: {  	s24 =	simm.s32 $0x6100;
	v3 =	vperm.xlane v3, v2  }
0x47: {  	[tilespmem:s24], [sflag:$0x1] =	stream.indirect_vreg.gather [hbm4b:s3+s2], $0x80, v4, vm0, $0xb8;
	[tilespmem:$0x18100] =	vst v63  }
0x48: {  	s25 =	simm.s32 $0x6900;
	v3 =	vadd.s32 v1, v3  }
0x49: {  	[tilespmem:s25], [sflag:$0x1] =	stream.indirect_vreg.gather [hbm4b:s6+s2], $0x80, v4, vm0, $0xb8;
	[tilespmem:$0x18100] =	vst v63  }
0x4a: {  	s26 =	simm.s32 $0x7100  }
0x4b: {  	[tilespmem:s26], [sflag:$0x1] =	stream.indirect_vreg.gather [hbm4b:s7+s2], $0x80, v4, vm0, $0xb8;
	[tilespmem:$0x18100] =	vst v63  }
0x4c: {  	s28 =	simm.s32 $0x7900  }
0x4d: {  	[tilespmem:s28], [sflag:$0x1] =	stream.indirect_vreg.gather [hbm4b:s3+s2], $0x80, v3, vm0, $0xb8;
	[tilespmem:$0x18100] =	vst v63  }
0x4e: {  	s24 =	simm.s32 $0x8100  }
0x4f: {  	[tilespmem:s24], [sflag:$0x1] =	stream.indirect_vreg.gather [hbm4b:s6+s2], $0x80, v3, vm0, $0xb8;
	[tilespmem:$0x18100] =	vst v63  }
0x50: {  	s25 =	simm.s32 $0x8900  }
0x51: {  	[tilespmem:s25], [sflag:$0x1] =	stream.indirect_vreg.gather [hbm4b:s7+s2], $0x80, v3, vm0, $0xb8;
	[tilespmem:$0x18100] =	vst v63  }
0x52: {  	v3 =	vld [tilespmem:$0x30];
	_ =	sdelay $0x4  }
0x53: {  	v4 =	vshrl.u32 v3, $0x3  }
0x54: {  	v4 =	vmul.u32 $0x30, v4  }
0x55: {  	v3 =	vand.u32 $0x7, v3  }
0x56: {  	v3 =	vor.u32 v3, v4  }
0x57: {  	v4 =	vperm.xlane v3, v0;
	_ =	sdelay $0x1  }
0x58: {  	v4 =	vadd.s32 v1, v4;
	_ =	sdelay $0x3  }
0x59: {  	s26 =	simm.s32 $0x9100;
	v3 =	vperm.xlane v3, v2  }
0x5a: {  	[tilespmem:s26], [sflag:$0x1] =	stream.indirect_vreg.gather [hbm4b:s3+s2], $0x80, v4, vm0, $0xb8;
	[tilespmem:$0x18100] =	vst v63  }
0x5b: {  	s28 =	simm.s32 $0x9900;
	v3 =	vadd.s32 v1, v3  }
0x5c: {  	[tilespmem:s28], [sflag:$0x1] =	stream.indirect_vreg.gather [hbm4b:s6+s2], $0x80, v4, vm0, $0xb8;
	[tilespmem:$0x18100] =	vst v63  }
0x5d: {  	s24 =	simm.s32 $0xA100  }
0x5e: {  	[tilespmem:s24], [sflag:$0x1] =	stream.indirect_vreg.gather [hbm4b:s7+s2], $0x80, v4, vm0, $0xb8;
	[tilespmem:$0x18100] =	vst v63  }
0x5f: {  	s25 =	simm.s32 $0xA900  }
0x60: {  	[tilespmem:s25], [sflag:$0x1] =	stream.indirect_vreg.gather [hbm4b:s3+s2], $0x80, v3, vm0, $0xb8;
	[tilespmem:$0x18100] =	vst v63  }
0x61: {  	s26 =	simm.s32 $0xB100  }
0x62: {  	[tilespmem:s26], [sflag:$0x1] =	stream.indirect_vreg.gather [hbm4b:s6+s2], $0x80, v3, vm0, $0xb8;
	[tilespmem:$0x18100] =	vst v63  }
0x63: {  	s28 =	simm.s32 $0xB900  }
0x64: {  	[tilespmem:s28], [sflag:$0x1] =	stream.indirect_vreg.gather [hbm4b:s7+s2], $0x80, v3, vm0, $0xb8;
	[tilespmem:$0x18100] =	vst v63  }
0x65: {  	v3 =	vld [tilespmem:$0x80];
	_ =	sdelay $0x4  }
0x66: {  	v4 =	vshrl.u32 v3, $0x3  }
0x67: {  	v4 =	vmul.u32 $0x30, v4  }
0x68: {  	v3 =	vand.u32 $0x7, v3  }
0x69: {  	v3 =	vor.u32 v3, v4  }
0x6a: {  	v4 =	vperm.xlane v3, v0;
	_ =	sdelay $0x1  }
0x6b: {  	v4 =	vadd.s32 v1, v4;
	_ =	sdelay $0x3  }
0x6c: {  	s24 =	simm.s32 $0xC100;
	v3 =	vperm.xlane v3, v2  }
0x6d: {  	[tilespmem:s24], [sflag:$0x2] =	stream.indirect_vreg.gather [hbm4b:s3+s2], $0x80, v4, vm0, $0xb8;
	[tilespmem:$0x18100] =	vst v63  }
0x6e: {  	s25 =	simm.s32 $0xC900;
	v3 =	vadd.s32 v1, v3  }
0x6f: {  	[tilespmem:s25], [sflag:$0x2] =	stream.indirect_vreg.gather [hbm4b:s6+s2], $0x80, v4, vm0, $0xb8;
	[tilespmem:$0x18100] =	vst v63  }
0x70: {  	s26 =	simm.s32 $0xD100  }
0x71: {  	[tilespmem:s26], [sflag:$0x2] =	stream.indirect_vreg.gather [hbm4b:s7+s2], $0x80, v4, vm0, $0xb8;
	[tilespmem:$0x18100] =	vst v63  }
0x72: {  	s28 =	simm.s32 $0xD900  }
0x73: {  	[tilespmem:s28], [sflag:$0x2] =	stream.indirect_vreg.gather [hbm4b:s3+s2], $0x80, v3, vm0, $0xb8;
	[tilespmem:$0x18100] =	vst v63  }
0x74: {  	s24 =	simm.s32 $0xE100  }
0x75: {  	[tilespmem:s24], [sflag:$0x2] =	stream.indirect_vreg.gather [hbm4b:s6+s2], $0x80, v3, vm0, $0xb8;
	[tilespmem:$0x18100] =	vst v63  }
0x76: {  	s25 =	simm.s32 $0xE900  }
0x77: {  	[tilespmem:s25], [sflag:$0x2] =	stream.indirect_vreg.gather [hbm4b:s7+s2], $0x80, v3, vm0, $0xb8;
	[tilespmem:$0x18100] =	vst v63  }
0x78: {  	v3 =	vld [tilespmem:$0x90];
	_ =	sdelay $0x4  }
0x79: {  	v4 =	vshrl.u32 v3, $0x3  }
0x7a: {  	v4 =	vmul.u32 $0x30, v4  }
0x7b: {  	v3 =	vand.u32 $0x7, v3  }
0x7c: {  	v3 =	vor.u32 v3, v4  }
0x7d: {  	v4 =	vperm.xlane v3, v0;
	_ =	sdelay $0x1  }
0x7e: {  	v4 =	vadd.s32 v1, v4;
	_ =	sdelay $0x3  }
0x7f: {  	s26 =	simm.s32 $0xF100;
	v3 =	vperm.xlane v3, v2  }
0x80: {  	[tilespmem:s26], [sflag:$0x2] =	stream.indirect_vreg.gather [hbm4b:s3+s2], $0x80, v4, vm0, $0xb8;
	[tilespmem:$0x18100] =	vst v63  }
0x81: {  	s28 =	simm.s32 $0xF900;
	v3 =	vadd.s32 v1, v3  }
0x82: {  	[tilespmem:s28], [sflag:$0x2] =	stream.indirect_vreg.gather [hbm4b:s6+s2], $0x80, v4, vm0, $0xb8;
	[tilespmem:$0x18100] =	vst v63  }
0x83: {  	s24 =	simm.s32 $0x10100  }
0x84: {  	[tilespmem:s24], [sflag:$0x2] =	stream.indirect_vreg.gather [hbm4b:s7+s2], $0x80, v4, vm0, $0xb8;
	[tilespmem:$0x18100] =	vst v63  }
0x85: {  	s25 =	simm.s32 $0x10900  }
0x86: {  	[tilespmem:s25], [sflag:$0x2] =	stream.indirect_vreg.gather [hbm4b:s3+s2], $0x80, v3, vm0, $0xb8;
	[tilespmem:$0x18100] =	vst v63  }
0x87: {  	s26 =	simm.s32 $0x11100  }
0x88: {  	[tilespmem:s26], [sflag:$0x2] =	stream.indirect_vreg.gather [hbm4b:s6+s2], $0x80, v3, vm0, $0xb8;
	[tilespmem:$0x18100] =	vst v63  }
0x89: {  	_ = 	snop  }
0x8a: {  	[tilespmem:s29], [sflag:$0x2] =	stream.indirect_vreg.gather [hbm4b:s7+s2], $0x80, v3, vm0, $0xb8;
	[tilespmem:$0x18100] =	vst v63  }
0x8b: {  	v3 =	vld [tilespmem:$0xA0];
	_ =	sdelay $0x4  }
0x8c: {  	v4 =	vshrl.u32 v3, $0x3  }
0x8d: {  	v4 =	vmul.u32 $0x30, v4  }
0x8e: {  	v3 =	vand.u32 $0x7, v3  }
0x8f: {  	v3 =	vor.u32 v3, v4  }
0x90: {  	v4 =	vperm.xlane v3, v0;
	_ =	sdelay $0x1  }
0x91: {  	v4 =	vadd.s32 v1, v4;
	_ =	sdelay $0x3  }
0x92: {  	v3 =	vperm.xlane v3, v2  }
0x93: {  	[tilespmem:s30], [sflag:$0x2] =	stream.indirect_vreg.gather [hbm4b:s3+s2], $0x80, v4, vm0, $0xb8;
	[tilespmem:$0x18100] =	vst v63  }
0x94: {  	v3 =	vadd.s32 v1, v3  }
0x95: {  	[tilespmem:s31], [sflag:$0x2] =	stream.indirect_vreg.gather [hbm4b:s6+s2], $0x80, v4, vm0, $0xb8;
	[tilespmem:$0x18100] =	vst v63  }
0x96: {  	_ = 	snop  }
0x97: {  	[tilespmem:s0], [sflag:$0x2] =	stream.indirect_vreg.gather [hbm4b:s7+s2], $0x80, v4, vm0, $0xb8;
	[tilespmem:$0x18100] =	vst v63  }
0x98: {  	_ = 	snop  }
0x99: {  	[tilespmem:s1], [sflag:$0x2] =	stream.indirect_vreg.gather [hbm4b:s3+s2], $0x80, v3, vm0, $0xb8;
	[tilespmem:$0x18100] =	vst v63  }
0x9a: {  	_ = 	snop  }
0x9b: {  	[tilespmem:s10], [sflag:$0x2] =	stream.indirect_vreg.gather [hbm4b:s6+s2], $0x80, v3, vm0, $0xb8;
	[tilespmem:$0x18100] =	vst v63  }
0x9c: {  	_ = 	snop  }
0x9d: {  	[tilespmem:s14], [sflag:$0x2] =	stream.indirect_vreg.gather [hbm4b:s7+s2], $0x80, v3, vm0, $0xb8;
	[tilespmem:$0x18100] =	vst v63  }
0x9e: {  	v3 =	vld [tilespmem:$0xB0];
	_ =	sdelay $0x4  }
0x9f: {  	v4 =	vshrl.u32 v3, $0x3  }
0xa0: {  	v4 =	vmul.u32 $0x30, v4  }
0xa1: {  	v3 =	vand.u32 $0x7, v3  }
0xa2: {  	v3 =	vor.u32 v3, v4  }
0xa3: {  	v4 =	vperm.xlane v3, v0;
	_ =	sdelay $0x1  }
0xa4: {  	v4 =	vadd.s32 v1, v4;
	_ =	sdelay $0x3  }
0xa5: {  	v3 =	vperm.xlane v3, v2  }
0xa6: {  	[tilespmem:s15], [sflag:$0x2] =	stream.indirect_vreg.gather [hbm4b:s3+s2], $0x80, v4, vm0, $0xb8;
	[tilespmem:$0x18100] =	vst v63  }
0xa7: {  	v3 =	vadd.s32 v1, v3  }
0xa8: {  	[tilespmem:s16], [sflag:$0x2] =	stream.indirect_vreg.gather [hbm4b:s6+s2], $0x80, v4, vm0, $0xb8;
	[tilespmem:$0x18100] =	vst v63  }
0xa9: {  	_ = 	snop  }
0xaa: {  	[tilespmem:s17], [sflag:$0x2] =	stream.indirect_vreg.gather [hbm4b:s7+s2], $0x80, v4, vm0, $0xb8;
	[tilespmem:$0x18100] =	vst v63  }
0xab: {  	_ = 	snop  }
0xac: {  	[tilespmem:s18], [sflag:$0x2] =	stream.indirect_vreg.gather [hbm4b:s3+s2], $0x80, v3, vm0, $0xb8;
	[tilespmem:$0x18100] =	vst v63  }
0xad: {  	_ = 	snop  }
0xae: {  	[tilespmem:s19], [sflag:$0x2] =	stream.indirect_vreg.gather [hbm4b:s6+s2], $0x80, v3, vm0, $0xb8;
	[tilespmem:$0x18100] =	vst v63  }
0xaf: {  	_ = 	snop  }
0xb0: {  	[tilespmem:s20], [sflag:$0x2] =	stream.indirect_vreg.gather [hbm4b:s7+s2], $0x80, v3, vm0, $0xb8;
	[tilespmem:$0x18100] =	vst v63  }
0xb1: {  	_ =	swait.ge [sflag:s11], $0xC000  }
0xb2: {  	[sflag:s11] =	ssyncset.done $0x0  }
0xb3: {  	s28 =	simm.s32 $0x0;
	[sflag:s11] =	ssyncadd.s32 $0xFFFF4000  }
0xb4: {  	s23 =	smul.u32 $0x1800, s28;
	_ =	swait.ge [sflag:s12], $0xC000  }
0xb5: {  	s24 =	sand.u32 $0x380, s2;
	[sflag:s12] =	ssyncset.done $0x0  }
0xb6: {  	s23 =	sor.u32 s24, s23;
	[sflag:s12] =	ssyncadd.s32 $0xFFFF4000  }
0xb7: {  	v12 =	vld [tilespmem:s23+$0xC100]  }
0xb8: {  	v13 =	vld [tilespmem:s23+$0xC110]  }
0xb9: {  	v14 =	vld [tilespmem:s23+$0xC120]  }
0xba: {  	v15 =	vld [tilespmem:s23+$0xC130]  }
0xbb: {  	v16 =	vld [tilespmem:s23+$0xC140]  }
0xbc: {  	v17 =	vld [tilespmem:s23+$0xC150]  }
0xbd: {  	v18 =	vld [tilespmem:s23+$0xC160]  }
0xbe: {  	v19 =	vld [tilespmem:s23+$0xC170]  }
0xbf: {  	v20 =	vld [tilespmem:s23+$0xC500]  }
0xc0: {  	v21 =	vld [tilespmem:s23+$0xC510]  }
0xc1: {  	v22 =	vld [tilespmem:s23+$0xC520]  }
0xc2: {  	v23 =	vld [tilespmem:s23+$0xC530]  }
0xc3: {  	v24 =	vld [tilespmem:s23+$0xC540]  }
0xc4: {  	v25 =	vld [tilespmem:s23+$0xC550]  }
0xc5: {  	v26 =	vld [tilespmem:s23+$0xC560]  }
0xc6: {  	v27 =	vld [tilespmem:s23+$0xC570]  }
0xc7: {  	v28 =	vld [tilespmem:s23+$0xC900]  }
0xc8: {  	v29 =	vld [tilespmem:s23+$0xC910]  }
0xc9: {  	v30 =	vld [tilespmem:s23+$0xC920]  }
0xca: {  	v31 =	vld [tilespmem:s23+$0xC930]  }
0xcb: {  	v32 =	vld [tilespmem:s23+$0xC940]  }
0xcc: {  	v33 =	vld [tilespmem:s23+$0xC950]  }
0xcd: {  	v34 =	vld [tilespmem:s23+$0xC960]  }
0xce: {  	v35 =	vld [tilespmem:s23+$0xC970]  }
0xcf: {  	v36 =	vld [tilespmem:s23+$0xCD00]  }
0xd0: {  	v37 =	vld [tilespmem:s23+$0xCD10]  }
0xd1: {  	v38 =	vld [tilespmem:s23+$0xCD20]  }
0xd2: {  	v39 =	vld [tilespmem:s23+$0xCD30]  }
0xd3: {  	v40 =	vld [tilespmem:s23+$0xCD40]  }
0xd4: {  	v41 =	vld [tilespmem:s23+$0xCD50]  }
0xd5: {  	v42 =	vld [tilespmem:s23+$0xCD60]  }
0xd6: {  	v43 =	vld [tilespmem:s23+$0xCD70]  }
0xd7: {  	v44 =	vld [tilespmem:s23+$0xD100]  }
0xd8: {  	v45 =	vld [tilespmem:s23+$0xD110]  }
0xd9: {  	v46 =	vld [tilespmem:s23+$0xD120]  }
0xda: {  	v47 =	vld [tilespmem:s23+$0xD130]  }
0xdb: {  	v48 =	vld [tilespmem:s23+$0xD140]  }
0xdc: {  	v49 =	vld [tilespmem:s23+$0xD150]  }
0xdd: {  	v50 =	vld [tilespmem:s23+$0xD160]  }
0xde: {  	v11 =	vld [tilespmem:s23+$0xD170]  }
0xdf: {  	v10 =	vld [tilespmem:s23+$0xD500]  }
0xe0: {  	v9 =	vld [tilespmem:s23+$0xD510]  }
0xe1: {  	v8 =	vld [tilespmem:s23+$0xD520]  }
0xe2: {  	v7 =	vld [tilespmem:s23+$0xD530]  }
0xe3: {  	v6 =	vld [tilespmem:s23+$0xD540]  }
0xe4: {  	v51 =	vld [tilespmem:s23+$0x100]  }
0xe5: {  	v52 =	vld [tilespmem:s23+$0x110]  }
0xe6: {  	v53 =	vld [tilespmem:s23+$0x120]  }
0xe7: {  	v54 =	vld [tilespmem:s23+$0x130]  }
0xe8: {  	v55 =	vld [tilespmem:s23+$0x140]  }
0xe9: {  	v62 =	vld [tilespmem:s23+$0x150];
	v12 =	vadd.f32 v12, v51  }
0xea: {  	v63 =	vld [tilespmem:s23+$0x160];
	v13 =	vadd.f32 v13, v52  }
0xeb: {  	[tilespmem:s23+$0x100] =	vst v12;
	v12 =	vadd.f32 v14, v53;
	v14 =	vld [tilespmem:s23+$0x170]  }
0xec: {  	[tilespmem:s23+$0x110] =	vst v13;
	v13 =	vadd.f32 v15, v54;
	v15 =	vld [tilespmem:s23+$0x500]  }
0xed: {  	[tilespmem:s23+$0x120] =	vst v12;
	v12 =	vadd.f32 v16, v55;
	v16 =	vld [tilespmem:s23+$0x510]  }
0xee: {  	[tilespmem:s23+$0x130] =	vst v13;
	v13 =	vadd.f32 v17, v62;
	v17 =	vld [tilespmem:s23+$0x520]  }
0xef: {  	v5 =	vld [tilespmem:s23+$0xD550]  }
0xf0: {  	[tilespmem:s23+$0x140] =	vst v12;
	v12 =	vadd.f32 v18, v63;
	v18 =	vld [tilespmem:s23+$0x570]  }
0xf1: {  	[tilespmem:s23+$0x150] =	vst v13;
	v13 =	vadd.f32 v19, v14;
	v14 =	vld [tilespmem:s23+$0x530]  }
0xf2: {  	[tilespmem:s23+$0x160] =	vst v12;
	v12 =	vadd.f32 v20, v15;
	v15 =	vld [tilespmem:s23+$0x540]  }
0xf3: {  	[tilespmem:s23+$0x170] =	vst v13;
	v13 =	vadd.f32 v21, v16;
	v16 =	vadd.f32 v22, v17;
	v17 =	vld [tilespmem:s23+$0x560]  }
0xf4: {  	[tilespmem:s23+$0x500] =	vst v12;
	v12 =	vld [tilespmem:s23+$0x550]  }
0xf5: {  	[tilespmem:s23+$0x510] =	vst v13;
	v13 =	vld [tilespmem:s23+$0x900];
	v18 =	vadd.f32 v27, v18  }
0xf6: {  	[tilespmem:s23+$0x520] =	vst v16;
	v16 =	vld [tilespmem:s23+$0x910];
	v14 =	vadd.f32 v23, v14  }
0xf7: {  	v4 =	vld [tilespmem:s23+$0xD560];
	v15 =	vadd.f32 v24, v15;
	[tilespmem:s23+$0x570] =	vst v18  }
0xf8: {  	[tilespmem:s23+$0x530] =	vst v14;
	v14 =	vld [tilespmem:s23+$0x920];
	v17 =	vadd.f32 v26, v17  }
0xf9: {  	v12 =	vadd.f32 v25, v12;
	[tilespmem:s23+$0x540] =	vst v15;
	v15 =	vld [tilespmem:s23+$0x930]  }
0xfa: {  	v18 =	vld [tilespmem:s23+$0x970];
	[tilespmem:s23+$0x560] =	vst v17;
	v13 =	vadd.f32 v28, v13  }
0xfb: {  	v16 =	vadd.f32 v29, v16;
	[tilespmem:s23+$0x550] =	vst v12;
	v12 =	vld [tilespmem:s23+$0x940]  }
0xfc: {  	v17 =	vld [tilespmem:s23+$0x950];
	[tilespmem:s23+$0x900] =	vst v13  }
0xfd: {  	[tilespmem:s23+$0x910] =	vst v16;
	v16 =	vld [tilespmem:s23+$0x960];
	v13 =	vadd.f32 v30, v14  }
0xfe: {  	v14 =	vld [tilespmem:s23+$0xD00];
	v15 =	vadd.f32 v31, v15  }
0xff: {  	[tilespmem:s23+$0x920] =	vst v13;
	v13 =	vld [tilespmem:s23+$0xD10]  }
0x100: {  	v12 =	vadd.f32 v32, v12;
	[tilespmem:s23+$0x930] =	vst v15;
	v15 =	vld [tilespmem:s23+$0xD20]  }
0x101: {  	v3 =	vld [tilespmem:s23+$0xD570];
	v17 =	vadd.f32 v33, v17  }
0x102: {  	v16 =	vadd.f32 v34, v16;
	[tilespmem:s23+$0x940] =	vst v12;
	v12 =	vld [tilespmem:s23+$0xD30]  }
0x103: {  	[tilespmem:s23+$0x950] =	vst v17;
	v17 =	vld [tilespmem:s23+$0xD40];
	v14 =	vadd.f32 v36, v14  }
0x104: {  	v18 =	vadd.f32 v35, v18;
	[tilespmem:s23+$0x960] =	vst v16;
	v16 =	vld [tilespmem:s23+$0xD50]  }
0x105: {  	v13 =	vadd.f32 v37, v13;
	[tilespmem:s23+$0xD00] =	vst v14;
	v14 =	vadd.f32 v38, v15;
	v15 =	vld [tilespmem:s23+$0xD60]  }
0x106: {  	[tilespmem:s23+$0x970] =	vst v18;
	v18 =	vld [tilespmem:s23+$0xD70]  }
0x107: {  	[tilespmem:s23+$0xD10] =	vst v13;
	v13 =	vld [tilespmem:s23+$0x1100];
	v12 =	vadd.f32 v39, v12  }
0x108: {  	v17 =	vadd.f32 v40, v17;
	[tilespmem:s23+$0xD20] =	vst v14;
	v14 =	vld [tilespmem:s23+$0x1110]  }
0x109: {  	v16 =	vadd.f32 v41, v16;
	[tilespmem:s23+$0xD30] =	vst v12;
	v12 =	vld [tilespmem:s23+$0x1120]  }
0x10a: {  	[tilespmem:s23+$0xD40] =	vst v17;
	v17 =	vld [tilespmem:s23+$0x1130];
	v15 =	vadd.f32 v42, v15  }
0x10b: {  	v19 =	vld [tilespmem:s23+$0x1140];
	[tilespmem:s23+$0xD50] =	vst v16;
	v16 =	vadd.f32 v43, v18  }
0x10c: {  	v18 =	vld [tilespmem:s23+$0x1150];
	v13 =	vadd.f32 v44, v13;
	[tilespmem:s23+$0xD60] =	vst v15  }
0x10d: {  	v20 =	vld [tilespmem:s23+$0x1160];
	[tilespmem:s23+$0xD70] =	vst v16;
	v14 =	vadd.f32 v45, v14  }
0x10e: {  	v16 =	vld [tilespmem:s23+$0x1170];
	[tilespmem:s23+$0x1100] =	vst v13;
	v12 =	vadd.f32 v46, v12  }
0x10f: {  	v15 =	vld [tilespmem:s23+$0x1500];
	v13 =	vadd.f32 v47, v17;
	[tilespmem:s23+$0x1110] =	vst v14  }
0x110: {  	v14 =	vld [tilespmem:s23+$0x1510];
	[tilespmem:s23+$0x1120] =	vst v12;
	v12 =	vadd.f32 v48, v19  }
0x111: {  	[tilespmem:s23+$0x1130] =	vst v13;
	v13 =	vld [tilespmem:s23+$0x1520];
	v18 =	vadd.f32 v49, v18  }
0x112: {  	s24 =	simm.s32 $0x1;
	s25 =	simm.s32 $0x0;
	v17 =	vadd.f32 v50, v20;
	[tilespmem:s23+$0x1140] =	vst v12;
	v12 =	vld [tilespmem:s23+$0x1530]  }
.LBB2_2:
0x113: {  	s26 =	sshrl.u32 s24, $0x3;
	p0 =	sne.s32 s24, $0x3F;
	[tilespmem:s23+$0x1150] =	vst v18;
	v11 =	vadd.f32 v11, v16;
	v16 =	vld [tilespmem:s23+$0x1540]  }
0x114: {  	s25 =	sadd.s32 $0x80, s25;
	s26 =	smul.u32 $0x1800, s26;
	[tilespmem:s23+$0x1160] =	vst v17;
	v10 =	vadd.f32 v10, v15;
	v15 =	vld [tilespmem:s23+$0x1550]  }
0x115: {  	s28 =	sand.u32 $0x380, s25;
	[tilespmem:s23+$0x1170] =	vst v11;
	v9 =	vadd.f32 v9, v14;
	v11 =	vld [tilespmem:s23+$0x1560]  }
0x116: {  	s26 =	sor.u32 s28, s26;
	[tilespmem:s23+$0x1500] =	vst v10;
	v8 =	vadd.f32 v8, v13;
	v10 =	vld [tilespmem:s23+$0x1570]  }
0x117: {  	v39 =	vld [tilespmem:s26+$0xC100];
	[tilespmem:s23+$0x1510] =	vst v9;
	v7 =	vadd.f32 v7, v12  }
0x118: {  	v40 =	vld [tilespmem:s26+$0xC110];
	[tilespmem:s23+$0x1520] =	vst v8;
	v6 =	vadd.f32 v6, v16  }
0x119: {  	v41 =	vld [tilespmem:s26+$0xC120];
	[tilespmem:s23+$0x1530] =	vst v7;
	v5 =	vadd.f32 v5, v15  }
0x11a: {  	v42 =	vld [tilespmem:s26+$0xC130];
	[tilespmem:s23+$0x1540] =	vst v6;
	v4 =	vadd.f32 v4, v11  }
0x11b: {  	v43 =	vld [tilespmem:s26+$0xC140];
	[tilespmem:s23+$0x1550] =	vst v5;
	v3 =	vadd.f32 v3, v10  }
0x11c: {  	v44 =	vld [tilespmem:s26+$0xC150];
	[tilespmem:s23+$0x1560] =	vst v4  }
0x11d: {  	v45 =	vld [tilespmem:s26+$0xC160];
	[tilespmem:s23+$0x1570] =	vst v3;
	s23 =	smov.u32 s26  }
0x11e: {  	v46 =	vld [tilespmem:s23+$0xC170]  }
0x11f: {  	v47 =	vld [tilespmem:s23+$0xC500]  }
0x120: {  	v48 =	vld [tilespmem:s23+$0xC510]  }
0x121: {  	v49 =	vld [tilespmem:s23+$0xC520]  }
0x122: {  	v50 =	vld [tilespmem:s23+$0xC530]  }
0x123: {  	v38 =	vld [tilespmem:s23+$0xC540]  }
0x124: {  	v37 =	vld [tilespmem:s23+$0xC550]  }
0x125: {  	v36 =	vld [tilespmem:s23+$0xC560]  }
0x126: {  	v35 =	vld [tilespmem:s23+$0xC570]  }
0x127: {  	v34 =	vld [tilespmem:s23+$0xC900]  }
0x128: {  	v33 =	vld [tilespmem:s23+$0xC910]  }
0x129: {  	v32 =	vld [tilespmem:s23+$0xC920]  }
0x12a: {  	v31 =	vld [tilespmem:s23+$0xC930]  }
0x12b: {  	v30 =	vld [tilespmem:s23+$0xC940]  }
0x12c: {  	v29 =	vld [tilespmem:s23+$0xC950]  }
0x12d: {  	v28 =	vld [tilespmem:s23+$0xC960]  }
0x12e: {  	v27 =	vld [tilespmem:s23+$0xC970]  }
0x12f: {  	v26 =	vld [tilespmem:s23+$0xCD00]  }
0x130: {  	v25 =	vld [tilespmem:s23+$0xCD10]  }
0x131: {  	v24 =	vld [tilespmem:s23+$0xCD20]  }
0x132: {  	v23 =	vld [tilespmem:s23+$0xCD30]  }
0x133: {  	v22 =	vld [tilespmem:s23+$0xCD40]  }
0x134: {  	v21 =	vld [tilespmem:s23+$0xCD50]  }
0x135: {  	v20 =	vld [tilespmem:s23+$0xCD60]  }
0x136: {  	v19 =	vld [tilespmem:s23+$0xCD70]  }
0x137: {  	v18 =	vld [tilespmem:s23+$0xD100]  }
0x138: {  	v17 =	vld [tilespmem:s23+$0xD110]  }
0x139: {  	v16 =	vld [tilespmem:s23+$0xD120]  }
0x13a: {  	v15 =	vld [tilespmem:s23+$0xD130]  }
0x13b: {  	v14 =	vld [tilespmem:s23+$0xD140]  }
0x13c: {  	v13 =	vld [tilespmem:s23+$0xD150]  }
0x13d: {  	v12 =	vld [tilespmem:s23+$0xD160]  }
0x13e: {  	v11 =	vld [tilespmem:s23+$0xD170]  }
0x13f: {  	v10 =	vld [tilespmem:s23+$0xD500]  }
0x140: {  	v9 =	vld [tilespmem:s23+$0xD510]  }
0x141: {  	v8 =	vld [tilespmem:s23+$0xD520]  }
0x142: {  	v7 =	vld [tilespmem:s23+$0xD530]  }
0x143: {  	v6 =	vld [tilespmem:s23+$0xD540]  }
0x144: {  	v5 =	vld [tilespmem:s23+$0xD550]  }
0x145: {  	v4 =	vld [tilespmem:s23+$0xD560]  }
0x146: {  	v3 =	vld [tilespmem:s23+$0xD570]  }
0x147: {  	v51 =	vld [tilespmem:s23+$0x100]  }
0x148: {  	v52 =	vld [tilespmem:s23+$0x110]  }
0x149: {  	v53 =	vld [tilespmem:s23+$0x120]  }
0x14a: {  	v54 =	vld [tilespmem:s23+$0x130]  }
0x14b: {  	v55 =	vld [tilespmem:s23+$0x140]  }
0x14c: {  	v39 =	vadd.f32 v39, v51;
	v51 =	vld [tilespmem:s23+$0x150]  }
0x14d: {  	v40 =	vadd.f32 v40, v52;
	v52 =	vld [tilespmem:s23+$0x160]  }
0x14e: {  	[tilespmem:s23+$0x100] =	vst v39;
	v39 =	vadd.f32 v41, v53;
	v41 =	vld [tilespmem:s23+$0x170]  }
0x14f: {  	[tilespmem:s23+$0x110] =	vst v40;
	v40 =	vadd.f32 v42, v54;
	v42 =	vld [tilespmem:s23+$0x500]  }
0x150: {  	[tilespmem:s23+$0x120] =	vst v39;
	v39 =	vadd.f32 v43, v55;
	v43 =	vld [tilespmem:s23+$0x510]  }
0x151: {  	[tilespmem:s23+$0x130] =	vst v40;
	v40 =	vadd.f32 v44, v51;
	v44 =	vld [tilespmem:s23+$0x520]  }
0x152: {  	[tilespmem:s23+$0x140] =	vst v39;
	v39 =	vadd.f32 v45, v52;
	v45 =	vld [tilespmem:s23+$0x530]  }
0x153: {  	[tilespmem:s23+$0x150] =	vst v40;
	v40 =	vadd.f32 v46, v41;
	v41 =	vld [tilespmem:s23+$0x540]  }
0x154: {  	[tilespmem:s23+$0x160] =	vst v39;
	v39 =	vadd.f32 v47, v42;
	v42 =	vld [tilespmem:s23+$0x550]  }
0x155: {  	[tilespmem:s23+$0x170] =	vst v40;
	v40 =	vadd.f32 v48, v43;
	v43 =	vld [tilespmem:s23+$0x560]  }
0x156: {  	[tilespmem:s23+$0x500] =	vst v39;
	v39 =	vadd.f32 v49, v44;
	v44 =	vld [tilespmem:s23+$0x570]  }
0x157: {  	[tilespmem:s23+$0x510] =	vst v40;
	v40 =	vadd.f32 v50, v45;
	v45 =	vld [tilespmem:s23+$0x900]  }
0x158: {  	[tilespmem:s23+$0x520] =	vst v39;
	v38 =	vadd.f32 v38, v41;
	v39 =	vld [tilespmem:s23+$0x910]  }
0x159: {  	[tilespmem:s23+$0x530] =	vst v40;
	v37 =	vadd.f32 v37, v42;
	v40 =	vld [tilespmem:s23+$0x920]  }
0x15a: {  	[tilespmem:s23+$0x540] =	vst v38;
	v36 =	vadd.f32 v36, v43;
	v38 =	vld [tilespmem:s23+$0x930]  }
0x15b: {  	[tilespmem:s23+$0x550] =	vst v37;
	v35 =	vadd.f32 v35, v44;
	v37 =	vld [tilespmem:s23+$0x940]  }
0x15c: {  	[tilespmem:s23+$0x560] =	vst v36;
	v34 =	vadd.f32 v34, v45;
	v36 =	vld [tilespmem:s23+$0x950]  }
0x15d: {  	[tilespmem:s23+$0x570] =	vst v35;
	v33 =	vadd.f32 v33, v39;
	v35 =	vld [tilespmem:s23+$0x960]  }
0x15e: {  	[tilespmem:s23+$0x900] =	vst v34;
	v32 =	vadd.f32 v32, v40;
	v34 =	vld [tilespmem:s23+$0x970]  }
0x15f: {  	[tilespmem:s23+$0x910] =	vst v33;
	v31 =	vadd.f32 v31, v38;
	v33 =	vld [tilespmem:s23+$0xD00]  }
0x160: {  	[tilespmem:s23+$0x920] =	vst v32;
	v30 =	vadd.f32 v30, v37;
	v32 =	vld [tilespmem:s23+$0xD10]  }
0x161: {  	[tilespmem:s23+$0x930] =	vst v31;
	v29 =	vadd.f32 v29, v36;
	v31 =	vld [tilespmem:s23+$0xD20]  }
0x162: {  	[tilespmem:s23+$0x940] =	vst v30;
	v28 =	vadd.f32 v28, v35;
	v30 =	vld [tilespmem:s23+$0xD30]  }
0x163: {  	[tilespmem:s23+$0x950] =	vst v29;
	v27 =	vadd.f32 v27, v34;
	v29 =	vld [tilespmem:s23+$0xD40]  }
0x164: {  	[tilespmem:s23+$0x960] =	vst v28;
	v26 =	vadd.f32 v26, v33;
	v28 =	vld [tilespmem:s23+$0xD50]  }
0x165: {  	[tilespmem:s23+$0x970] =	vst v27;
	v25 =	vadd.f32 v25, v32;
	v27 =	vld [tilespmem:s23+$0xD60]  }
0x166: {  	[tilespmem:s23+$0xD00] =	vst v26;
	v24 =	vadd.f32 v24, v31;
	v26 =	vld [tilespmem:s23+$0xD70]  }
0x167: {  	[tilespmem:s23+$0xD10] =	vst v25;
	v23 =	vadd.f32 v23, v30;
	v25 =	vld [tilespmem:s23+$0x1100]  }
0x168: {  	[tilespmem:s23+$0xD20] =	vst v24;
	v22 =	vadd.f32 v22, v29;
	v24 =	vld [tilespmem:s23+$0x1110]  }
0x169: {  	[tilespmem:s23+$0xD30] =	vst v23;
	v21 =	vadd.f32 v21, v28;
	v23 =	vld [tilespmem:s23+$0x1120]  }
0x16a: {  	[tilespmem:s23+$0xD40] =	vst v22;
	v20 =	vadd.f32 v20, v27;
	v22 =	vld [tilespmem:s23+$0x1130]  }
0x16b: {  	[tilespmem:s23+$0xD50] =	vst v21;
	v19 =	vadd.f32 v19, v26;
	v21 =	vld [tilespmem:s23+$0x1140]  }
0x16c: {  	[tilespmem:s23+$0xD60] =	vst v20;
	v18 =	vadd.f32 v18, v25;
	v20 =	vld [tilespmem:s23+$0x1150]  }
0x16d: {  	[tilespmem:s23+$0xD70] =	vst v19;
	v17 =	vadd.f32 v17, v24;
	v19 =	vld [tilespmem:s23+$0x1160]  }
.Ltmp0:
0x16e: {  	[tilespmem:s23+$0x1100] =	vst v18;
	v18 =	vadd.f32 v16, v23;
	v16 =	vld [tilespmem:s23+$0x1170];
	(pc) =	sbr.rel @p0 .LBB2_2-.Ltmp0, $4  }
0x16f: {  	[tilespmem:s23+$0x1110] =	vst v17;
	v17 =	vadd.f32 v15, v22;
	v15 =	vld [tilespmem:s23+$0x1500]  }
0x170: {  	[tilespmem:s23+$0x1120] =	vst v18;
	v21 =	vadd.f32 v14, v21;
	v14 =	vld [tilespmem:s23+$0x1510]  }
0x171: {  	[tilespmem:s23+$0x1130] =	vst v17;
	v18 =	vadd.f32 v13, v20;
	v13 =	vld [tilespmem:s23+$0x1520]  }
0x172: {  	s24 =	sadd.s32 $0x1, s24;
	[tilespmem:s23+$0x1140] =	vst v21;
	v17 =	vadd.f32 v12, v19;
	v12 =	vld [tilespmem:s23+$0x1530]  }
0x173: {  	[tilespmem:s23+$0x1150] =	vst v18;
	v60 =	vld [tilespmem:s23+$0x1540];
	v11 =	vadd.f32 v11, v16  }
0x174: {  	v61 =	vld [tilespmem:s23+$0x1550];
	[tilespmem:s23+$0x1160] =	vst v17;
	v10 =	vadd.f32 v10, v15  }
0x175: {  	v62 =	vld [tilespmem:s23+$0x1560];
	[tilespmem:s23+$0x1170] =	vst v11;
	v9 =	vadd.f32 v9, v14  }
0x176: {  	v63 =	vld [tilespmem:s23+$0x1570];
	[tilespmem:s23+$0x1500] =	vst v10;
	v8 =	vadd.f32 v8, v13  }
0x177: {  	[tilespmem:s23+$0x1510] =	vst v9;
	v7 =	vadd.f32 v7, v12  }
0x178: {  	[tilespmem:s23+$0x1520] =	vst v8;
	v6 =	vadd.f32 v6, v60  }
0x179: {  	v5 =	vadd.f32 v5, v61;
	[tilespmem:s23+$0x1530] =	vst v7  }
0x17a: {  	v4 =	vadd.f32 v4, v62;
	[tilespmem:s23+$0x1540] =	vst v6  }
0x17b: {  	s22 =	sadd.s32 $0x1, s22;
	v3 =	vadd.f32 v3, v63;
	[tilespmem:s23+$0x1550] =	vst v5  }
0x17c: {  	p0 =	sne.s32 s22, s9;
	[tilespmem:s23+$0x1560] =	vst v4  }
.Ltmp1:
0x17d: {  	[tilespmem:s23+$0x1570] =	vst v3;
	(pc) =	sbr.rel @p0 .LBB2_1-.Ltmp1, $4  }
0x17e: {  	[hbm4b:s8+s2] =	stream.linear.scatter [tilespmem:s13], [sflag:$0x3], $0xC000, $0x38;
	[tilespmem:$0x18100] =	vst v63  }
0x17f: {  	_ =	swait.ge [sflag:s21], $0xC000  }
0x180: {  	[sflag:s21] =	ssyncset.done $0x0  }
0x181: {  	[sflag:s21] =	ssyncadd.s32 $0xFFFF4000  }
0x182: {  	_ =	sfence.sel $0x180000  }
0x183: {  	[bflag:$0x0] =	sbarrier.arrive $0xFFFF  }
0x184: {  	_ =	strace $0x9000004A  }
0x185: {  	s0 =	stileid.u32;
	[bflag:$0x2] =	sbarrier.arrive $0xFFFF  }
0x186: {  	p0 =	sne.s32 s0, $0x0;
	s0 =	rddreg [dreg:$0x2]  }
0x187: {  	s0 =	sadd.s32 @!p0 $0x100000, s0  }
0x188: {  	[sflag:s0] =	ssyncadd.tile.s32 @!p0 $0x1;
	_ =	shalt  }
.Lfunc_end2:
_tile_overlayer_lowered:
.L_overlay_start_2:
0x189: {  	(tag) =	ssettag $0x2  }
0x18a: {  	s0 =	rddreg [dreg:$0x0];
	s2 =	stileid.u32  }
0x18b: {  	s1 =	rddreg [dreg:$0x1];
	p0 =	sne.s32 s2, $0x0  }
0x18c: {  	s3 =	rddreg [dreg:$0x2];
	[bflag:$0x3] =	sbarrier.arrive $0xFFFF;
	s2 =	simm.s32 @!p0 $0x1C03  }
0x18d: {  	[timem:s3], [sflag:s2] =	dma.local @!p0 [hbm:s0], s1  }
0x18e: {  	s0 =	simm.s32 @!p0 $0x3  }
0x18f: {  	_ =	swait.ge @!p0 [sflag:s0], s1  }
0x190: {  	s1 =	ssub.s32 @!p0 $0x0, s1;
	[sflag:s0] =	ssyncset.done @!p0 $0x0  }
0x191: {  	[sflag:s0] =	ssyncadd.s32 @!p0 s1  }
0x192: {  	[bflag:$0x3] =	sbarrier.arrive $0xFFFF  }
0x193: {  	_ =	shalt  }

</sc_bundles>
